<compile_context>
chip_gen: v7x
topology: tpu7x:2x2x1
jax: 0.10.2.dev20260603
libtpu: 0.0.44.dev20260713+nightly
codegen_flags: <defaults>
</compile_context>

<pallas_src>
import functools
import jax
import jax.numpy as jnp
from jax import lax
from jax.experimental import pallas as pl
from jax.experimental.pallas import tpu as pltpu
from jax.experimental.pallas import tpu_sc as plsc

N = 10000
E = 160000
D = 128
ED = 16
H = 4
C = 64
T = 8
GINE = 64
OUT = 128

NB = 1000
EB = 2000
ZW = D + GINE

BW = E // 32
BK = 1000
BG = 125
CT = E // 16
CK = 250
DK = 500
CG = 125

def _get_mesh():
    return plsc.VectorSubcoreMesh(core_axis_name="c", subcore_axis_name="s")


def _nodes_tc(x_ref, wg_ref, wa_ref, h_ref, xs_ref, asd_ref):
    xb = x_ref[...]
    r = jnp.dot(xb, wg_ref[...], preferred_element_type=jnp.float32)
    h_ref[0] = r[:, :D]
    h_ref[1] = r[:, D:]
    xs_ref[0] = xb[:, :GINE]
    xs_ref[1] = xb[:, GINE:]
    a = jnp.dot(xb, wa_ref[...], preferred_element_type=jnp.float32)
    asd_ref[...] = jnp.concatenate([a, jnp.zeros((NB, 2 * H), jnp.float32)], axis=1)


def _edges_tc(ea_ref, et_ref, wae_ref, wep_ref, elb_ref, ae_ref, ep_ref):
    tvals = jnp.arange(T, dtype=jnp.int32)[None, :].astype(jnp.float32)
    oh = (et_ref[...] == tvals).astype(jnp.float32)
    ea = jnp.concatenate([ea_ref[...], oh], axis=1)
    ae_ref[...] = jnp.dot(ea, wae_ref[...], preferred_element_type=jnp.float32)
    ep = jnp.dot(ea, wep_ref[...], preferred_element_type=jnp.float32) + elb_ref[...]
    ep_ref[0] = ep[:, :GINE]
    ep_ref[1] = ep[:, GINE:]


def _attn_sc(srcg_h, dstg_h, dst_h, asd_h, ae_h, ri_h,
             ex_h, dp_h,
             sidx, didx, dstv, sbuf, dbuf, aev, exv, dnv, idxm, acc, sem):
    c = lax.axis_index("c")
    s = lax.axis_index("s")
    w = c * 16 + s
    lane = jnp.arange(16, dtype=jnp.int32)
    e8l = lane & 7
    hl = lane >> 3

    zv = jnp.zeros((16,), jnp.float32)

    def zinit(i, cy):
        dnv[i, pl.ds(0, 16)] = zv
        return cy

    lax.fori_loop(0, (N * H) // 16, zinit, 0)
    pltpu.sync_copy(ri_h, idxm)

    @pl.when(s == 0)
    def _():
        pltpu.sync_copy(dnv, acc)

    plsc.subcore_barrier()

    def chunk(j, carry):
        base = w * BW + j * BK
        rowb = w * (BW // BG) + j * (BK // BG)
        pltpu.sync_copy(srcg_h.at[pl.ds(rowb, BK // BG)], sidx)
        pltpu.sync_copy(dstg_h.at[pl.ds(rowb, BK // BG)], didx)
        gs = [pltpu.async_copy(asd_h.at[sidx.at[g]],
                               sbuf.at[pl.ds(g * BG, BG)], sem)
              for g in range(BK // BG)]
        gs += [pltpu.async_copy(asd_h.at[didx.at[g]],
                                dbuf.at[pl.ds(g * BG, BG)], sem)
               for g in range(BK // BG)]
        pltpu.sync_copy(dst_h.at[pl.ds(base, BK)], dstv)
        pltpu.sync_copy(ae_h.at[pl.ds(base, BK)], aev)
        for d in gs:
            d.wait()

        def vec(i, cy):
            e8 = i * 8 + e8l
            dstrep = plsc.load_gather(dstv, [e8])
            for hp in (0, 2):
                hvec = hp + hl
                vs = plsc.load_gather(sbuf, [e8, hvec])
                vd = plsc.load_gather(dbuf, [e8, hvec + 4])
                ve = plsc.load_gather(aev, [e8, hvec])
                l = vs + vd + ve
                l = jnp.maximum(l, 0.2 * l)
                xv = jnp.exp(l)
                plsc.store_scatter(exv, [e8, hvec], xv)
                fl = dstrep * 4 + hvec
                plsc.addupdate_scatter(dnv, [fl >> 4, fl & 15], xv)
            return cy

        lax.fori_loop(0, BK // 8, vec, 0)
        pltpu.sync_copy(exv, ex_h.at[pl.ds(base, BK)])
        return carry

    lax.fori_loop(0, BW // BK, chunk, 0)
    ms = [pltpu.async_copy(dnv.at[pl.ds(g * BG, BG)], acc.at[idxm.at[g]],
                           sem, add=True) for g in range((N * H // 16) // BG)]
    for d in ms:
        d.wait()
    plsc.subcore_barrier()

    @pl.when(s == 0)
    def _():
        pltpu.sync_copy(acc, dp_h.at[c])


def _gat_sc(srcs_h, dstg_h, h_h, ex_h, zz_h,
            numer_h,
            idxs, idxd, buf, exv, acc, sem, sem2):
    c = lax.axis_index("c")
    s = lax.axis_index("s")
    twoc = 2 * c

    pltpu.sync_copy(zz_h, acc.at[pl.ds(s * (N // 16), N // 16)])
    plsc.subcore_barrier()

    def chunk(j, carry):
        base = s * CT + j * CK
        rowb = s * (CT // CG) + j * (CK // CG)
        pltpu.sync_copy(srcs_h.at[c, pl.ds(rowb, CK // CG)], idxs)
        pltpu.sync_copy(dstg_h.at[pl.ds(rowb, CK // CG)], idxd)
        gs = [pltpu.async_copy(h_h.at[idxs.at[g]], buf.at[pl.ds(g * CG, CG)], sem)
              for g in range(CK // CG)]
        pltpu.sync_copy(ex_h.at[pl.ds(base * H, CK * H)], exv)
        for d in gs:
            d.wait()

        def edge(e, cy):
            i0 = jnp.full((16,), 4 * e, dtype=jnp.int32) + twoc
            a0 = plsc.load_gather(exv, [i0])
            a1 = plsc.load_gather(exv, [i0 + 1])
            for q in range(4):
                sl = pl.ds(q * 16, 16)
                buf[e, sl] = buf[e, sl] * a0
            for q in range(4):
                sl = pl.ds(64 + q * 16, 16)
                buf[e, sl] = buf[e, sl] * a1
            return cy

        lax.fori_loop(0, CK, edge, 0)
        ss = [pltpu.async_copy(buf.at[pl.ds(g * CG, CG)], acc.at[idxd.at[g]],
                               sem2, add=True) for g in range(CK // CG)]
        for d in ss:
            d.wait()
        return carry

    lax.fori_loop(0, CT // CK, chunk, 0)
    plsc.subcore_barrier()

    @pl.when(s == 0)
    def _():
        pltpu.sync_copy(acc, numer_h.at[c])


def _gine_sc(srcs_h, dstg_h, xs_h, ep_h, zz_h,
             agg_h,
             idxs, idxd, buf, epv, acc, sem, sem2):
    c = lax.axis_index("c")
    s = lax.axis_index("s")

    pltpu.sync_copy(zz_h, acc.at[pl.ds(s * (N // 16), N // 16)])
    plsc.subcore_barrier()

    def chunk(j, carry):
        base = s * CT + j * DK
        rowb = s * (CT // CG) + j * (DK // CG)
        pltpu.sync_copy(srcs_h.at[c, pl.ds(rowb, DK // CG)], idxs)
        pltpu.sync_copy(dstg_h.at[pl.ds(rowb, DK // CG)], idxd)
        gs = [pltpu.async_copy(xs_h.at[idxs.at[g]], buf.at[pl.ds(g * CG, CG)], sem)
              for g in range(DK // CG)]
        pltpu.sync_copy(ep_h.at[c, pl.ds(base, DK)], epv)
        for d in gs:
            d.wait()

        def edge(e, cy):
            for q in range(4):
                sl = pl.ds(q * 16, 16)
                buf[e, sl] = jnp.maximum(buf[e, sl] + epv[e, sl], 0.0)
            return cy

        lax.fori_loop(0, DK, edge, 0)
        ss = [pltpu.async_copy(buf.at[pl.ds(g * CG, CG)], acc.at[idxd.at[g]],
                               sem2, add=True) for g in range(DK // CG)]
        for d in ss:
            d.wait()
        return carry

    lax.fori_loop(0, CT // DK, chunk, 0)
    plsc.subcore_barrier()

    @pl.when(s == 0)
    def _():
        pltpu.sync_copy(acc, agg_h.at[c])


def _final_tc(num_ref, dp_ref, agg_ref, x_ref, w1_ref, b1_ref, w2_ref, b2_ref,
              cwg0_ref, cwg1_ref, cwi_ref, cb_ref, lng_ref, lnb_ref, o_ref):
    d = dp_ref[0] + dp_ref[1] + 1e-16
    dd0 = jnp.concatenate([jnp.broadcast_to(d[:, 0:1], (NB, C)),
                           jnp.broadcast_to(d[:, 1:2], (NB, C))], axis=1)
    dd1 = jnp.concatenate([jnp.broadcast_to(d[:, 2:3], (NB, C)),
                           jnp.broadcast_to(d[:, 3:4], (NB, C))], axis=1)
    g0 = num_ref[0] / dd0
    g1 = num_ref[1] / dd1
    hg = x_ref[...] + jnp.concatenate([agg_ref[0], agg_ref[1]], axis=1)
    m1 = jnp.maximum(jnp.dot(hg, w1_ref[...], preferred_element_type=jnp.float32)
                     + b1_ref[...], 0.0)
    gi = jnp.dot(m1, w2_ref[...], preferred_element_type=jnp.float32) + b2_ref[...]
    z = (jnp.dot(g0, cwg0_ref[...], preferred_element_type=jnp.float32)
         + jnp.dot(g1, cwg1_ref[...], preferred_element_type=jnp.float32)
         + jnp.dot(gi, cwi_ref[...], preferred_element_type=jnp.float32)
         + cb_ref[...])
    mu = jnp.mean(z, axis=1, keepdims=True)
    zc = z - mu
    var = jnp.mean(zc * zc, axis=1, keepdims=True)
    zn = zc * jax.lax.rsqrt(var + 1e-5) * lng_ref[...] + lnb_ref[...]
    o_ref[...] = jnp.maximum(zn, 0.0)


def kernel(x, edge_index, edge_attr, edge_types, type_emb_gat, W_gat, W_edge_gat,
           att_src, att_dst, att_edge, bias_gat, type_emb_gine, edge_lin_w,
           edge_lin_b, mlp_w1, mlp_b1, mlp_w2, mlp_b2, comb_w, comb_b,
           ln_gamma, ln_beta):
    f32 = jnp.float32
    src = edge_index[0].astype(jnp.int32)
    dst = edge_index[1].astype(jnp.int32)
    et = edge_types.astype(jnp.int32)

    wg3 = W_gat.reshape(D, H, C)
    we3 = W_edge_gat.reshape(ED, H, C)
    Was = jnp.einsum('dhc,hc->dh', wg3, att_src)
    Wad = jnp.einsum('dhc,hc->dh', wg3, att_dst)
    Wae = jnp.einsum('dhc,hc->dh', we3, att_edge)
    WA = jnp.concatenate([Was, Wad], axis=1)
    tA = type_emb_gat @ Wae
    tG = type_emb_gine @ edge_lin_w
    Wae_ext = jnp.concatenate([Wae, tA], axis=0)
    Wep_ext = jnp.concatenate([edge_lin_w, tG], axis=0)
    cb_eff = (comb_b + bias_gat @ comb_w[:H * C]).reshape(1, OUT)

    etf = et.astype(f32).reshape(E, 1)

    srcs = jnp.stack([src, src + N]).reshape(2, E // CG, CG)
    srcg125 = src.reshape(E // BG, BG)
    dstg125 = dst.reshape(E // BG, BG)
    rowiota = jnp.arange(N * H // 16, dtype=jnp.int32).reshape(-1, BG)

    z128 = jnp.zeros((N // 16, D), f32)
    z64 = jnp.zeros((N // 16, GINE), f32)

    h2, xs, asd = pl.pallas_call(
        _nodes_tc,
        grid=(N // NB,),
        in_specs=[
            pl.BlockSpec((NB, D), lambda i: (i, 0)),
            pl.BlockSpec((D, H * C), lambda i: (0, 0)),
            pl.BlockSpec((D, 2 * H), lambda i: (0, 0)),
        ],
        out_specs=[
            pl.BlockSpec((2, NB, D), lambda i: (0, i, 0)),
            pl.BlockSpec((2, NB, GINE), lambda i: (0, i, 0)),
            pl.BlockSpec((NB, 4 * H), lambda i: (i, 0)),
        ],
        out_shape=[
            jax.ShapeDtypeStruct((2, N, D), f32),
            jax.ShapeDtypeStruct((2, N, GINE), f32),
            jax.ShapeDtypeStruct((N, 4 * H), f32),
        ],
    )(x, W_gat, WA)
    h2f = h2.reshape(2 * N, D)
    xsf = xs.reshape(2 * N, GINE)

    ae, ep2 = pl.pallas_call(
        _edges_tc,
        grid=(E // EB,),
        in_specs=[
            pl.BlockSpec((EB, ED), lambda i: (i, 0)),
            pl.BlockSpec((EB, 1), lambda i: (i, 0)),
            pl.BlockSpec((ED + T, H), lambda i: (0, 0)),
            pl.BlockSpec((ED + T, D), lambda i: (0, 0)),
            pl.BlockSpec((1, D), lambda i: (0, 0)),
        ],
        out_specs=[
            pl.BlockSpec((EB, H), lambda i: (i, 0)),
            pl.BlockSpec((2, EB, GINE), lambda i: (0, i, 0)),
        ],
        out_shape=[
            jax.ShapeDtypeStruct((E, H), f32),
            jax.ShapeDtypeStruct((2, E, GINE), f32),
        ],
    )(edge_attr, etf, Wae_ext, Wep_ext, edge_lin_b.reshape(1, D))

    ex, dp = pl.kernel(
        _attn_sc,
        out_type=[
            jax.ShapeDtypeStruct((E, H), f32),
            jax.ShapeDtypeStruct((2, N * H // 16, 16), f32),
        ],
        mesh=_get_mesh(),
        compiler_params=pltpu.CompilerParams(needs_layout_passes=False, use_tc_tiling_on_sc=False),
        scratch_types=[
            pltpu.VMEM((BK // BG, BG), jnp.int32),
            pltpu.VMEM((BK // BG, BG), jnp.int32),
            pltpu.VMEM((BK,), jnp.int32),
            pltpu.VMEM((BK, 4 * H), f32),
            pltpu.VMEM((BK, 4 * H), f32),
            pltpu.VMEM((BK, H), f32),
            pltpu.VMEM((BK, H), f32),
            pltpu.VMEM((N * H // 16, 16), f32),
            pltpu.VMEM(((N * H // 16) // BG, BG), jnp.int32),
            pltpu.VMEM_SHARED((N * H // 16, 16), f32),
            pltpu.SemaphoreType.DMA,
        ],
    )(srcg125, dstg125, dst, asd, ae, rowiota)
    dp = dp.reshape(2, N, H)

    numer = pl.kernel(
        _gat_sc,
        out_type=jax.ShapeDtypeStruct((2, N, D), f32),
        mesh=_get_mesh(),
        compiler_params=pltpu.CompilerParams(needs_layout_passes=False, use_tc_tiling_on_sc=False),
        scratch_types=[
            pltpu.VMEM((CK // CG, CG), jnp.int32),
            pltpu.VMEM((CK // CG, CG), jnp.int32),
            pltpu.VMEM((CK, D), f32),
            pltpu.VMEM((CK * H,), f32),
            pltpu.VMEM_SHARED((N, D), f32),
            pltpu.SemaphoreType.DMA,
            pltpu.SemaphoreType.DMA,
        ],
    )(srcs, dstg125, h2f, ex.reshape(E * H), z128)

    agg = pl.kernel(
        _gine_sc,
        out_type=jax.ShapeDtypeStruct((2, N, GINE), f32),
        mesh=_get_mesh(),
        compiler_params=pltpu.CompilerParams(needs_layout_passes=False, use_tc_tiling_on_sc=False),
        scratch_types=[
            pltpu.VMEM((DK // CG, CG), jnp.int32),
            pltpu.VMEM((DK // CG, CG), jnp.int32),
            pltpu.VMEM((DK, GINE), f32),
            pltpu.VMEM((DK, GINE), f32),
            pltpu.VMEM_SHARED((N, GINE), f32),
            pltpu.SemaphoreType.DMA,
            pltpu.SemaphoreType.DMA,
        ],
    )(srcs, dstg125, xsf, ep2, z64)

    out = pl.pallas_call(
        _final_tc,
        grid=(N // NB,),
        in_specs=[
            pl.BlockSpec((2, NB, D), lambda i: (0, i, 0)),
            pl.BlockSpec((2, NB, H), lambda i: (0, i, 0)),
            pl.BlockSpec((2, NB, GINE), lambda i: (0, i, 0)),
            pl.BlockSpec((NB, D), lambda i: (i, 0)),
            pl.BlockSpec((D, GINE), lambda i: (0, 0)),
            pl.BlockSpec((1, GINE), lambda i: (0, 0)),
            pl.BlockSpec((GINE, GINE), lambda i: (0, 0)),
            pl.BlockSpec((1, GINE), lambda i: (0, 0)),
            pl.BlockSpec((D, OUT), lambda i: (0, 0)),
            pl.BlockSpec((D, OUT), lambda i: (0, 0)),
            pl.BlockSpec((GINE, OUT), lambda i: (0, 0)),
            pl.BlockSpec((1, OUT), lambda i: (0, 0)),
            pl.BlockSpec((1, OUT), lambda i: (0, 0)),
            pl.BlockSpec((1, OUT), lambda i: (0, 0)),
        ],
        out_specs=pl.BlockSpec((NB, OUT), lambda i: (i, 0)),
        out_shape=jax.ShapeDtypeStruct((N, OUT), f32),
    )(numer, dp, agg, x, mlp_w1, mlp_b1.reshape(1, GINE), mlp_w2,
      mlp_b2.reshape(1, GINE), comb_w[:D], comb_w[D:2 * D], comb_w[2 * D:],
      cb_eff, ln_gamma.reshape(1, OUT), ln_beta.reshape(1, OUT))
    return out

# --- scband reference (transcript-rebuilt; emitter-appended) ---
"""Pipeline reference for scband-hybrid-gnnlayer-17506286698856 (READ-ONLY COPY).

The authoritative reference and input builder live on the scoring server;
editing this copy changes nothing except your own understanding.
"""

import jax, jax.numpy as jnp
import numpy as np

N = 10000
E = 160000
D = 128
ED = 16
H = 4
C = 64
T = 8
GINE = 64
OUT = 128


def _forward(x, edge_attr, type_emb_gat, W_gat, W_edge_gat, att_src, att_dst, att_edge, bias_gat,
             type_emb_gine, edge_lin_w, edge_lin_b, mlp_w1, mlp_b1, mlp_w2, mlp_b2,
             comb_w, comb_b, ln_gamma, ln_beta, edge_index, edge_types):
    src = edge_index[0]
    dst = edge_index[1]
    n = x.shape[0]
    # --- GAT branch (edge-featured multi-head attention, concat heads) ---
    h = (x @ W_gat).reshape(n, H, C)
    e_gat = edge_attr + type_emb_gat[edge_types]
    he = (e_gat @ W_edge_gat).reshape(-1, H, C)
    a_src = jnp.sum(h * att_src[None, :, :], axis=-1)
    a_dst = jnp.sum(h * att_dst[None, :, :], axis=-1)
    a_edge = jnp.sum(he * att_edge[None, :, :], axis=-1)
    logits = jax.nn.leaky_relu(a_src[src] + a_dst[dst] + a_edge, 0.2)
    m = jax.ops.segment_max(logits, dst, num_segments=n)
    m = jnp.where(jnp.isfinite(m), m, 0.0)
    ex = jnp.exp(logits - m[dst])
    denom = jax.ops.segment_sum(ex, dst, num_segments=n)
    alpha = ex / (denom[dst] + 1e-16)
    msg = h[src] * alpha[:, :, None]
    gat_out = jax.ops.segment_sum(msg, dst, num_segments=n).reshape(n, H * C) + bias_gat
    # --- GINE branch (eps = 0) ---
    e_gine = edge_attr + type_emb_gine[edge_types]
    ep = e_gine @ edge_lin_w + edge_lin_b
    gmsg = jax.nn.relu(x[src] + ep)
    agg = jax.ops.segment_sum(gmsg, dst, num_segments=n)
    h_gine = x + agg
    gine_out = jax.nn.relu(h_gine @ mlp_w1 + mlp_b1) @ mlp_w2 + mlp_b2
    # --- combination: Linear -> LayerNorm -> ReLU ---
    combined = jnp.concatenate([gat_out, gine_out], axis=-1)
    z = combined @ comb_w + comb_b
    mu = jnp.mean(z, axis=-1, keepdims=True)
    var = jnp.var(z, axis=-1, keepdims=True)
    z = (z - mu) / jnp.sqrt(var + 1e-5) * ln_gamma + ln_beta
    return jax.nn.relu(z)


def setup_inputs(seed: int = 0) -> dict:
    key = jax.random.key(seed)
    ks = jax.random.split(key, 24)
    x = jax.random.normal(ks[0], (N, D), jnp.float32)
    edge_index = jax.random.randint(ks[1], (2, E), 0, N)
    edge_attr = jax.random.normal(ks[2], (E, ED), jnp.float32)
    edge_types = jax.random.randint(ks[3], (E,), 0, T)
    s_d = 1.0 / np.sqrt(D)
    s_e = 1.0 / np.sqrt(ED)
    s_c = 1.0 / np.sqrt(C)
    s_comb = 1.0 / np.sqrt(H * C + GINE)
    type_emb_gat = jax.random.normal(ks[4], (T, ED), jnp.float32) * 0.1
    W_gat = jax.random.normal(ks[5], (D, H * C), jnp.float32) * s_d
    W_edge_gat = jax.random.normal(ks[6], (ED, H * C), jnp.float32) * s_e
    att_src = jax.random.normal(ks[7], (H, C), jnp.float32) * s_c
    att_dst = jax.random.normal(ks[8], (H, C), jnp.float32) * s_c
    att_edge = jax.random.normal(ks[9], (H, C), jnp.float32) * s_c
    bias_gat = jnp.zeros((H * C,), jnp.float32)
    type_emb_gine = jax.random.normal(ks[10], (T, ED), jnp.float32) * 0.1
    edge_lin_w = jax.random.normal(ks[11], (ED, D), jnp.float32) * s_e
    edge_lin_b = jnp.zeros((D,), jnp.float32)
    mlp_w1 = jax.random.normal(ks[12], (D, GINE), jnp.float32) * s_d
    mlp_b1 = jnp.zeros((GINE,), jnp.float32)
    mlp_w2 = jax.random.normal(ks[13], (GINE, GINE), jnp.float32) * s_c
    mlp_b2 = jnp.zeros((GINE,), jnp.float32)
    comb_w = jax.random.normal(ks[14], (H * C + GINE, OUT), jnp.float32) * s_comb
    comb_b = jnp.zeros((OUT,), jnp.float32)
    ln_gamma = jnp.ones((OUT,), jnp.float32)
    ln_beta = jnp.zeros((OUT,), jnp.float32)
    return {
        "x": x, "edge_index": edge_index, "edge_attr": edge_attr, "edge_types": edge_types,
        "type_emb_gat": type_emb_gat, "W_gat": W_gat, "W_edge_gat": W_edge_gat,
        "att_src": att_src, "att_dst": att_dst, "att_edge": att_edge, "bias_gat": bias_gat,
        "type_emb_gine": type_emb_gine, "edge_lin_w": edge_lin_w, "edge_lin_b": edge_lin_b,
        "mlp_w1": mlp_w1, "mlp_b1": mlp_b1, "mlp_w2": mlp_w2, "mlp_b2": mlp_b2,
        "comb_w": comb_w, "comb_b": comb_b, "ln_gamma": ln_gamma, "ln_beta": ln_beta,
    }


def reference(x, edge_index, edge_attr, edge_types, type_emb_gat, W_gat, W_edge_gat, att_src, att_dst,
              att_edge, bias_gat, type_emb_gine, edge_lin_w, edge_lin_b, mlp_w1, mlp_b1, mlp_w2, mlp_b2,
              comb_w, comb_b, ln_gamma, ln_beta):
    return _forward(x, edge_attr, type_emb_gat, W_gat, W_edge_gat, att_src, att_dst, att_edge, bias_gat,
                    type_emb_gine, edge_lin_w, edge_lin_b, mlp_w1, mlp_b1, mlp_w2, mlp_b2,
                    comb_w, comb_b, ln_gamma, ln_beta, edge_index, edge_types)

if __name__ == "__main__":
    import jax
    _d = setup_inputs()
    print(jax.jit(kernel)(*tuple(_d.values())))

</pallas_src>

<mosaic_0001>
#map = affine_map<(d0, d1) -> (0, 0)>
#map1 = affine_map<(d0, d1) -> (0)>
#map2 = affine_map<(d0, d1) -> (0, 0, 0)>
module attributes {stable_mosaic.version = 14 : i64} {
  func.func @_attn_sc(%arg0: i32, %arg1: i32, %arg2: memref<1280x125xi32, #tpu.memory_space<hbm>>, %arg3: memref<1280x125xi32, #tpu.memory_space<hbm>>, %arg4: memref<160000xi32, #tpu.memory_space<hbm>>, %arg5: memref<10000x16xf32, #tpu.memory_space<hbm>>, %arg6: memref<160000x4xf32, #tpu.memory_space<hbm>>, %arg7: memref<20x125xi32, #tpu.memory_space<hbm>>, %arg8: memref<160000x4xf32, #tpu.memory_space<hbm>>, %arg9: memref<2x2500x16xf32, #tpu.memory_space<hbm>>, %arg10: memref<8x125xi32, #tpu.memory_space<vmem>>, %arg11: memref<8x125xi32, #tpu.memory_space<vmem>>, %arg12: memref<1000xi32, #tpu.memory_space<vmem>>, %arg13: memref<1000x16xf32, #tpu.memory_space<vmem>>, %arg14: memref<1000x16xf32, #tpu.memory_space<vmem>>, %arg15: memref<1000x4xf32, #tpu.memory_space<vmem>>, %arg16: memref<1000x4xf32, #tpu.memory_space<vmem>>, %arg17: memref<2500x16xf32, #tpu.memory_space<vmem>>, %arg18: memref<20x125xi32, #tpu.memory_space<vmem>>, %arg19: memref<2500x16xf32, #tpu.memory_space<vmem_shared>>, %arg20: memref<!tpu.dma_semaphore, #tpu.memory_space<semaphore_mem>>) attributes {dimension_semantics = [#tpu.dimension_semantics<core_parallel>, #tpu.dimension_semantics<subcore_parallel>], iteration_bounds = array<i64: 2, 16>, scalar_prefetch = 0 : i64, scratch_operands = 11 : i64, tpu.core_type = #tpu.core_type<sc_vector_subcore>, window_params = [{transform_indices = #map}, {transform_indices = #map}, {transform_indices = #map1}, {transform_indices = #map}, {transform_indices = #map}, {transform_indices = #map}, {transform_indices = #map}, {transform_indices = #map2}]} {
    %mul3A = arith.constant 16 : i32
    %mul3A_0 = arith.muli %arg0, %mul3A : i32
    %add3A = arith.addi %mul3A_0, %arg1 : i32
    %iota3A = tpu.iota {dimensions = array<i32: 0>} : vector<16xi32>
    %and3A = arith.constant 7 : i32
    %and3A_1 = vector.broadcast %and3A : i32 to vector<16xi32>
    %and3A_2 = arith.andi %iota3A, %and3A_1 : vector<16xi32>
    %shift_right_arithmetic3A = arith.constant 3 : i32
    %shift_right_arithmetic3A_3 = vector.broadcast %shift_right_arithmetic3A : i32 to vector<16xi32>
    %shift_right_arithmetic3A_4 = arith.shrsi %iota3A, %shift_right_arithmetic3A_3 : vector<16xi32>
    %broadcast_in_dim3A = arith.constant 0.000000e+00 : f32
    %broadcast_in_dim3A_5 = vector.broadcast %broadcast_in_dim3A : f32 to vector<16xf32>
    %scan3A = arith.constant 0 : i32
    %scan3A_6 = arith.constant 0 : i32
    %scan3A_7 = arith.constant 2500 : i32
    %scan3A_8 = arith.addi %scan3A_6, %scan3A_7 : i32
    %scan3A_9 = arith.constant 1 : i32
    scf.for %scan3A_423 = %scan3A_6 to %scan3A_8 step %scan3A_9  : i32 {
      %swap3A = arith.index_cast %scan3A_423 : i32 to index
      %swap3A_424 = arith.constant 0 : index
      %swap3A_425 = tpu.vector_load %arg17[%swap3A, %swap3A_424] {strides = array<i32>} : memref<2500x16xf32, #tpu.memory_space<vmem>>, vector<16xf32>,
      tpu.vector_store %arg17[%swap3A, %swap3A_424], %broadcast_in_dim3A_5 {strides = array<i32>} : memref<2500x16xf32, #tpu.memory_space<vmem>>, vector<16xf32>,
    }
    %scan3A_10 = arith.constant 2500 : i32
    "tpu.region"() ({
      %run_scoped3A = tpu.sem_alloc : memref<!tpu.dma_semaphore, #tpu.memory_space<semaphore_mem>>
      tpu.enqueue_dma source(%arg7 : memref<20x125xi32, #tpu.memory_space<hbm>>) target(%arg18 : memref<20x125xi32, #tpu.memory_space<vmem>>) target_semaphore(%run_scoped3A : memref<!tpu.dma_semaphore, #tpu.memory_space<semaphore_mem>>)
      tpu.wait_dma2 semaphore(%run_scoped3A : memref<!tpu.dma_semaphore, #tpu.memory_space<semaphore_mem>>) src(%arg7 : memref<20x125xi32, #tpu.memory_space<hbm>>) dst(%arg18 : memref<20x125xi32, #tpu.memory_space<vmem>>)
      tpu.yield
    }) : () -> ()
    %eq3A = arith.constant 0 : i32
    %eq3A_11 = arith.cmpi eq, %arg1, %eq3A : i32
    %convert_element_type3A = arith.extui %eq3A_11 : i1 to i32
    %cond3A = arith.constant 0 : i32
    %cond3A_12 = arith.cmpi ne, %convert_element_type3A, %cond3A : i32
    scf.if %cond3A_12 {
      "tpu.region"() ({
        %run_scoped3A = tpu.sem_alloc : memref<!tpu.dma_semaphore, #tpu.memory_space<semaphore_mem>>
        tpu.enqueue_dma source(%arg17 : memref<2500x16xf32, #tpu.memory_space<vmem>>) target(%arg19 : memref<2500x16xf32, #tpu.memory_space<vmem_shared>>) target_semaphore(%run_scoped3A : memref<!tpu.dma_semaphore, #tpu.memory_space<semaphore_mem>>)
        tpu.wait_dma2 semaphore(%run_scoped3A : memref<!tpu.dma_semaphore, #tpu.memory_space<semaphore_mem>>) src(%arg17 : memref<2500x16xf32, #tpu.memory_space<vmem>>) dst(%arg19 : memref<2500x16xf32, #tpu.memory_space<vmem_shared>>)
        tpu.yield
      }) : () -> ()
    } else {
    }
    %barrier3A = arith.constant 0 : index
    tpu.barrier barrier_id(%barrier3A)
    %scan3A_13 = arith.constant 0 : i32
    %scan3A_14 = arith.constant 0 : i32
    %scan3A_15 = arith.constant 5 : i32
    %scan3A_16 = arith.addi %scan3A_14, %scan3A_15 : i32
    %scan3A_17 = arith.constant 1 : i32
    scf.for %scan3A_423 = %scan3A_14 to %scan3A_16 step %scan3A_17  : i32 {
      %mul3A_424 = arith.constant 5000 : i32
      %mul3A_425 = arith.muli %add3A, %mul3A_424 : i32
      %mul3A_426 = arith.constant 1000 : i32
      %mul3A_427 = arith.muli %scan3A_423, %mul3A_426 : i32
      %add3A_428 = arith.addi %mul3A_425, %mul3A_427 : i32
      %mul3A_429 = arith.constant 40 : i32
      %mul3A_430 = arith.muli %add3A, %mul3A_429 : i32
      %mul3A_431 = arith.constant 8 : i32
      %mul3A_432 = arith.muli %scan3A_423, %mul3A_431 : i32
      %add3A_433 = arith.addi %mul3A_430, %mul3A_432 : i32
      "tpu.region"() ({
        %run_scoped3A = tpu.sem_alloc : memref<!tpu.dma_semaphore, #tpu.memory_space<semaphore_mem>>
        %dma_start3A_760 = arith.constant 0 : i32
        %dma_start3A_761 = tpu.memref_slice %arg2[%add3A_433, %dma_start3A_760] : memref<1280x125xi32, #tpu.memory_space<hbm>> -> memref<8x125xi32, #tpu.memory_space<hbm>>
        %dma_start3A_762 = arith.constant 0 : i32
        %dma_start3A_763 = tpu.memref_slice %arg2[%add3A_433, %dma_start3A_762] : memref<1280x125xi32, #tpu.memory_space<hbm>> -> memref<8x125xi32, #tpu.memory_space<hbm>>
        tpu.enqueue_dma source(%dma_start3A_763 : memref<8x125xi32, #tpu.memory_space<hbm>>) target(%arg10 : memref<8x125xi32, #tpu.memory_space<vmem>>) target_semaphore(%run_scoped3A : memref<!tpu.dma_semaphore, #tpu.memory_space<semaphore_mem>>)
        %dma_wait3A_764 = arith.constant 0 : i32
        %dma_wait3A_765 = tpu.memref_slice %arg2[%add3A_433, %dma_wait3A_764] : memref<1280x125xi32, #tpu.memory_space<hbm>> -> memref<8x125xi32, #tpu.memory_space<hbm>>
        %dma_wait3A_766 = arith.constant 0 : i32
        %dma_wait3A_767 = tpu.memref_slice %arg2[%add3A_433, %dma_wait3A_766] : memref<1280x125xi32, #tpu.memory_space<hbm>> -> memref<8x125xi32, #tpu.memory_space<hbm>>
        tpu.wait_dma2 semaphore(%run_scoped3A : memref<!tpu.dma_semaphore, #tpu.memory_space<semaphore_mem>>) src(%dma_wait3A_767 : memref<8x125xi32, #tpu.memory_space<hbm>>) dst(%arg10 : memref<8x125xi32, #tpu.memory_space<vmem>>)
        tpu.yield
      }) : () -> ()
      "tpu.region"() ({
        %run_scoped3A = tpu.sem_alloc : memref<!tpu.dma_semaphore, #tpu.memory_space<semaphore_mem>>
        %dma_start3A_760 = arith.constant 0 : i32
        %dma_start3A_761 = tpu.memref_slice %arg3[%add3A_433, %dma_start3A_760] : memref<1280x125xi32, #tpu.memory_space<hbm>> -> memref<8x125xi32, #tpu.memory_space<hbm>>
        %dma_start3A_762 = arith.constant 0 : i32
        %dma_start3A_763 = tpu.memref_slice %arg3[%add3A_433, %dma_start3A_762] : memref<1280x125xi32, #tpu.memory_space<hbm>> -> memref<8x125xi32, #tpu.memory_space<hbm>>
        tpu.enqueue_dma source(%dma_start3A_763 : memref<8x125xi32, #tpu.memory_space<hbm>>) target(%arg11 : memref<8x125xi32, #tpu.memory_space<vmem>>) target_semaphore(%run_scoped3A : memref<!tpu.dma_semaphore, #tpu.memory_space<semaphore_mem>>)
        %dma_wait3A_764 = arith.constant 0 : i32
        %dma_wait3A_765 = tpu.memref_slice %arg3[%add3A_433, %dma_wait3A_764] : memref<1280x125xi32, #tpu.memory_space<hbm>> -> memref<8x125xi32, #tpu.memory_space<hbm>>
        %dma_wait3A_766 = arith.constant 0 : i32
        %dma_wait3A_767 = tpu.memref_slice %arg3[%add3A_433, %dma_wait3A_766] : memref<1280x125xi32, #tpu.memory_space<hbm>> -> memref<8x125xi32, #tpu.memory_space<hbm>>
        tpu.wait_dma2 semaphore(%run_scoped3A : memref<!tpu.dma_semaphore, #tpu.memory_space<semaphore_mem>>) src(%dma_wait3A_767 : memref<8x125xi32, #tpu.memory_space<hbm>>) dst(%arg11 : memref<8x125xi32, #tpu.memory_space<vmem>>)
        tpu.yield
      }) : () -> ()
      %dma_start3A_434 = arith.constant 0 : i32
      %dma_start3A_435 = arith.constant 0 : i32
      %dma_start3A_436 = arith.constant 0 : i32
      %dma_start3A_437 = tpu.memref_slice %arg13[%dma_start3A_435, %dma_start3A_436] : memref<1000x16xf32, #tpu.memory_space<vmem>> -> memref<125x16xf32, #tpu.memory_space<vmem>>
      %dma_start3A_438 = arith.constant 0 : i32
      %dma_start3A_439 = tpu.memref_slice %arg10[%dma_start3A_434, %dma_start3A_438] : memref<8x125xi32, #tpu.memory_space<vmem>> -> memref<1x125xi32, #tpu.memory_space<vmem>>
      %dma_start3A_440 = tpu.memref_squeeze %dma_start3A_439 : memref<1x125xi32, #tpu.memory_space<vmem>> -> memref<125xi32, #tpu.memory_space<vmem>>
      %dma_start3A_441 = arith.constant 0 : i32
      %dma_start3A_442 = arith.constant 0 : i32
      %dma_start3A_443 = tpu.memref_slice %arg5[%dma_start3A_441, %dma_start3A_442] : memref<10000x16xf32, #tpu.memory_space<hbm>> -> memref<10000x16xf32, #tpu.memory_space<hbm>>
      tpu.enqueue_indirect_dma source(%dma_start3A_443 : memref<10000x16xf32, #tpu.memory_space<hbm>>) target(%dma_start3A_437 : memref<125x16xf32, #tpu.memory_space<vmem>>) offsets(%dma_start3A_440 : memref<125xi32, #tpu.memory_space<vmem>>) semaphore(%arg20 : memref<!tpu.dma_semaphore, #tpu.memory_space<semaphore_mem>>)
      %dma_start3A_444 = arith.constant 1 : i32
      %dma_start3A_445 = arith.constant 125 : i32
      %dma_start3A_446 = arith.constant 0 : i32
      %dma_start3A_447 = tpu.memref_slice %arg13[%dma_start3A_445, %dma_start3A_446] : memref<1000x16xf32, #tpu.memory_space<vmem>> -> memref<125x16xf32, #tpu.memory_space<vmem>>
      %dma_start3A_448 = arith.constant 0 : i32
      %dma_start3A_449 = tpu.memref_slice %arg10[%dma_start3A_444, %dma_start3A_448] : memref<8x125xi32, #tpu.memory_space<vmem>> -> memref<1x125xi32, #tpu.memory_space<vmem>>
      %dma_start3A_450 = tpu.memref_squeeze %dma_start3A_449 : memref<1x125xi32, #tpu.memory_space<vmem>> -> memref<125xi32, #tpu.memory_space<vmem>>
      %dma_start3A_451 = arith.constant 0 : i32
      %dma_start3A_452 = arith.constant 0 : i32
      %dma_start3A_453 = tpu.memref_slice %arg5[%dma_start3A_451, %dma_start3A_452] : memref<10000x16xf32, #tpu.memory_space<hbm>> -> memref<10000x16xf32, #tpu.memory_space<hbm>>
      tpu.enqueue_indirect_dma source(%dma_start3A_453 : memref<10000x16xf32, #tpu.memory_space<hbm>>) target(%dma_start3A_447 : memref<125x16xf32, #tpu.memory_space<vmem>>) offsets(%dma_start3A_450 : memref<125xi32, #tpu.memory_space<vmem>>) semaphore(%arg20 : memref<!tpu.dma_semaphore, #tpu.memory_space<semaphore_mem>>)
      %dma_start3A_454 = arith.constant 2 : i32
      %dma_start3A_455 = arith.constant 250 : i32
      %dma_start3A_456 = arith.constant 0 : i32
      %dma_start3A_457 = tpu.memref_slice %arg13[%dma_start3A_455, %dma_start3A_456] : memref<1000x16xf32, #tpu.memory_space<vmem>> -> memref<125x16xf32, #tpu.memory_space<vmem>>
      %dma_start3A_458 = arith.constant 0 : i32
      %dma_start3A_459 = tpu.memref_slice %arg10[%dma_start3A_454, %dma_start3A_458] : memref<8x125xi32, #tpu.memory_space<vmem>> -> memref<1x125xi32, #tpu.memory_space<vmem>>
      %dma_start3A_460 = tpu.memref_squeeze %dma_start3A_459 : memref<1x125xi32, #tpu.memory_space<vmem>> -> memref<125xi32, #tpu.memory_space<vmem>>
      %dma_start3A_461 = arith.constant 0 : i32
      %dma_start3A_462 = arith.constant 0 : i32
      %dma_start3A_463 = tpu.memref_slice %arg5[%dma_start3A_461, %dma_start3A_462] : memref<10000x16xf32, #tpu.memory_space<hbm>> -> memref<10000x16xf32, #tpu.memory_space<hbm>>
      tpu.enqueue_indirect_dma source(%dma_start3A_463 : memref<10000x16xf32, #tpu.memory_space<hbm>>) target(%dma_start3A_457 : memref<125x16xf32, #tpu.memory_space<vmem>>) offsets(%dma_start3A_460 : memref<125xi32, #tpu.memory_space<vmem>>) semaphore(%arg20 : memref<!tpu.dma_semaphore, #tpu.memory_space<semaphore_mem>>)
      %dma_start3A_464 = arith.constant 3 : i32
      %dma_start3A_465 = arith.constant 375 : i32
      %dma_start3A_466 = arith.constant 0 : i32
      %dma_start3A_467 = tpu.memref_slice %arg13[%dma_start3A_465, %dma_start3A_466] : memref<1000x16xf32, #tpu.memory_space<vmem>> -> memref<125x16xf32, #tpu.memory_space<vmem>>
      %dma_start3A_468 = arith.constant 0 : i32
      %dma_start3A_469 = tpu.memref_slice %arg10[%dma_start3A_464, %dma_start3A_468] : memref<8x125xi32, #tpu.memory_space<vmem>> -> memref<1x125xi32, #tpu.memory_space<vmem>>
      %dma_start3A_470 = tpu.memref_squeeze %dma_start3A_469 : memref<1x125xi32, #tpu.memory_space<vmem>> -> memref<125xi32, #tpu.memory_space<vmem>>
      %dma_start3A_471 = arith.constant 0 : i32
      %dma_start3A_472 = arith.constant 0 : i32
      %dma_start3A_473 = tpu.memref_slice %arg5[%dma_start3A_471, %dma_start3A_472] : memref<10000x16xf32, #tpu.memory_space<hbm>> -> memref<10000x16xf32, #tpu.memory_space<hbm>>
      tpu.enqueue_indirect_dma source(%dma_start3A_473 : memref<10000x16xf32, #tpu.memory_space<hbm>>) target(%dma_start3A_467 : memref<125x16xf32, #tpu.memory_space<vmem>>) offsets(%dma_start3A_470 : memref<125xi32, #tpu.memory_space<vmem>>) semaphore(%arg20 : memref<!tpu.dma_semaphore, #tpu.memory_space<semaphore_mem>>)
      %dma_start3A_474 = arith.constant 4 : i32
      %dma_start3A_475 = arith.constant 500 : i32
      %dma_start3A_476 = arith.constant 0 : i32
      %dma_start3A_477 = tpu.memref_slice %arg13[%dma_start3A_475, %dma_start3A_476] : memref<1000x16xf32, #tpu.memory_space<vmem>> -> memref<125x16xf32, #tpu.memory_space<vmem>>
      %dma_start3A_478 = arith.constant 0 : i32
      %dma_start3A_479 = tpu.memref_slice %arg10[%dma_start3A_474, %dma_start3A_478] : memref<8x125xi32, #tpu.memory_space<vmem>> -> memref<1x125xi32, #tpu.memory_space<vmem>>
      %dma_start3A_480 = tpu.memref_squeeze %dma_start3A_479 : memref<1x125xi32, #tpu.memory_space<vmem>> -> memref<125xi32, #tpu.memory_space<vmem>>
      %dma_start3A_481 = arith.constant 0 : i32
      %dma_start3A_482 = arith.constant 0 : i32
      %dma_start3A_483 = tpu.memref_slice %arg5[%dma_start3A_481, %dma_start3A_482] : memref<10000x16xf32, #tpu.memory_space<hbm>> -> memref<10000x16xf32, #tpu.memory_space<hbm>>
      tpu.enqueue_indirect_dma source(%dma_start3A_483 : memref<10000x16xf32, #tpu.memory_space<hbm>>) target(%dma_start3A_477 : memref<125x16xf32, #tpu.memory_space<vmem>>) offsets(%dma_start3A_480 : memref<125xi32, #tpu.memory_space<vmem>>) semaphore(%arg20 : memref<!tpu.dma_semaphore, #tpu.memory_space<semaphore_mem>>)
      %dma_start3A_484 = arith.constant 5 : i32
      %dma_start3A_485 = arith.constant 625 : i32
      %dma_start3A_486 = arith.constant 0 : i32
      %dma_start3A_487 = tpu.memref_slice %arg13[%dma_start3A_485, %dma_start3A_486] : memref<1000x16xf32, #tpu.memory_space<vmem>> -> memref<125x16xf32, #tpu.memory_space<vmem>>
      %dma_start3A_488 = arith.constant 0 : i32
      %dma_start3A_489 = tpu.memref_slice %arg10[%dma_start3A_484, %dma_start3A_488] : memref<8x125xi32, #tpu.memory_space<vmem>> -> memref<1x125xi32, #tpu.memory_space<vmem>>
      %dma_start3A_490 = tpu.memref_squeeze %dma_start3A_489 : memref<1x125xi32, #tpu.memory_space<vmem>> -> memref<125xi32, #tpu.memory_space<vmem>>
      %dma_start3A_491 = arith.constant 0 : i32
      %dma_start3A_492 = arith.constant 0 : i32
      %dma_start3A_493 = tpu.memref_slice %arg5[%dma_start3A_491, %dma_start3A_492] : memref<10000x16xf32, #tpu.memory_space<hbm>> -> memref<10000x16xf32, #tpu.memory_space<hbm>>
      tpu.enqueue_indirect_dma source(%dma_start3A_493 : memref<10000x16xf32, #tpu.memory_space<hbm>>) target(%dma_start3A_487 : memref<125x16xf32, #tpu.memory_space<vmem>>) offsets(%dma_start3A_490 : memref<125xi32, #tpu.memory_space<vmem>>) semaphore(%arg20 : memref<!tpu.dma_semaphore, #tpu.memory_space<semaphore_mem>>)
      %dma_start3A_494 = arith.constant 6 : i32
      %dma_start3A_495 = arith.constant 750 : i32
      %dma_start3A_496 = arith.constant 0 : i32
      %dma_start3A_497 = tpu.memref_slice %arg13[%dma_start3A_495, %dma_start3A_496] : memref<1000x16xf32, #tpu.memory_space<vmem>> -> memref<125x16xf32, #tpu.memory_space<vmem>>
      %dma_start3A_498 = arith.constant 0 : i32
      %dma_start3A_499 = tpu.memref_slice %arg10[%dma_start3A_494, %dma_start3A_498] : memref<8x125xi32, #tpu.memory_space<vmem>> -> memref<1x125xi32, #tpu.memory_space<vmem>>
      %dma_start3A_500 = tpu.memref_squeeze %dma_start3A_499 : memref<1x125xi32, #tpu.memory_space<vmem>> -> memref<125xi32, #tpu.memory_space<vmem>>
      %dma_start3A_501 = arith.constant 0 : i32
      %dma_start3A_502 = arith.constant 0 : i32
      %dma_start3A_503 = tpu.memref_slice %arg5[%dma_start3A_501, %dma_start3A_502] : memref<10000x16xf32, #tpu.memory_space<hbm>> -> memref<10000x16xf32, #tpu.memory_space<hbm>>
      tpu.enqueue_indirect_dma source(%dma_start3A_503 : memref<10000x16xf32, #tpu.memory_space<hbm>>) target(%dma_start3A_497 : memref<125x16xf32, #tpu.memory_space<vmem>>) offsets(%dma_start3A_500 : memref<125xi32, #tpu.memory_space<vmem>>) semaphore(%arg20 : memref<!tpu.dma_semaphore, #tpu.memory_space<semaphore_mem>>)
      %dma_start3A_504 = arith.constant 7 : i32
      %dma_start3A_505 = arith.constant 875 : i32
      %dma_start3A_506 = arith.constant 0 : i32
      %dma_start3A_507 = tpu.memref_slice %arg13[%dma_start3A_505, %dma_start3A_506] : memref<1000x16xf32, #tpu.memory_space<vmem>> -> memref<125x16xf32, #tpu.memory_space<vmem>>
      %dma_start3A_508 = arith.constant 0 : i32
      %dma_start3A_509 = tpu.memref_slice %arg10[%dma_start3A_504, %dma_start3A_508] : memref<8x125xi32, #tpu.memory_space<vmem>> -> memref<1x125xi32, #tpu.memory_space<vmem>>
      %dma_start3A_510 = tpu.memref_squeeze %dma_start3A_509 : memref<1x125xi32, #tpu.memory_space<vmem>> -> memref<125xi32, #tpu.memory_space<vmem>>
      %dma_start3A_511 = arith.constant 0 : i32
      %dma_start3A_512 = arith.constant 0 : i32
      %dma_start3A_513 = tpu.memref_slice %arg5[%dma_start3A_511, %dma_start3A_512] : memref<10000x16xf32, #tpu.memory_space<hbm>> -> memref<10000x16xf32, #tpu.memory_space<hbm>>
      tpu.enqueue_indirect_dma source(%dma_start3A_513 : memref<10000x16xf32, #tpu.memory_space<hbm>>) target(%dma_start3A_507 : memref<125x16xf32, #tpu.memory_space<vmem>>) offsets(%dma_start3A_510 : memref<125xi32, #tpu.memory_space<vmem>>) semaphore(%arg20 : memref<!tpu.dma_semaphore, #tpu.memory_space<semaphore_mem>>)
      %dma_start3A_514 = arith.constant 0 : i32
      %dma_start3A_515 = arith.constant 0 : i32
      %dma_start3A_516 = arith.constant 0 : i32
      %dma_start3A_517 = tpu.memref_slice %arg14[%dma_start3A_515, %dma_start3A_516] : memref<1000x16xf32, #tpu.memory_space<vmem>> -> memref<125x16xf32, #tpu.memory_space<vmem>>
      %dma_start3A_518 = arith.constant 0 : i32
      %dma_start3A_519 = tpu.memref_slice %arg11[%dma_start3A_514, %dma_start3A_518] : memref<8x125xi32, #tpu.memory_space<vmem>> -> memref<1x125xi32, #tpu.memory_space<vmem>>
      %dma_start3A_520 = tpu.memref_squeeze %dma_start3A_519 : memref<1x125xi32, #tpu.memory_space<vmem>> -> memref<125xi32, #tpu.memory_space<vmem>>
      %dma_start3A_521 = arith.constant 0 : i32
      %dma_start3A_522 = arith.constant 0 : i32
      %dma_start3A_523 = tpu.memref_slice %arg5[%dma_start3A_521, %dma_start3A_522] : memref<10000x16xf32, #tpu.memory_space<hbm>> -> memref<10000x16xf32, #tpu.memory_space<hbm>>
      tpu.enqueue_indirect_dma source(%dma_start3A_523 : memref<10000x16xf32, #tpu.memory_space<hbm>>) target(%dma_start3A_517 : memref<125x16xf32, #tpu.memory_space<vmem>>) offsets(%dma_start3A_520 : memref<125xi32, #tpu.memory_space<vmem>>) semaphore(%arg20 : memref<!tpu.dma_semaphore, #tpu.memory_space<semaphore_mem>>)
      %dma_start3A_524 = arith.constant 1 : i32
      %dma_start3A_525 = arith.constant 125 : i32
      %dma_start3A_526 = arith.constant 0 : i32
      %dma_start3A_527 = tpu.memref_slice %arg14[%dma_start3A_525, %dma_start3A_526] : memref<1000x16xf32, #tpu.memory_space<vmem>> -> memref<125x16xf32, #tpu.memory_space<vmem>>
      %dma_start3A_528 = arith.constant 0 : i32
      %dma_start3A_529 = tpu.memref_slice %arg11[%dma_start3A_524, %dma_start3A_528] : memref<8x125xi32, #tpu.memory_space<vmem>> -> memref<1x125xi32, #tpu.memory_space<vmem>>
      %dma_start3A_530 = tpu.memref_squeeze %dma_start3A_529 : memref<1x125xi32, #tpu.memory_space<vmem>> -> memref<125xi32, #tpu.memory_space<vmem>>
      %dma_start3A_531 = arith.constant 0 : i32
      %dma_start3A_532 = arith.constant 0 : i32
      %dma_start3A_533 = tpu.memref_slice %arg5[%dma_start3A_531, %dma_start3A_532] : memref<10000x16xf32, #tpu.memory_space<hbm>> -> memref<10000x16xf32, #tpu.memory_space<hbm>>
      tpu.enqueue_indirect_dma source(%dma_start3A_533 : memref<10000x16xf32, #tpu.memory_space<hbm>>) target(%dma_start3A_527 : memref<125x16xf32, #tpu.memory_space<vmem>>) offsets(%dma_start3A_530 : memref<125xi32, #tpu.memory_space<vmem>>) semaphore(%arg20 : memref<!tpu.dma_semaphore, #tpu.memory_space<semaphore_mem>>)
      %dma_start3A_534 = arith.constant 2 : i32
      %dma_start3A_535 = arith.constant 250 : i32
      %dma_start3A_536 = arith.constant 0 : i32
      %dma_start3A_537 = tpu.memref_slice %arg14[%dma_start3A_535, %dma_start3A_536] : memref<1000x16xf32, #tpu.memory_space<vmem>> -> memref<125x16xf32, #tpu.memory_space<vmem>>
      %dma_start3A_538 = arith.constant 0 : i32
      %dma_start3A_539 = tpu.memref_slice %arg11[%dma_start3A_534, %dma_start3A_538] : memref<8x125xi32, #tpu.memory_space<vmem>> -> memref<1x125xi32, #tpu.memory_space<vmem>>
      %dma_start3A_540 = tpu.memref_squeeze %dma_start3A_539 : memref<1x125xi32, #tpu.memory_space<vmem>> -> memref<125xi32, #tpu.memory_space<vmem>>
      %dma_start3A_541 = arith.constant 0 : i32
      %dma_start3A_542 = arith.constant 0 : i32
      %dma_start3A_543 = tpu.memref_slice %arg5[%dma_start3A_541, %dma_start3A_542] : memref<10000x16xf32, #tpu.memory_space<hbm>> -> memref<10000x16xf32, #tpu.memory_space<hbm>>
      tpu.enqueue_indirect_dma source(%dma_start3A_543 : memref<10000x16xf32, #tpu.memory_space<hbm>>) target(%dma_start3A_537 : memref<125x16xf32, #tpu.memory_space<vmem>>) offsets(%dma_start3A_540 : memref<125xi32, #tpu.memory_space<vmem>>) semaphore(%arg20 : memref<!tpu.dma_semaphore, #tpu.memory_space<semaphore_mem>>)
      %dma_start3A_544 = arith.constant 3 : i32
      %dma_start3A_545 = arith.constant 375 : i32
      %dma_start3A_546 = arith.constant 0 : i32
      %dma_start3A_547 = tpu.memref_slice %arg14[%dma_start3A_545, %dma_start3A_546] : memref<1000x16xf32, #tpu.memory_space<vmem>> -> memref<125x16xf32, #tpu.memory_space<vmem>>
      %dma_start3A_548 = arith.constant 0 : i32
      %dma_start3A_549 = tpu.memref_slice %arg11[%dma_start3A_544, %dma_start3A_548] : memref<8x125xi32, #tpu.memory_space<vmem>> -> memref<1x125xi32, #tpu.memory_space<vmem>>
      %dma_start3A_550 = tpu.memref_squeeze %dma_start3A_549 : memref<1x125xi32, #tpu.memory_space<vmem>> -> memref<125xi32, #tpu.memory_space<vmem>>
      %dma_start3A_551 = arith.constant 0 : i32
      %dma_start3A_552 = arith.constant 0 : i32
      %dma_start3A_553 = tpu.memref_slice %arg5[%dma_start3A_551, %dma_start3A_552] : memref<10000x16xf32, #tpu.memory_space<hbm>> -> memref<10000x16xf32, #tpu.memory_space<hbm>>
      tpu.enqueue_indirect_dma source(%dma_start3A_553 : memref<10000x16xf32, #tpu.memory_space<hbm>>) target(%dma_start3A_547 : memref<125x16xf32, #tpu.memory_space<vmem>>) offsets(%dma_start3A_550 : memref<125xi32, #tpu.memory_space<vmem>>) semaphore(%arg20 : memref<!tpu.dma_semaphore, #tpu.memory_space<semaphore_mem>>)
      %dma_start3A_554 = arith.constant 4 : i32
      %dma_start3A_555 = arith.constant 500 : i32
      %dma_start3A_556 = arith.constant 0 : i32
      %dma_start3A_557 = tpu.memref_slice %arg14[%dma_start3A_555, %dma_start3A_556] : memref<1000x16xf32, #tpu.memory_space<vmem>> -> memref<125x16xf32, #tpu.memory_space<vmem>>
      %dma_start3A_558 = arith.constant 0 : i32
      %dma_start3A_559 = tpu.memref_slice %arg11[%dma_start3A_554, %dma_start3A_558] : memref<8x125xi32, #tpu.memory_space<vmem>> -> memref<1x125xi32, #tpu.memory_space<vmem>>
      %dma_start3A_560 = tpu.memref_squeeze %dma_start3A_559 : memref<1x125xi32, #tpu.memory_space<vmem>> -> memref<125xi32, #tpu.memory_space<vmem>>
      %dma_start3A_561 = arith.constant 0 : i32
      %dma_start3A_562 = arith.constant 0 : i32
      %dma_start3A_563 = tpu.memref_slice %arg5[%dma_start3A_561, %dma_start3A_562] : memref<10000x16xf32, #tpu.memory_space<hbm>> -> memref<10000x16xf32, #tpu.memory_space<hbm>>
      tpu.enqueue_indirect_dma source(%dma_start3A_563 : memref<10000x16xf32, #tpu.memory_space<hbm>>) target(%dma_start3A_557 : memref<125x16xf32, #tpu.memory_space<vmem>>) offsets(%dma_start3A_560 : memref<125xi32, #tpu.memory_space<vmem>>) semaphore(%arg20 : memref<!tpu.dma_semaphore, #tpu.memory_space<semaphore_mem>>)
      %dma_start3A_564 = arith.constant 5 : i32
      %dma_start3A_565 = arith.constant 625 : i32
      %dma_start3A_566 = arith.constant 0 : i32
      %dma_start3A_567 = tpu.memref_slice %arg14[%dma_start3A_565, %dma_start3A_566] : memref<1000x16xf32, #tpu.memory_space<vmem>> -> memref<125x16xf32, #tpu.memory_space<vmem>>
      %dma_start3A_568 = arith.constant 0 : i32
      %dma_start3A_569 = tpu.memref_slice %arg11[%dma_start3A_564, %dma_start3A_568] : memref<8x125xi32, #tpu.memory_space<vmem>> -> memref<1x125xi32, #tpu.memory_space<vmem>>
      %dma_start3A_570 = tpu.memref_squeeze %dma_start3A_569 : memref<1x125xi32, #tpu.memory_space<vmem>> -> memref<125xi32, #tpu.memory_space<vmem>>
      %dma_start3A_571 = arith.constant 0 : i32
      %dma_start3A_572 = arith.constant 0 : i32
      %dma_start3A_573 = tpu.memref_slice %arg5[%dma_start3A_571, %dma_start3A_572] : memref<10000x16xf32, #tpu.memory_space<hbm>> -> memref<10000x16xf32, #tpu.memory_space<hbm>>
      tpu.enqueue_indirect_dma source(%dma_start3A_573 : memref<10000x16xf32, #tpu.memory_space<hbm>>) target(%dma_start3A_567 : memref<125x16xf32, #tpu.memory_space<vmem>>) offsets(%dma_start3A_570 : memref<125xi32, #tpu.memory_space<vmem>>) semaphore(%arg20 : memref<!tpu.dma_semaphore, #tpu.memory_space<semaphore_mem>>)
      %dma_start3A_574 = arith.constant 6 : i32
      %dma_start3A_575 = arith.constant 750 : i32
      %dma_start3A_576 = arith.constant 0 : i32
      %dma_start3A_577 = tpu.memref_slice %arg14[%dma_start3A_575, %dma_start3A_576] : memref<1000x16xf32, #tpu.memory_space<vmem>> -> memref<125x16xf32, #tpu.memory_space<vmem>>
      %dma_start3A_578 = arith.constant 0 : i32
      %dma_start3A_579 = tpu.memref_slice %arg11[%dma_start3A_574, %dma_start3A_578] : memref<8x125xi32, #tpu.memory_space<vmem>> -> memref<1x125xi32, #tpu.memory_space<vmem>>
      %dma_start3A_580 = tpu.memref_squeeze %dma_start3A_579 : memref<1x125xi32, #tpu.memory_space<vmem>> -> memref<125xi32, #tpu.memory_space<vmem>>
      %dma_start3A_581 = arith.constant 0 : i32
      %dma_start3A_582 = arith.constant 0 : i32
      %dma_start3A_583 = tpu.memref_slice %arg5[%dma_start3A_581, %dma_start3A_582] : memref<10000x16xf32, #tpu.memory_space<hbm>> -> memref<10000x16xf32, #tpu.memory_space<hbm>>
      tpu.enqueue_indirect_dma source(%dma_start3A_583 : memref<10000x16xf32, #tpu.memory_space<hbm>>) target(%dma_start3A_577 : memref<125x16xf32, #tpu.memory_space<vmem>>) offsets(%dma_start3A_580 : memref<125xi32, #tpu.memory_space<vmem>>) semaphore(%arg20 : memref<!tpu.dma_semaphore, #tpu.memory_space<semaphore_mem>>)
      %dma_start3A_584 = arith.constant 7 : i32
      %dma_start3A_585 = arith.constant 875 : i32
      %dma_start3A_586 = arith.constant 0 : i32
      %dma_start3A_587 = tpu.memref_slice %arg14[%dma_start3A_585, %dma_start3A_586] : memref<1000x16xf32, #tpu.memory_space<vmem>> -> memref<125x16xf32, #tpu.memory_space<vmem>>
      %dma_start3A_588 = arith.constant 0 : i32
      %dma_start3A_589 = tpu.memref_slice %arg11[%dma_start3A_584, %dma_start3A_588] : memref<8x125xi32, #tpu.memory_space<vmem>> -> memref<1x125xi32, #tpu.memory_space<vmem>>
      %dma_start3A_590 = tpu.memref_squeeze %dma_start3A_589 : memref<1x125xi32, #tpu.memory_space<vmem>> -> memref<125xi32, #tpu.memory_space<vmem>>
      %dma_start3A_591 = arith.constant 0 : i32
      %dma_start3A_592 = arith.constant 0 : i32
      %dma_start3A_593 = tpu.memref_slice %arg5[%dma_start3A_591, %dma_start3A_592] : memref<10000x16xf32, #tpu.memory_space<hbm>> -> memref<10000x16xf32, #tpu.memory_space<hbm>>
      tpu.enqueue_indirect_dma source(%dma_start3A_593 : memref<10000x16xf32, #tpu.memory_space<hbm>>) target(%dma_start3A_587 : memref<125x16xf32, #tpu.memory_space<vmem>>) offsets(%dma_start3A_590 : memref<125xi32, #tpu.memory_space<vmem>>) semaphore(%arg20 : memref<!tpu.dma_semaphore, #tpu.memory_space<semaphore_mem>>)
      "tpu.region"() ({
        %run_scoped3A = tpu.sem_alloc : memref<!tpu.dma_semaphore, #tpu.memory_space<semaphore_mem>>
        %dma_start3A_760 = tpu.memref_slice %arg4[%add3A_428] : memref<160000xi32, #tpu.memory_space<hbm>> -> memref<1000xi32, #tpu.memory_space<hbm>>
        %dma_start3A_761 = tpu.memref_slice %arg4[%add3A_428] : memref<160000xi32, #tpu.memory_space<hbm>> -> memref<1000xi32, #tpu.memory_space<hbm>>
        tpu.enqueue_dma source(%dma_start3A_761 : memref<1000xi32, #tpu.memory_space<hbm>>) target(%arg12 : memref<1000xi32, #tpu.memory_space<vmem>>) target_semaphore(%run_scoped3A : memref<!tpu.dma_semaphore, #tpu.memory_space<semaphore_mem>>)
        %dma_wait3A_762 = tpu.memref_slice %arg4[%add3A_428] : memref<160000xi32, #tpu.memory_space<hbm>> -> memref<1000xi32, #tpu.memory_space<hbm>>
        %dma_wait3A_763 = tpu.memref_slice %arg4[%add3A_428] : memref<160000xi32, #tpu.memory_space<hbm>> -> memref<1000xi32, #tpu.memory_space<hbm>>
        tpu.wait_dma2 semaphore(%run_scoped3A : memref<!tpu.dma_semaphore, #tpu.memory_space<semaphore_mem>>) src(%dma_wait3A_763 : memref<1000xi32, #tpu.memory_space<hbm>>) dst(%arg12 : memref<1000xi32, #tpu.memory_space<vmem>>)
        tpu.yield
      }) : () -> ()
      "tpu.region"() ({
        %run_scoped3A = tpu.sem_alloc : memref<!tpu.dma_semaphore, #tpu.memory_space<semaphore_mem>>
        %dma_start3A_760 = arith.constant 0 : i32
        %dma_start3A_761 = tpu.memref_slice %arg6[%add3A_428, %dma_start3A_760] : memref<160000x4xf32, #tpu.memory_space<hbm>> -> memref<1000x4xf32, #tpu.memory_space<hbm>>
        %dma_start3A_762 = arith.constant 0 : i32
        %dma_start3A_763 = tpu.memref_slice %arg6[%add3A_428, %dma_start3A_762] : memref<160000x4xf32, #tpu.memory_space<hbm>> -> memref<1000x4xf32, #tpu.memory_space<hbm>>
        tpu.enqueue_dma source(%dma_start3A_763 : memref<1000x4xf32, #tpu.memory_space<hbm>>) target(%arg15 : memref<1000x4xf32, #tpu.memory_space<vmem>>) target_semaphore(%run_scoped3A : memref<!tpu.dma_semaphore, #tpu.memory_space<semaphore_mem>>)
        %dma_wait3A_764 = arith.constant 0 : i32
        %dma_wait3A_765 = tpu.memref_slice %arg6[%add3A_428, %dma_wait3A_764] : memref<160000x4xf32, #tpu.memory_space<hbm>> -> memref<1000x4xf32, #tpu.memory_space<hbm>>
        %dma_wait3A_766 = arith.constant 0 : i32
        %dma_wait3A_767 = tpu.memref_slice %arg6[%add3A_428, %dma_wait3A_766] : memref<160000x4xf32, #tpu.memory_space<hbm>> -> memref<1000x4xf32, #tpu.memory_space<hbm>>
        tpu.wait_dma2 semaphore(%run_scoped3A : memref<!tpu.dma_semaphore, #tpu.memory_space<semaphore_mem>>) src(%dma_wait3A_767 : memref<1000x4xf32, #tpu.memory_space<hbm>>) dst(%arg15 : memref<1000x4xf32, #tpu.memory_space<vmem>>)
        tpu.yield
      }) : () -> ()
      %dma_wait3A_594 = arith.constant 0 : i32
      %dma_wait3A_595 = arith.constant 0 : i32
      %dma_wait3A_596 = arith.constant 0 : i32
      %dma_wait3A_597 = tpu.memref_slice %arg13[%dma_wait3A_595, %dma_wait3A_596] : memref<1000x16xf32, #tpu.memory_space<vmem>> -> memref<125x16xf32, #tpu.memory_space<vmem>>
      %dma_wait3A_598 = arith.constant 0 : i32
      %dma_wait3A_599 = tpu.memref_slice %arg10[%dma_wait3A_594, %dma_wait3A_598] : memref<8x125xi32, #tpu.memory_space<vmem>> -> memref<1x125xi32, #tpu.memory_space<vmem>>
      %dma_wait3A_600 = tpu.memref_squeeze %dma_wait3A_599 : memref<1x125xi32, #tpu.memory_space<vmem>> -> memref<125xi32, #tpu.memory_space<vmem>>
      %dma_wait3A_601 = arith.constant 0 : i32
      %dma_wait3A_602 = arith.constant 0 : i32
      %dma_wait3A_603 = tpu.memref_slice %arg5[%dma_wait3A_601, %dma_wait3A_602] : memref<10000x16xf32, #tpu.memory_space<hbm>> -> memref<10000x16xf32, #tpu.memory_space<hbm>>
      tpu.wait_indirect_dma semaphore(%arg20 : memref<!tpu.dma_semaphore, #tpu.memory_space<semaphore_mem>>) src(%dma_wait3A_603 : memref<10000x16xf32, #tpu.memory_space<hbm>>) dst(%dma_wait3A_597 : memref<125x16xf32, #tpu.memory_space<vmem>>)
      %dma_wait3A_604 = arith.constant 1 : i32
      %dma_wait3A_605 = arith.constant 125 : i32
      %dma_wait3A_606 = arith.constant 0 : i32
      %dma_wait3A_607 = tpu.memref_slice %arg13[%dma_wait3A_605, %dma_wait3A_606] : memref<1000x16xf32, #tpu.memory_space<vmem>> -> memref<125x16xf32, #tpu.memory_space<vmem>>
      %dma_wait3A_608 = arith.constant 0 : i32
      %dma_wait3A_609 = tpu.memref_slice %arg10[%dma_wait3A_604, %dma_wait3A_608] : memref<8x125xi32, #tpu.memory_space<vmem>> -> memref<1x125xi32, #tpu.memory_space<vmem>>
      %dma_wait3A_610 = tpu.memref_squeeze %dma_wait3A_609 : memref<1x125xi32, #tpu.memory_space<vmem>> -> memref<125xi32, #tpu.memory_space<vmem>>
      %dma_wait3A_611 = arith.constant 0 : i32
      %dma_wait3A_612 = arith.constant 0 : i32
      %dma_wait3A_613 = tpu.memref_slice %arg5[%dma_wait3A_611, %dma_wait3A_612] : memref<10000x16xf32, #tpu.memory_space<hbm>> -> memref<10000x16xf32, #tpu.memory_space<hbm>>
      tpu.wait_indirect_dma semaphore(%arg20 : memref<!tpu.dma_semaphore, #tpu.memory_space<semaphore_mem>>) src(%dma_wait3A_613 : memref<10000x16xf32, #tpu.memory_space<hbm>>) dst(%dma_wait3A_607 : memref<125x16xf32, #tpu.memory_space<vmem>>)
      %dma_wait3A_614 = arith.constant 2 : i32
      %dma_wait3A_615 = arith.constant 250 : i32
      %dma_wait3A_616 = arith.constant 0 : i32
      %dma_wait3A_617 = tpu.memref_slice %arg13[%dma_wait3A_615, %dma_wait3A_616] : memref<1000x16xf32, #tpu.memory_space<vmem>> -> memref<125x16xf32, #tpu.memory_space<vmem>>
      %dma_wait3A_618 = arith.constant 0 : i32
      %dma_wait3A_619 = tpu.memref_slice %arg10[%dma_wait3A_614, %dma_wait3A_618] : memref<8x125xi32, #tpu.memory_space<vmem>> -> memref<1x125xi32, #tpu.memory_space<vmem>>
      %dma_wait3A_620 = tpu.memref_squeeze %dma_wait3A_619 : memref<1x125xi32, #tpu.memory_space<vmem>> -> memref<125xi32, #tpu.memory_space<vmem>>
      %dma_wait3A_621 = arith.constant 0 : i32
      %dma_wait3A_622 = arith.constant 0 : i32
      %dma_wait3A_623 = tpu.memref_slice %arg5[%dma_wait3A_621, %dma_wait3A_622] : memref<10000x16xf32, #tpu.memory_space<hbm>> -> memref<10000x16xf32, #tpu.memory_space<hbm>>
      tpu.wait_indirect_dma semaphore(%arg20 : memref<!tpu.dma_semaphore, #tpu.memory_space<semaphore_mem>>) src(%dma_wait3A_623 : memref<10000x16xf32, #tpu.memory_space<hbm>>) dst(%dma_wait3A_617 : memref<125x16xf32, #tpu.memory_space<vmem>>)
      %dma_wait3A_624 = arith.constant 3 : i32
      %dma_wait3A_625 = arith.constant 375 : i32
      %dma_wait3A_626 = arith.constant 0 : i32
      %dma_wait3A_627 = tpu.memref_slice %arg13[%dma_wait3A_625, %dma_wait3A_626] : memref<1000x16xf32, #tpu.memory_space<vmem>> -> memref<125x16xf32, #tpu.memory_space<vmem>>
      %dma_wait3A_628 = arith.constant 0 : i32
      %dma_wait3A_629 = tpu.memref_slice %arg10[%dma_wait3A_624, %dma_wait3A_628] : memref<8x125xi32, #tpu.memory_space<vmem>> -> memref<1x125xi32, #tpu.memory_space<vmem>>
      %dma_wait3A_630 = tpu.memref_squeeze %dma_wait3A_629 : memref<1x125xi32, #tpu.memory_space<vmem>> -> memref<125xi32, #tpu.memory_space<vmem>>
      %dma_wait3A_631 = arith.constant 0 : i32
      %dma_wait3A_632 = arith.constant 0 : i32
      %dma_wait3A_633 = tpu.memref_slice %arg5[%dma_wait3A_631, %dma_wait3A_632] : memref<10000x16xf32, #tpu.memory_space<hbm>> -> memref<10000x16xf32, #tpu.memory_space<hbm>>
      tpu.wait_indirect_dma semaphore(%arg20 : memref<!tpu.dma_semaphore, #tpu.memory_space<semaphore_mem>>) src(%dma_wait3A_633 : memref<10000x16xf32, #tpu.memory_space<hbm>>) dst(%dma_wait3A_627 : memref<125x16xf32, #tpu.memory_space<vmem>>)
      %dma_wait3A_634 = arith.constant 4 : i32
      %dma_wait3A_635 = arith.constant 500 : i32
      %dma_wait3A_636 = arith.constant 0 : i32
      %dma_wait3A_637 = tpu.memref_slice %arg13[%dma_wait3A_635, %dma_wait3A_636] : memref<1000x16xf32, #tpu.memory_space<vmem>> -> memref<125x16xf32, #tpu.memory_space<vmem>>
      %dma_wait3A_638 = arith.constant 0 : i32
      %dma_wait3A_639 = tpu.memref_slice %arg10[%dma_wait3A_634, %dma_wait3A_638] : memref<8x125xi32, #tpu.memory_space<vmem>> -> memref<1x125xi32, #tpu.memory_space<vmem>>
      %dma_wait3A_640 = tpu.memref_squeeze %dma_wait3A_639 : memref<1x125xi32, #tpu.memory_space<vmem>> -> memref<125xi32, #tpu.memory_space<vmem>>
      %dma_wait3A_641 = arith.constant 0 : i32
      %dma_wait3A_642 = arith.constant 0 : i32
      %dma_wait3A_643 = tpu.memref_slice %arg5[%dma_wait3A_641, %dma_wait3A_642] : memref<10000x16xf32, #tpu.memory_space<hbm>> -> memref<10000x16xf32, #tpu.memory_space<hbm>>
      tpu.wait_indirect_dma semaphore(%arg20 : memref<!tpu.dma_semaphore, #tpu.memory_space<semaphore_mem>>) src(%dma_wait3A_643 : memref<10000x16xf32, #tpu.memory_space<hbm>>) dst(%dma_wait3A_637 : memref<125x16xf32, #tpu.memory_space<vmem>>)
      %dma_wait3A_644 = arith.constant 5 : i32
      %dma_wait3A_645 = arith.constant 625 : i32
      %dma_wait3A_646 = arith.constant 0 : i32
      %dma_wait3A_647 = tpu.memref_slice %arg13[%dma_wait3A_645, %dma_wait3A_646] : memref<1000x16xf32, #tpu.memory_space<vmem>> -> memref<125x16xf32, #tpu.memory_space<vmem>>
      %dma_wait3A_648 = arith.constant 0 : i32
      %dma_wait3A_649 = tpu.memref_slice %arg10[%dma_wait3A_644, %dma_wait3A_648] : memref<8x125xi32, #tpu.memory_space<vmem>> -> memref<1x125xi32, #tpu.memory_space<vmem>>
      %dma_wait3A_650 = tpu.memref_squeeze %dma_wait3A_649 : memref<1x125xi32, #tpu.memory_space<vmem>> -> memref<125xi32, #tpu.memory_space<vmem>>
      %dma_wait3A_651 = arith.constant 0 : i32
      %dma_wait3A_652 = arith.constant 0 : i32
      %dma_wait3A_653 = tpu.memref_slice %arg5[%dma_wait3A_651, %dma_wait3A_652] : memref<10000x16xf32, #tpu.memory_space<hbm>> -> memref<10000x16xf32, #tpu.memory_space<hbm>>
      tpu.wait_indirect_dma semaphore(%arg20 : memref<!tpu.dma_semaphore, #tpu.memory_space<semaphore_mem>>) src(%dma_wait3A_653 : memref<10000x16xf32, #tpu.memory_space<hbm>>) dst(%dma_wait3A_647 : memref<125x16xf32, #tpu.memory_space<vmem>>)
      %dma_wait3A_654 = arith.constant 6 : i32
      %dma_wait3A_655 = arith.constant 750 : i32
      %dma_wait3A_656 = arith.constant 0 : i32
      %dma_wait3A_657 = tpu.memref_slice %arg13[%dma_wait3A_655, %dma_wait3A_656] : memref<1000x16xf32, #tpu.memory_space<vmem>> -> memref<125x16xf32, #tpu.memory_space<vmem>>
      %dma_wait3A_658 = arith.constant 0 : i32
      %dma_wait3A_659 = tpu.memref_slice %arg10[%dma_wait3A_654, %dma_wait3A_658] : memref<8x125xi32, #tpu.memory_space<vmem>> -> memref<1x125xi32, #tpu.memory_space<vmem>>
      %dma_wait3A_660 = tpu.memref_squeeze %dma_wait3A_659 : memref<1x125xi32, #tpu.memory_space<vmem>> -> memref<125xi32, #tpu.memory_space<vmem>>
      %dma_wait3A_661 = arith.constant 0 : i32
      %dma_wait3A_662 = arith.constant 0 : i32
      %dma_wait3A_663 = tpu.memref_slice %arg5[%dma_wait3A_661, %dma_wait3A_662] : memref<10000x16xf32, #tpu.memory_space<hbm>> -> memref<10000x16xf32, #tpu.memory_space<hbm>>
      tpu.wait_indirect_dma semaphore(%arg20 : memref<!tpu.dma_semaphore, #tpu.memory_space<semaphore_mem>>) src(%dma_wait3A_663 : memref<10000x16xf32, #tpu.memory_space<hbm>>) dst(%dma_wait3A_657 : memref<125x16xf32, #tpu.memory_space<vmem>>)
      %dma_wait3A_664 = arith.constant 7 : i32
      %dma_wait3A_665 = arith.constant 875 : i32
      %dma_wait3A_666 = arith.constant 0 : i32
      %dma_wait3A_667 = tpu.memref_slice %arg13[%dma_wait3A_665, %dma_wait3A_666] : memref<1000x16xf32, #tpu.memory_space<vmem>> -> memref<125x16xf32, #tpu.memory_space<vmem>>
      %dma_wait3A_668 = arith.constant 0 : i32
      %dma_wait3A_669 = tpu.memref_slice %arg10[%dma_wait3A_664, %dma_wait3A_668] : memref<8x125xi32, #tpu.memory_space<vmem>> -> memref<1x125xi32, #tpu.memory_space<vmem>>
      %dma_wait3A_670 = tpu.memref_squeeze %dma_wait3A_669 : memref<1x125xi32, #tpu.memory_space<vmem>> -> memref<125xi32, #tpu.memory_space<vmem>>
      %dma_wait3A_671 = arith.constant 0 : i32
      %dma_wait3A_672 = arith.constant 0 : i32
      %dma_wait3A_673 = tpu.memref_slice %arg5[%dma_wait3A_671, %dma_wait3A_672] : memref<10000x16xf32, #tpu.memory_space<hbm>> -> memref<10000x16xf32, #tpu.memory_space<hbm>>
      tpu.wait_indirect_dma semaphore(%arg20 : memref<!tpu.dma_semaphore, #tpu.memory_space<semaphore_mem>>) src(%dma_wait3A_673 : memref<10000x16xf32, #tpu.memory_space<hbm>>) dst(%dma_wait3A_667 : memref<125x16xf32, #tpu.memory_space<vmem>>)
      %dma_wait3A_674 = arith.constant 0 : i32
      %dma_wait3A_675 = arith.constant 0 : i32
      %dma_wait3A_676 = arith.constant 0 : i32
      %dma_wait3A_677 = tpu.memref_slice %arg14[%dma_wait3A_675, %dma_wait3A_676] : memref<1000x16xf32, #tpu.memory_space<vmem>> -> memref<125x16xf32, #tpu.memory_space<vmem>>
      %dma_wait3A_678 = arith.constant 0 : i32
      %dma_wait3A_679 = tpu.memref_slice %arg11[%dma_wait3A_674, %dma_wait3A_678] : memref<8x125xi32, #tpu.memory_space<vmem>> -> memref<1x125xi32, #tpu.memory_space<vmem>>
      %dma_wait3A_680 = tpu.memref_squeeze %dma_wait3A_679 : memref<1x125xi32, #tpu.memory_space<vmem>> -> memref<125xi32, #tpu.memory_space<vmem>>
      %dma_wait3A_681 = arith.constant 0 : i32
      %dma_wait3A_682 = arith.constant 0 : i32
      %dma_wait3A_683 = tpu.memref_slice %arg5[%dma_wait3A_681, %dma_wait3A_682] : memref<10000x16xf32, #tpu.memory_space<hbm>> -> memref<10000x16xf32, #tpu.memory_space<hbm>>
      tpu.wait_indirect_dma semaphore(%arg20 : memref<!tpu.dma_semaphore, #tpu.memory_space<semaphore_mem>>) src(%dma_wait3A_683 : memref<10000x16xf32, #tpu.memory_space<hbm>>) dst(%dma_wait3A_677 : memref<125x16xf32, #tpu.memory_space<vmem>>)
      %dma_wait3A_684 = arith.constant 1 : i32
      %dma_wait3A_685 = arith.constant 125 : i32
      %dma_wait3A_686 = arith.constant 0 : i32
      %dma_wait3A_687 = tpu.memref_slice %arg14[%dma_wait3A_685, %dma_wait3A_686] : memref<1000x16xf32, #tpu.memory_space<vmem>> -> memref<125x16xf32, #tpu.memory_space<vmem>>
      %dma_wait3A_688 = arith.constant 0 : i32
      %dma_wait3A_689 = tpu.memref_slice %arg11[%dma_wait3A_684, %dma_wait3A_688] : memref<8x125xi32, #tpu.memory_space<vmem>> -> memref<1x125xi32, #tpu.memory_space<vmem>>
      %dma_wait3A_690 = tpu.memref_squeeze %dma_wait3A_689 : memref<1x125xi32, #tpu.memory_space<vmem>> -> memref<125xi32, #tpu.memory_space<vmem>>
      %dma_wait3A_691 = arith.constant 0 : i32
      %dma_wait3A_692 = arith.constant 0 : i32
      %dma_wait3A_693 = tpu.memref_slice %arg5[%dma_wait3A_691, %dma_wait3A_692] : memref<10000x16xf32, #tpu.memory_space<hbm>> -> memref<10000x16xf32, #tpu.memory_space<hbm>>
      tpu.wait_indirect_dma semaphore(%arg20 : memref<!tpu.dma_semaphore, #tpu.memory_space<semaphore_mem>>) src(%dma_wait3A_693 : memref<10000x16xf32, #tpu.memory_space<hbm>>) dst(%dma_wait3A_687 : memref<125x16xf32, #tpu.memory_space<vmem>>)
      %dma_wait3A_694 = arith.constant 2 : i32
      %dma_wait3A_695 = arith.constant 250 : i32
      %dma_wait3A_696 = arith.constant 0 : i32
      %dma_wait3A_697 = tpu.memref_slice %arg14[%dma_wait3A_695, %dma_wait3A_696] : memref<1000x16xf32, #tpu.memory_space<vmem>> -> memref<125x16xf32, #tpu.memory_space<vmem>>
      %dma_wait3A_698 = arith.constant 0 : i32
      %dma_wait3A_699 = tpu.memref_slice %arg11[%dma_wait3A_694, %dma_wait3A_698] : memref<8x125xi32, #tpu.memory_space<vmem>> -> memref<1x125xi32, #tpu.memory_space<vmem>>
      %dma_wait3A_700 = tpu.memref_squeeze %dma_wait3A_699 : memref<1x125xi32, #tpu.memory_space<vmem>> -> memref<125xi32, #tpu.memory_space<vmem>>
      %dma_wait3A_701 = arith.constant 0 : i32
      %dma_wait3A_702 = arith.constant 0 : i32
      %dma_wait3A_703 = tpu.memref_slice %arg5[%dma_wait3A_701, %dma_wait3A_702] : memref<10000x16xf32, #tpu.memory_space<hbm>> -> memref<10000x16xf32, #tpu.memory_space<hbm>>
      tpu.wait_indirect_dma semaphore(%arg20 : memref<!tpu.dma_semaphore, #tpu.memory_space<semaphore_mem>>) src(%dma_wait3A_703 : memref<10000x16xf32, #tpu.memory_space<hbm>>) dst(%dma_wait3A_697 : memref<125x16xf32, #tpu.memory_space<vmem>>)
      %dma_wait3A_704 = arith.constant 3 : i32
      %dma_wait3A_705 = arith.constant 375 : i32
      %dma_wait3A_706 = arith.constant 0 : i32
      %dma_wait3A_707 = tpu.memref_slice %arg14[%dma_wait3A_705, %dma_wait3A_706] : memref<1000x16xf32, #tpu.memory_space<vmem>> -> memref<125x16xf32, #tpu.memory_space<vmem>>
      %dma_wait3A_708 = arith.constant 0 : i32
      %dma_wait3A_709 = tpu.memref_slice %arg11[%dma_wait3A_704, %dma_wait3A_708] : memref<8x125xi32, #tpu.memory_space<vmem>> -> memref<1x125xi32, #tpu.memory_space<vmem>>
      %dma_wait3A_710 = tpu.memref_squeeze %dma_wait3A_709 : memref<1x125xi32, #tpu.memory_space<vmem>> -> memref<125xi32, #tpu.memory_space<vmem>>
      %dma_wait3A_711 = arith.constant 0 : i32
      %dma_wait3A_712 = arith.constant 0 : i32
      %dma_wait3A_713 = tpu.memref_slice %arg5[%dma_wait3A_711, %dma_wait3A_712] : memref<10000x16xf32, #tpu.memory_space<hbm>> -> memref<10000x16xf32, #tpu.memory_space<hbm>>
      tpu.wait_indirect_dma semaphore(%arg20 : memref<!tpu.dma_semaphore, #tpu.memory_space<semaphore_mem>>) src(%dma_wait3A_713 : memref<10000x16xf32, #tpu.memory_space<hbm>>) dst(%dma_wait3A_707 : memref<125x16xf32, #tpu.memory_space<vmem>>)
      %dma_wait3A_714 = arith.constant 4 : i32
      %dma_wait3A_715 = arith.constant 500 : i32
      %dma_wait3A_716 = arith.constant 0 : i32
      %dma_wait3A_717 = tpu.memref_slice %arg14[%dma_wait3A_715, %dma_wait3A_716] : memref<1000x16xf32, #tpu.memory_space<vmem>> -> memref<125x16xf32, #tpu.memory_space<vmem>>
      %dma_wait3A_718 = arith.constant 0 : i32
      %dma_wait3A_719 = tpu.memref_slice %arg11[%dma_wait3A_714, %dma_wait3A_718] : memref<8x125xi32, #tpu.memory_space<vmem>> -> memref<1x125xi32, #tpu.memory_space<vmem>>
      %dma_wait3A_720 = tpu.memref_squeeze %dma_wait3A_719 : memref<1x125xi32, #tpu.memory_space<vmem>> -> memref<125xi32, #tpu.memory_space<vmem>>
      %dma_wait3A_721 = arith.constant 0 : i32
      %dma_wait3A_722 = arith.constant 0 : i32
      %dma_wait3A_723 = tpu.memref_slice %arg5[%dma_wait3A_721, %dma_wait3A_722] : memref<10000x16xf32, #tpu.memory_space<hbm>> -> memref<10000x16xf32, #tpu.memory_space<hbm>>
      tpu.wait_indirect_dma semaphore(%arg20 : memref<!tpu.dma_semaphore, #tpu.memory_space<semaphore_mem>>) src(%dma_wait3A_723 : memref<10000x16xf32, #tpu.memory_space<hbm>>) dst(%dma_wait3A_717 : memref<125x16xf32, #tpu.memory_space<vmem>>)
      %dma_wait3A_724 = arith.constant 5 : i32
      %dma_wait3A_725 = arith.constant 625 : i32
      %dma_wait3A_726 = arith.constant 0 : i32
      %dma_wait3A_727 = tpu.memref_slice %arg14[%dma_wait3A_725, %dma_wait3A_726] : memref<1000x16xf32, #tpu.memory_space<vmem>> -> memref<125x16xf32, #tpu.memory_space<vmem>>
      %dma_wait3A_728 = arith.constant 0 : i32
      %dma_wait3A_729 = tpu.memref_slice %arg11[%dma_wait3A_724, %dma_wait3A_728] : memref<8x125xi32, #tpu.memory_space<vmem>> -> memref<1x125xi32, #tpu.memory_space<vmem>>
      %dma_wait3A_730 = tpu.memref_squeeze %dma_wait3A_729 : memref<1x125xi32, #tpu.memory_space<vmem>> -> memref<125xi32, #tpu.memory_space<vmem>>
      %dma_wait3A_731 = arith.constant 0 : i32
      %dma_wait3A_732 = arith.constant 0 : i32
      %dma_wait3A_733 = tpu.memref_slice %arg5[%dma_wait3A_731, %dma_wait3A_732] : memref<10000x16xf32, #tpu.memory_space<hbm>> -> memref<10000x16xf32, #tpu.memory_space<hbm>>
      tpu.wait_indirect_dma semaphore(%arg20 : memref<!tpu.dma_semaphore, #tpu.memory_space<semaphore_mem>>) src(%dma_wait3A_733 : memref<10000x16xf32, #tpu.memory_space<hbm>>) dst(%dma_wait3A_727 : memref<125x16xf32, #tpu.memory_space<vmem>>)
      %dma_wait3A_734 = arith.constant 6 : i32
      %dma_wait3A_735 = arith.constant 750 : i32
      %dma_wait3A_736 = arith.constant 0 : i32
      %dma_wait3A_737 = tpu.memref_slice %arg14[%dma_wait3A_735, %dma_wait3A_736] : memref<1000x16xf32, #tpu.memory_space<vmem>> -> memref<125x16xf32, #tpu.memory_space<vmem>>
      %dma_wait3A_738 = arith.constant 0 : i32
      %dma_wait3A_739 = tpu.memref_slice %arg11[%dma_wait3A_734, %dma_wait3A_738] : memref<8x125xi32, #tpu.memory_space<vmem>> -> memref<1x125xi32, #tpu.memory_space<vmem>>
      %dma_wait3A_740 = tpu.memref_squeeze %dma_wait3A_739 : memref<1x125xi32, #tpu.memory_space<vmem>> -> memref<125xi32, #tpu.memory_space<vmem>>
      %dma_wait3A_741 = arith.constant 0 : i32
      %dma_wait3A_742 = arith.constant 0 : i32
      %dma_wait3A_743 = tpu.memref_slice %arg5[%dma_wait3A_741, %dma_wait3A_742] : memref<10000x16xf32, #tpu.memory_space<hbm>> -> memref<10000x16xf32, #tpu.memory_space<hbm>>
      tpu.wait_indirect_dma semaphore(%arg20 : memref<!tpu.dma_semaphore, #tpu.memory_space<semaphore_mem>>) src(%dma_wait3A_743 : memref<10000x16xf32, #tpu.memory_space<hbm>>) dst(%dma_wait3A_737 : memref<125x16xf32, #tpu.memory_space<vmem>>)
      %dma_wait3A_744 = arith.constant 7 : i32
      %dma_wait3A_745 = arith.constant 875 : i32
      %dma_wait3A_746 = arith.constant 0 : i32
      %dma_wait3A_747 = tpu.memref_slice %arg14[%dma_wait3A_745, %dma_wait3A_746] : memref<1000x16xf32, #tpu.memory_space<vmem>> -> memref<125x16xf32, #tpu.memory_space<vmem>>
      %dma_wait3A_748 = arith.constant 0 : i32
      %dma_wait3A_749 = tpu.memref_slice %arg11[%dma_wait3A_744, %dma_wait3A_748] : memref<8x125xi32, #tpu.memory_space<vmem>> -> memref<1x125xi32, #tpu.memory_space<vmem>>
      %dma_wait3A_750 = tpu.memref_squeeze %dma_wait3A_749 : memref<1x125xi32, #tpu.memory_space<vmem>> -> memref<125xi32, #tpu.memory_space<vmem>>
      %dma_wait3A_751 = arith.constant 0 : i32
      %dma_wait3A_752 = arith.constant 0 : i32
      %dma_wait3A_753 = tpu.memref_slice %arg5[%dma_wait3A_751, %dma_wait3A_752] : memref<10000x16xf32, #tpu.memory_space<hbm>> -> memref<10000x16xf32, #tpu.memory_space<hbm>>
      tpu.wait_indirect_dma semaphore(%arg20 : memref<!tpu.dma_semaphore, #tpu.memory_space<semaphore_mem>>) src(%dma_wait3A_753 : memref<10000x16xf32, #tpu.memory_space<hbm>>) dst(%dma_wait3A_747 : memref<125x16xf32, #tpu.memory_space<vmem>>)
      %scan3A_754 = arith.constant 0 : i32
      %scan3A_755 = arith.constant 0 : i32
      %scan3A_756 = arith.constant 125 : i32
      %scan3A_757 = arith.addi %scan3A_755, %scan3A_756 : i32
      %scan3A_758 = arith.constant 1 : i32
      scf.for %scan3A_760 = %scan3A_755 to %scan3A_757 step %scan3A_758  : i32 {
        %mul3A_761 = arith.constant 8 : i32
        %mul3A_762 = arith.muli %scan3A_760, %mul3A_761 : i32
        %add3A_763 = vector.broadcast %mul3A_762 : i32 to vector<16xi32>
        %add3A_764 = arith.addi %add3A_763, %and3A_2 : vector<16xi32>
        %gather3A = tpu.vector_load_idx %arg12[%add3A_764] : memref<1000xi32, #tpu.memory_space<vmem>>[vector<16xi32>], vector<16xi32>,
        %add3A_765 = arith.constant 0 : i32
        %add3A_766 = vector.broadcast %add3A_765 : i32 to vector<16xi32>
        %add3A_767 = arith.addi %add3A_766, %shift_right_arithmetic3A_4 : vector<16xi32>
        %gather3A_768 = tpu.vector_load_idx %arg13[%add3A_764, %add3A_767] : memref<1000x16xf32, #tpu.memory_space<vmem>>[vector<16xi32>, vector<16xi32>], vector<16xf32>,
        %add3A_769 = arith.constant 4 : i32
        %add3A_770 = vector.broadcast %add3A_769 : i32 to vector<16xi32>
        %add3A_771 = arith.addi %add3A_767, %add3A_770 : vector<16xi32>
        %gather3A_772 = tpu.vector_load_idx %arg14[%add3A_764, %add3A_771] : memref<1000x16xf32, #tpu.memory_space<vmem>>[vector<16xi32>, vector<16xi32>], vector<16xf32>,
        %gather3A_773 = tpu.vector_load_idx %arg15[%add3A_764, %add3A_767] : memref<1000x4xf32, #tpu.memory_space<vmem>>[vector<16xi32>, vector<16xi32>], vector<16xf32>,
        %add3A_774 = arith.addf %gather3A_768, %gather3A_772 : vector<16xf32>
        %add3A_775 = arith.addf %add3A_774, %gather3A_773 : vector<16xf32>
        %mul3A_776 = arith.constant 2.000000e-01 : f32
        %mul3A_777 = vector.broadcast %mul3A_776 : f32 to vector<16xf32>
        %mul3A_778 = arith.mulf %mul3A_777, %add3A_775 : vector<16xf32>
        %max3A = arith.maximumf %add3A_775, %mul3A_778 : vector<16xf32>
        %exp3A = math.exp %max3A : vector<16xf32>
        tpu.vector_store_idx %arg16[%add3A_764, %add3A_767], %exp3A : memref<1000x4xf32, #tpu.memory_space<vmem>>[vector<16xi32>, vector<16xi32>], vector<16xf32>,
        %mul3A_779 = arith.constant 4 : i32
        %mul3A_780 = vector.broadcast %mul3A_779 : i32 to vector<16xi32>
        %mul3A_781 = arith.muli %gather3A, %mul3A_780 : vector<16xi32>
        %add3A_782 = arith.addi %mul3A_781, %add3A_767 : vector<16xi32>
        %shift_right_arithmetic3A_783 = arith.constant 4 : i32
        %shift_right_arithmetic3A_784 = vector.broadcast %shift_right_arithmetic3A_783 : i32 to vector<16xi32>
        %shift_right_arithmetic3A_785 = arith.shrsi %add3A_782, %shift_right_arithmetic3A_784 : vector<16xi32>
        %and3A_786 = arith.constant 15 : i32
        %and3A_787 = vector.broadcast %and3A_786 : i32 to vector<16xi32>
        %and3A_788 = arith.andi %add3A_782, %and3A_787 : vector<16xi32>
        tpu.vector_store_idx %arg17[%shift_right_arithmetic3A_785, %and3A_788], %exp3A {add = true} : memref<2500x16xf32, #tpu.memory_space<vmem>>[vector<16xi32>, vector<16xi32>], vector<16xf32>,
        %add3A_789 = arith.constant 2 : i32
        %add3A_790 = vector.broadcast %add3A_789 : i32 to vector<16xi32>
        %add3A_791 = arith.addi %add3A_790, %shift_right_arithmetic3A_4 : vector<16xi32>
        %gather3A_792 = tpu.vector_load_idx %arg13[%add3A_764, %add3A_791] : memref<1000x16xf32, #tpu.memory_space<vmem>>[vector<16xi32>, vector<16xi32>], vector<16xf32>,
        %add3A_793 = arith.constant 4 : i32
        %add3A_794 = vector.broadcast %add3A_793 : i32 to vector<16xi32>
        %add3A_795 = arith.addi %add3A_791, %add3A_794 : vector<16xi32>
        %gather3A_796 = tpu.vector_load_idx %arg14[%add3A_764, %add3A_795] : memref<1000x16xf32, #tpu.memory_space<vmem>>[vector<16xi32>, vector<16xi32>], vector<16xf32>,
        %gather3A_797 = tpu.vector_load_idx %arg15[%add3A_764, %add3A_791] : memref<1000x4xf32, #tpu.memory_space<vmem>>[vector<16xi32>, vector<16xi32>], vector<16xf32>,
        %add3A_798 = arith.addf %gather3A_792, %gather3A_796 : vector<16xf32>
        %add3A_799 = arith.addf %add3A_798, %gather3A_797 : vector<16xf32>
        %mul3A_800 = arith.constant 2.000000e-01 : f32
        %mul3A_801 = vector.broadcast %mul3A_800 : f32 to vector<16xf32>
        %mul3A_802 = arith.mulf %mul3A_801, %add3A_799 : vector<16xf32>
        %max3A_803 = arith.maximumf %add3A_799, %mul3A_802 : vector<16xf32>
        %exp3A_804 = math.exp %max3A_803 : vector<16xf32>
        tpu.vector_store_idx %arg16[%add3A_764, %add3A_791], %exp3A_804 : memref<1000x4xf32, #tpu.memory_space<vmem>>[vector<16xi32>, vector<16xi32>], vector<16xf32>,
        %mul3A_805 = arith.constant 4 : i32
        %mul3A_806 = vector.broadcast %mul3A_805 : i32 to vector<16xi32>
        %mul3A_807 = arith.muli %gather3A, %mul3A_806 : vector<16xi32>
        %add3A_808 = arith.addi %mul3A_807, %add3A_791 : vector<16xi32>
        %shift_right_arithmetic3A_809 = arith.constant 4 : i32
        %shift_right_arithmetic3A_810 = vector.broadcast %shift_right_arithmetic3A_809 : i32 to vector<16xi32>
        %shift_right_arithmetic3A_811 = arith.shrsi %add3A_808, %shift_right_arithmetic3A_810 : vector<16xi32>
        %and3A_812 = arith.constant 15 : i32
        %and3A_813 = vector.broadcast %and3A_812 : i32 to vector<16xi32>
        %and3A_814 = arith.andi %add3A_808, %and3A_813 : vector<16xi32>
        tpu.vector_store_idx %arg17[%shift_right_arithmetic3A_811, %and3A_814], %exp3A_804 {add = true} : memref<2500x16xf32, #tpu.memory_space<vmem>>[vector<16xi32>, vector<16xi32>], vector<16xf32>,
      }
      %scan3A_759 = arith.constant 125 : i32
      "tpu.region"() ({
        %run_scoped3A = tpu.sem_alloc : memref<!tpu.dma_semaphore, #tpu.memory_space<semaphore_mem>>
        %dma_start3A_760 = arith.constant 0 : i32
        %dma_start3A_761 = tpu.memref_slice %arg8[%add3A_428, %dma_start3A_760] : memref<160000x4xf32, #tpu.memory_space<hbm>> -> memref<1000x4xf32, #tpu.memory_space<hbm>>
        %dma_start3A_762 = arith.constant 0 : i32
        %dma_start3A_763 = tpu.memref_slice %arg8[%add3A_428, %dma_start3A_762] : memref<160000x4xf32, #tpu.memory_space<hbm>> -> memref<1000x4xf32, #tpu.memory_space<hbm>>
        tpu.enqueue_dma source(%arg16 : memref<1000x4xf32, #tpu.memory_space<vmem>>) target(%dma_start3A_763 : memref<1000x4xf32, #tpu.memory_space<hbm>>) target_semaphore(%run_scoped3A : memref<!tpu.dma_semaphore, #tpu.memory_space<semaphore_mem>>)
        %dma_wait3A_764 = arith.constant 0 : i32
        %dma_wait3A_765 = tpu.memref_slice %arg8[%add3A_428, %dma_wait3A_764] : memref<160000x4xf32, #tpu.memory_space<hbm>> -> memref<1000x4xf32, #tpu.memory_space<hbm>>
        %dma_wait3A_766 = arith.constant 0 : i32
        %dma_wait3A_767 = tpu.memref_slice %arg8[%add3A_428, %dma_wait3A_766] : memref<160000x4xf32, #tpu.memory_space<hbm>> -> memref<1000x4xf32, #tpu.memory_space<hbm>>
        tpu.wait_dma2 semaphore(%run_scoped3A : memref<!tpu.dma_semaphore, #tpu.memory_space<semaphore_mem>>) src(%arg16 : memref<1000x4xf32, #tpu.memory_space<vmem>>) dst(%dma_wait3A_767 : memref<1000x4xf32, #tpu.memory_space<hbm>>)
        tpu.yield
      }) : () -> ()
    }
    %scan3A_18 = arith.constant 5 : i32
    %dma_start3A = arith.constant 0 : i32
    %dma_start3A_19 = arith.constant 0 : i32
    %dma_start3A_20 = arith.constant 0 : i32
    %dma_start3A_21 = tpu.memref_slice %arg17[%dma_start3A_19, %dma_start3A_20] : memref<2500x16xf32, #tpu.memory_space<vmem>> -> memref<125x16xf32, #tpu.memory_space<vmem>>
    %dma_start3A_22 = arith.constant 0 : i32
    %dma_start3A_23 = tpu.memref_slice %arg18[%dma_start3A, %dma_start3A_22] : memref<20x125xi32, #tpu.memory_space<vmem>> -> memref<1x125xi32, #tpu.memory_space<vmem>>
    %dma_start3A_24 = tpu.memref_squeeze %dma_start3A_23 : memref<1x125xi32, #tpu.memory_space<vmem>> -> memref<125xi32, #tpu.memory_space<vmem>>
    %dma_start3A_25 = arith.constant 0 : i32
    %dma_start3A_26 = arith.constant 0 : i32
    %dma_start3A_27 = tpu.memref_slice %arg19[%dma_start3A_25, %dma_start3A_26] : memref<2500x16xf32, #tpu.memory_space<vmem_shared>> -> memref<2500x16xf32, #tpu.memory_space<vmem_shared>>
    tpu.enqueue_indirect_dma source(%dma_start3A_21 : memref<125x16xf32, #tpu.memory_space<vmem>>) target(%dma_start3A_27 : memref<2500x16xf32, #tpu.memory_space<vmem_shared>>) offsets(%dma_start3A_24 : memref<125xi32, #tpu.memory_space<vmem>>) semaphore(%arg20 : memref<!tpu.dma_semaphore, #tpu.memory_space<semaphore_mem>>) {add = true}
    %dma_start3A_28 = arith.constant 1 : i32
    %dma_start3A_29 = arith.constant 125 : i32
    %dma_start3A_30 = arith.constant 0 : i32
    %dma_start3A_31 = tpu.memref_slice %arg17[%dma_start3A_29, %dma_start3A_30] : memref<2500x16xf32, #tpu.memory_space<vmem>> -> memref<125x16xf32, #tpu.memory_space<vmem>>
    %dma_start3A_32 = arith.constant 0 : i32
    %dma_start3A_33 = tpu.memref_slice %arg18[%dma_start3A_28, %dma_start3A_32] : memref<20x125xi32, #tpu.memory_space<vmem>> -> memref<1x125xi32, #tpu.memory_space<vmem>>
    %dma_start3A_34 = tpu.memref_squeeze %dma_start3A_33 : memref<1x125xi32, #tpu.memory_space<vmem>> -> memref<125xi32, #tpu.memory_space<vmem>>
    %dma_start3A_35 = arith.constant 0 : i32
    %dma_start3A_36 = arith.constant 0 : i32
    %dma_start3A_37 = tpu.memref_slice %arg19[%dma_start3A_35, %dma_start3A_36] : memref<2500x16xf32, #tpu.memory_space<vmem_shared>> -> memref<2500x16xf32, #tpu.memory_space<vmem_shared>>
    tpu.enqueue_indirect_dma source(%dma_start3A_31 : memref<125x16xf32, #tpu.memory_space<vmem>>) target(%dma_start3A_37 : memref<2500x16xf32, #tpu.memory_space<vmem_shared>>) offsets(%dma_start3A_34 : memref<125xi32, #tpu.memory_space<vmem>>) semaphore(%arg20 : memref<!tpu.dma_semaphore, #tpu.memory_space<semaphore_mem>>) {add = true}
    %dma_start3A_38 = arith.constant 2 : i32
    %dma_start3A_39 = arith.constant 250 : i32
    %dma_start3A_40 = arith.constant 0 : i32
    %dma_start3A_41 = tpu.memref_slice %arg17[%dma_start3A_39, %dma_start3A_40] : memref<2500x16xf32, #tpu.memory_space<vmem>> -> memref<125x16xf32, #tpu.memory_space<vmem>>
    %dma_start3A_42 = arith.constant 0 : i32
    %dma_start3A_43 = tpu.memref_slice %arg18[%dma_start3A_38, %dma_start3A_42] : memref<20x125xi32, #tpu.memory_space<vmem>> -> memref<1x125xi32, #tpu.memory_space<vmem>>
    %dma_start3A_44 = tpu.memref_squeeze %dma_start3A_43 : memref<1x125xi32, #tpu.memory_space<vmem>> -> memref<125xi32, #tpu.memory_space<vmem>>
    %dma_start3A_45 = arith.constant 0 : i32
    %dma_start3A_46 = arith.constant 0 : i32
    %dma_start3A_47 = tpu.memref_slice %arg19[%dma_start3A_45, %dma_start3A_46] : memref<2500x16xf32, #tpu.memory_space<vmem_shared>> -> memref<2500x16xf32, #tpu.memory_space<vmem_shared>>
    tpu.enqueue_indirect_dma source(%dma_start3A_41 : memref<125x16xf32, #tpu.memory_space<vmem>>) target(%dma_start3A_47 : memref<2500x16xf32, #tpu.memory_space<vmem_shared>>) offsets(%dma_start3A_44 : memref<125xi32, #tpu.memory_space<vmem>>) semaphore(%arg20 : memref<!tpu.dma_semaphore, #tpu.memory_space<semaphore_mem>>) {add = true}
    %dma_start3A_48 = arith.constant 3 : i32
    %dma_start3A_49 = arith.constant 375 : i32
    %dma_start3A_50 = arith.constant 0 : i32
    %dma_start3A_51 = tpu.memref_slice %arg17[%dma_start3A_49, %dma_start3A_50] : memref<2500x16xf32, #tpu.memory_space<vmem>> -> memref<125x16xf32, #tpu.memory_space<vmem>>
    %dma_start3A_52 = arith.constant 0 : i32
    %dma_start3A_53 = tpu.memref_slice %arg18[%dma_start3A_48, %dma_start3A_52] : memref<20x125xi32, #tpu.memory_space<vmem>> -> memref<1x125xi32, #tpu.memory_space<vmem>>
    %dma_start3A_54 = tpu.memref_squeeze %dma_start3A_53 : memref<1x125xi32, #tpu.memory_space<vmem>> -> memref<125xi32, #tpu.memory_space<vmem>>
    %dma_start3A_55 = arith.constant 0 : i32
    %dma_start3A_56 = arith.constant 0 : i32
    %dma_start3A_57 = tpu.memref_slice %arg19[%dma_start3A_55, %dma_start3A_56] : memref<2500x16xf32, #tpu.memory_space<vmem_shared>> -> memref<2500x16xf32, #tpu.memory_space<vmem_shared>>
    tpu.enqueue_indirect_dma source(%dma_start3A_51 : memref<125x16xf32, #tpu.memory_space<vmem>>) target(%dma_start3A_57 : memref<2500x16xf32, #tpu.memory_space<vmem_shared>>) offsets(%dma_start3A_54 : memref<125xi32, #tpu.memory_space<vmem>>) semaphore(%arg20 : memref<!tpu.dma_semaphore, #tpu.memory_space<semaphore_mem>>) {add = true}
    %dma_start3A_58 = arith.constant 4 : i32
    %dma_start3A_59 = arith.constant 500 : i32
    %dma_start3A_60 = arith.constant 0 : i32
    %dma_start3A_61 = tpu.memref_slice %arg17[%dma_start3A_59, %dma_start3A_60] : memref<2500x16xf32, #tpu.memory_space<vmem>> -> memref<125x16xf32, #tpu.memory_space<vmem>>
    %dma_start3A_62 = arith.constant 0 : i32
    %dma_start3A_63 = tpu.memref_slice %arg18[%dma_start3A_58, %dma_start3A_62] : memref<20x125xi32, #tpu.memory_space<vmem>> -> memref<1x125xi32, #tpu.memory_space<vmem>>
    %dma_start3A_64 = tpu.memref_squeeze %dma_start3A_63 : memref<1x125xi32, #tpu.memory_space<vmem>> -> memref<125xi32, #tpu.memory_space<vmem>>
    %dma_start3A_65 = arith.constant 0 : i32
    %dma_start3A_66 = arith.constant 0 : i32
    %dma_start3A_67 = tpu.memref_slice %arg19[%dma_start3A_65, %dma_start3A_66] : memref<2500x16xf32, #tpu.memory_space<vmem_shared>> -> memref<2500x16xf32, #tpu.memory_space<vmem_shared>>
    tpu.enqueue_indirect_dma source(%dma_start3A_61 : memref<125x16xf32, #tpu.memory_space<vmem>>) target(%dma_start3A_67 : memref<2500x16xf32, #tpu.memory_space<vmem_shared>>) offsets(%dma_start3A_64 : memref<125xi32, #tpu.memory_space<vmem>>) semaphore(%arg20 : memref<!tpu.dma_semaphore, #tpu.memory_space<semaphore_mem>>) {add = true}
    %dma_start3A_68 = arith.constant 5 : i32
    %dma_start3A_69 = arith.constant 625 : i32
    %dma_start3A_70 = arith.constant 0 : i32
    %dma_start3A_71 = tpu.memref_slice %arg17[%dma_start3A_69, %dma_start3A_70] : memref<2500x16xf32, #tpu.memory_space<vmem>> -> memref<125x16xf32, #tpu.memory_space<vmem>>
    %dma_start3A_72 = arith.constant 0 : i32
    %dma_start3A_73 = tpu.memref_slice %arg18[%dma_start3A_68, %dma_start3A_72] : memref<20x125xi32, #tpu.memory_space<vmem>> -> memref<1x125xi32, #tpu.memory_space<vmem>>
    %dma_start3A_74 = tpu.memref_squeeze %dma_start3A_73 : memref<1x125xi32, #tpu.memory_space<vmem>> -> memref<125xi32, #tpu.memory_space<vmem>>
    %dma_start3A_75 = arith.constant 0 : i32
    %dma_start3A_76 = arith.constant 0 : i32
    %dma_start3A_77 = tpu.memref_slice %arg19[%dma_start3A_75, %dma_start3A_76] : memref<2500x16xf32, #tpu.memory_space<vmem_shared>> -> memref<2500x16xf32, #tpu.memory_space<vmem_shared>>
    tpu.enqueue_indirect_dma source(%dma_start3A_71 : memref<125x16xf32, #tpu.memory_space<vmem>>) target(%dma_start3A_77 : memref<2500x16xf32, #tpu.memory_space<vmem_shared>>) offsets(%dma_start3A_74 : memref<125xi32, #tpu.memory_space<vmem>>) semaphore(%arg20 : memref<!tpu.dma_semaphore, #tpu.memory_space<semaphore_mem>>) {add = true}
    %dma_start3A_78 = arith.constant 6 : i32
    %dma_start3A_79 = arith.constant 750 : i32
    %dma_start3A_80 = arith.constant 0 : i32
    %dma_start3A_81 = tpu.memref_slice %arg17[%dma_start3A_79, %dma_start3A_80] : memref<2500x16xf32, #tpu.memory_space<vmem>> -> memref<125x16xf32, #tpu.memory_space<vmem>>
    %dma_start3A_82 = arith.constant 0 : i32
    %dma_start3A_83 = tpu.memref_slice %arg18[%dma_start3A_78, %dma_start3A_82] : memref<20x125xi32, #tpu.memory_space<vmem>> -> memref<1x125xi32, #tpu.memory_space<vmem>>
    %dma_start3A_84 = tpu.memref_squeeze %dma_start3A_83 : memref<1x125xi32, #tpu.memory_space<vmem>> -> memref<125xi32, #tpu.memory_space<vmem>>
    %dma_start3A_85 = arith.constant 0 : i32
    %dma_start3A_86 = arith.constant 0 : i32
    %dma_start3A_87 = tpu.memref_slice %arg19[%dma_start3A_85, %dma_start3A_86] : memref<2500x16xf32, #tpu.memory_space<vmem_shared>> -> memref<2500x16xf32, #tpu.memory_space<vmem_shared>>
    tpu.enqueue_indirect_dma source(%dma_start3A_81 : memref<125x16xf32, #tpu.memory_space<vmem>>) target(%dma_start3A_87 : memref<2500x16xf32, #tpu.memory_space<vmem_shared>>) offsets(%dma_start3A_84 : memref<125xi32, #tpu.memory_space<vmem>>) semaphore(%arg20 : memref<!tpu.dma_semaphore, #tpu.memory_space<semaphore_mem>>) {add = true}
    %dma_start3A_88 = arith.constant 7 : i32
    %dma_start3A_89 = arith.constant 875 : i32
    %dma_start3A_90 = arith.constant 0 : i32
    %dma_start3A_91 = tpu.memref_slice %arg17[%dma_start3A_89, %dma_start3A_90] : memref<2500x16xf32, #tpu.memory_space<vmem>> -> memref<125x16xf32, #tpu.memory_space<vmem>>
    %dma_start3A_92 = arith.constant 0 : i32
    %dma_start3A_93 = tpu.memref_slice %arg18[%dma_start3A_88, %dma_start3A_92] : memref<20x125xi32, #tpu.memory_space<vmem>> -> memref<1x125xi32, #tpu.memory_space<vmem>>
    %dma_start3A_94 = tpu.memref_squeeze %dma_start3A_93 : memref<1x125xi32, #tpu.memory_space<vmem>> -> memref<125xi32, #tpu.memory_space<vmem>>
    %dma_start3A_95 = arith.constant 0 : i32
    %dma_start3A_96 = arith.constant 0 : i32
    %dma_start3A_97 = tpu.memref_slice %arg19[%dma_start3A_95, %dma_start3A_96] : memref<2500x16xf32, #tpu.memory_space<vmem_shared>> -> memref<2500x16xf32, #tpu.memory_space<vmem_shared>>
    tpu.enqueue_indirect_dma source(%dma_start3A_91 : memref<125x16xf32, #tpu.memory_space<vmem>>) target(%dma_start3A_97 : memref<2500x16xf32, #tpu.memory_space<vmem_shared>>) offsets(%dma_start3A_94 : memref<125xi32, #tpu.memory_space<vmem>>) semaphore(%arg20 : memref<!tpu.dma_semaphore, #tpu.memory_space<semaphore_mem>>) {add = true}
    %dma_start3A_98 = arith.constant 8 : i32
    %dma_start3A_99 = arith.constant 1000 : i32
    %dma_start3A_100 = arith.constant 0 : i32
    %dma_start3A_101 = tpu.memref_slice %arg17[%dma_start3A_99, %dma_start3A_100] : memref<2500x16xf32, #tpu.memory_space<vmem>> -> memref<125x16xf32, #tpu.memory_space<vmem>>
    %dma_start3A_102 = arith.constant 0 : i32
    %dma_start3A_103 = tpu.memref_slice %arg18[%dma_start3A_98, %dma_start3A_102] : memref<20x125xi32, #tpu.memory_space<vmem>> -> memref<1x125xi32, #tpu.memory_space<vmem>>
    %dma_start3A_104 = tpu.memref_squeeze %dma_start3A_103 : memref<1x125xi32, #tpu.memory_space<vmem>> -> memref<125xi32, #tpu.memory_space<vmem>>
    %dma_start3A_105 = arith.constant 0 : i32
    %dma_start3A_106 = arith.constant 0 : i32
    %dma_start3A_107 = tpu.memref_slice %arg19[%dma_start3A_105, %dma_start3A_106] : memref<2500x16xf32, #tpu.memory_space<vmem_shared>> -> memref<2500x16xf32, #tpu.memory_space<vmem_shared>>
    tpu.enqueue_indirect_dma source(%dma_start3A_101 : memref<125x16xf32, #tpu.memory_space<vmem>>) target(%dma_start3A_107 : memref<2500x16xf32, #tpu.memory_space<vmem_shared>>) offsets(%dma_start3A_104 : memref<125xi32, #tpu.memory_space<vmem>>) semaphore(%arg20 : memref<!tpu.dma_semaphore, #tpu.memory_space<semaphore_mem>>) {add = true}
    %dma_start3A_108 = arith.constant 9 : i32
    %dma_start3A_109 = arith.constant 1125 : i32
    %dma_start3A_110 = arith.constant 0 : i32
    %dma_start3A_111 = tpu.memref_slice %arg17[%dma_start3A_109, %dma_start3A_110] : memref<2500x16xf32, #tpu.memory_space<vmem>> -> memref<125x16xf32, #tpu.memory_space<vmem>>
    %dma_start3A_112 = arith.constant 0 : i32
    %dma_start3A_113 = tpu.memref_slice %arg18[%dma_start3A_108, %dma_start3A_112] : memref<20x125xi32, #tpu.memory_space<vmem>> -> memref<1x125xi32, #tpu.memory_space<vmem>>
    %dma_start3A_114 = tpu.memref_squeeze %dma_start3A_113 : memref<1x125xi32, #tpu.memory_space<vmem>> -> memref<125xi32, #tpu.memory_space<vmem>>
    %dma_start3A_115 = arith.constant 0 : i32
    %dma_start3A_116 = arith.constant 0 : i32
    %dma_start3A_117 = tpu.memref_slice %arg19[%dma_start3A_115, %dma_start3A_116] : memref<2500x16xf32, #tpu.memory_space<vmem_shared>> -> memref<2500x16xf32, #tpu.memory_space<vmem_shared>>
    tpu.enqueue_indirect_dma source(%dma_start3A_111 : memref<125x16xf32, #tpu.memory_space<vmem>>) target(%dma_start3A_117 : memref<2500x16xf32, #tpu.memory_space<vmem_shared>>) offsets(%dma_start3A_114 : memref<125xi32, #tpu.memory_space<vmem>>) semaphore(%arg20 : memref<!tpu.dma_semaphore, #tpu.memory_space<semaphore_mem>>) {add = true}
    %dma_start3A_118 = arith.constant 10 : i32
    %dma_start3A_119 = arith.constant 1250 : i32
    %dma_start3A_120 = arith.constant 0 : i32
    %dma_start3A_121 = tpu.memref_slice %arg17[%dma_start3A_119, %dma_start3A_120] : memref<2500x16xf32, #tpu.memory_space<vmem>> -> memref<125x16xf32, #tpu.memory_space<vmem>>
    %dma_start3A_122 = arith.constant 0 : i32
    %dma_start3A_123 = tpu.memref_slice %arg18[%dma_start3A_118, %dma_start3A_122] : memref<20x125xi32, #tpu.memory_space<vmem>> -> memref<1x125xi32, #tpu.memory_space<vmem>>
    %dma_start3A_124 = tpu.memref_squeeze %dma_start3A_123 : memref<1x125xi32, #tpu.memory_space<vmem>> -> memref<125xi32, #tpu.memory_space<vmem>>
    %dma_start3A_125 = arith.constant 0 : i32
    %dma_start3A_126 = arith.constant 0 : i32
    %dma_start3A_127 = tpu.memref_slice %arg19[%dma_start3A_125, %dma_start3A_126] : memref<2500x16xf32, #tpu.memory_space<vmem_shared>> -> memref<2500x16xf32, #tpu.memory_space<vmem_shared>>
    tpu.enqueue_indirect_dma source(%dma_start3A_121 : memref<125x16xf32, #tpu.memory_space<vmem>>) target(%dma_start3A_127 : memref<2500x16xf32, #tpu.memory_space<vmem_shared>>) offsets(%dma_start3A_124 : memref<125xi32, #tpu.memory_space<vmem>>) semaphore(%arg20 : memref<!tpu.dma_semaphore, #tpu.memory_space<semaphore_mem>>) {add = true}
    %dma_start3A_128 = arith.constant 11 : i32
    %dma_start3A_129 = arith.constant 1375 : i32
    %dma_start3A_130 = arith.constant 0 : i32
    %dma_start3A_131 = tpu.memref_slice %arg17[%dma_start3A_129, %dma_start3A_130] : memref<2500x16xf32, #tpu.memory_space<vmem>> -> memref<125x16xf32, #tpu.memory_space<vmem>>
    %dma_start3A_132 = arith.constant 0 : i32
    %dma_start3A_133 = tpu.memref_slice %arg18[%dma_start3A_128, %dma_start3A_132] : memref<20x125xi32, #tpu.memory_space<vmem>> -> memref<1x125xi32, #tpu.memory_space<vmem>>
    %dma_start3A_134 = tpu.memref_squeeze %dma_start3A_133 : memref<1x125xi32, #tpu.memory_space<vmem>> -> memref<125xi32, #tpu.memory_space<vmem>>
    %dma_start3A_135 = arith.constant 0 : i32
    %dma_start3A_136 = arith.constant 0 : i32
    %dma_start3A_137 = tpu.memref_slice %arg19[%dma_start3A_135, %dma_start3A_136] : memref<2500x16xf32, #tpu.memory_space<vmem_shared>> -> memref<2500x16xf32, #tpu.memory_space<vmem_shared>>
    tpu.enqueue_indirect_dma source(%dma_start3A_131 : memref<125x16xf32, #tpu.memory_space<vmem>>) target(%dma_start3A_137 : memref<2500x16xf32, #tpu.memory_space<vmem_shared>>) offsets(%dma_start3A_134 : memref<125xi32, #tpu.memory_space<vmem>>) semaphore(%arg20 : memref<!tpu.dma_semaphore, #tpu.memory_space<semaphore_mem>>) {add = true}
    %dma_start3A_138 = arith.constant 12 : i32
    %dma_start3A_139 = arith.constant 1500 : i32
    %dma_start3A_140 = arith.constant 0 : i32
    %dma_start3A_141 = tpu.memref_slice %arg17[%dma_start3A_139, %dma_start3A_140] : memref<2500x16xf32, #tpu.memory_space<vmem>> -> memref<125x16xf32, #tpu.memory_space<vmem>>
    %dma_start3A_142 = arith.constant 0 : i32
    %dma_start3A_143 = tpu.memref_slice %arg18[%dma_start3A_138, %dma_start3A_142] : memref<20x125xi32, #tpu.memory_space<vmem>> -> memref<1x125xi32, #tpu.memory_space<vmem>>
    %dma_start3A_144 = tpu.memref_squeeze %dma_start3A_143 : memref<1x125xi32, #tpu.memory_space<vmem>> -> memref<125xi32, #tpu.memory_space<vmem>>
    %dma_start3A_145 = arith.constant 0 : i32
    %dma_start3A_146 = arith.constant 0 : i32
    %dma_start3A_147 = tpu.memref_slice %arg19[%dma_start3A_145, %dma_start3A_146] : memref<2500x16xf32, #tpu.memory_space<vmem_shared>> -> memref<2500x16xf32, #tpu.memory_space<vmem_shared>>
    tpu.enqueue_indirect_dma source(%dma_start3A_141 : memref<125x16xf32, #tpu.memory_space<vmem>>) target(%dma_start3A_147 : memref<2500x16xf32, #tpu.memory_space<vmem_shared>>) offsets(%dma_start3A_144 : memref<125xi32, #tpu.memory_space<vmem>>) semaphore(%arg20 : memref<!tpu.dma_semaphore, #tpu.memory_space<semaphore_mem>>) {add = true}
    %dma_start3A_148 = arith.constant 13 : i32
    %dma_start3A_149 = arith.constant 1625 : i32
    %dma_start3A_150 = arith.constant 0 : i32
    %dma_start3A_151 = tpu.memref_slice %arg17[%dma_start3A_149, %dma_start3A_150] : memref<2500x16xf32, #tpu.memory_space<vmem>> -> memref<125x16xf32, #tpu.memory_space<vmem>>
    %dma_start3A_152 = arith.constant 0 : i32
    %dma_start3A_153 = tpu.memref_slice %arg18[%dma_start3A_148, %dma_start3A_152] : memref<20x125xi32, #tpu.memory_space<vmem>> -> memref<1x125xi32, #tpu.memory_space<vmem>>
    %dma_start3A_154 = tpu.memref_squeeze %dma_start3A_153 : memref<1x125xi32, #tpu.memory_space<vmem>> -> memref<125xi32, #tpu.memory_space<vmem>>
    %dma_start3A_155 = arith.constant 0 : i32
    %dma_start3A_156 = arith.constant 0 : i32
    %dma_start3A_157 = tpu.memref_slice %arg19[%dma_start3A_155, %dma_start3A_156] : memref<2500x16xf32, #tpu.memory_space<vmem_shared>> -> memref<2500x16xf32, #tpu.memory_space<vmem_shared>>
    tpu.enqueue_indirect_dma source(%dma_start3A_151 : memref<125x16xf32, #tpu.memory_space<vmem>>) target(%dma_start3A_157 : memref<2500x16xf32, #tpu.memory_space<vmem_shared>>) offsets(%dma_start3A_154 : memref<125xi32, #tpu.memory_space<vmem>>) semaphore(%arg20 : memref<!tpu.dma_semaphore, #tpu.memory_space<semaphore_mem>>) {add = true}
    %dma_start3A_158 = arith.constant 14 : i32
    %dma_start3A_159 = arith.constant 1750 : i32
    %dma_start3A_160 = arith.constant 0 : i32
    %dma_start3A_161 = tpu.memref_slice %arg17[%dma_start3A_159, %dma_start3A_160] : memref<2500x16xf32, #tpu.memory_space<vmem>> -> memref<125x16xf32, #tpu.memory_space<vmem>>
    %dma_start3A_162 = arith.constant 0 : i32
    %dma_start3A_163 = tpu.memref_slice %arg18[%dma_start3A_158, %dma_start3A_162] : memref<20x125xi32, #tpu.memory_space<vmem>> -> memref<1x125xi32, #tpu.memory_space<vmem>>
    %dma_start3A_164 = tpu.memref_squeeze %dma_start3A_163 : memref<1x125xi32, #tpu.memory_space<vmem>> -> memref<125xi32, #tpu.memory_space<vmem>>
    %dma_start3A_165 = arith.constant 0 : i32
    %dma_start3A_166 = arith.constant 0 : i32
    %dma_start3A_167 = tpu.memref_slice %arg19[%dma_start3A_165, %dma_start3A_166] : memref<2500x16xf32, #tpu.memory_space<vmem_shared>> -> memref<2500x16xf32, #tpu.memory_space<vmem_shared>>
    tpu.enqueue_indirect_dma source(%dma_start3A_161 : memref<125x16xf32, #tpu.memory_space<vmem>>) target(%dma_start3A_167 : memref<2500x16xf32, #tpu.memory_space<vmem_shared>>) offsets(%dma_start3A_164 : memref<125xi32, #tpu.memory_space<vmem>>) semaphore(%arg20 : memref<!tpu.dma_semaphore, #tpu.memory_space<semaphore_mem>>) {add = true}
    %dma_start3A_168 = arith.constant 15 : i32
    %dma_start3A_169 = arith.constant 1875 : i32
    %dma_start3A_170 = arith.constant 0 : i32
    %dma_start3A_171 = tpu.memref_slice %arg17[%dma_start3A_169, %dma_start3A_170] : memref<2500x16xf32, #tpu.memory_space<vmem>> -> memref<125x16xf32, #tpu.memory_space<vmem>>
    %dma_start3A_172 = arith.constant 0 : i32
    %dma_start3A_173 = tpu.memref_slice %arg18[%dma_start3A_168, %dma_start3A_172] : memref<20x125xi32, #tpu.memory_space<vmem>> -> memref<1x125xi32, #tpu.memory_space<vmem>>
    %dma_start3A_174 = tpu.memref_squeeze %dma_start3A_173 : memref<1x125xi32, #tpu.memory_space<vmem>> -> memref<125xi32, #tpu.memory_space<vmem>>
    %dma_start3A_175 = arith.constant 0 : i32
    %dma_start3A_176 = arith.constant 0 : i32
    %dma_start3A_177 = tpu.memref_slice %arg19[%dma_start3A_175, %dma_start3A_176] : memref<2500x16xf32, #tpu.memory_space<vmem_shared>> -> memref<2500x16xf32, #tpu.memory_space<vmem_shared>>
    tpu.enqueue_indirect_dma source(%dma_start3A_171 : memref<125x16xf32, #tpu.memory_space<vmem>>) target(%dma_start3A_177 : memref<2500x16xf32, #tpu.memory_space<vmem_shared>>) offsets(%dma_start3A_174 : memref<125xi32, #tpu.memory_space<vmem>>) semaphore(%arg20 : memref<!tpu.dma_semaphore, #tpu.memory_space<semaphore_mem>>) {add = true}
    %dma_start3A_178 = arith.constant 16 : i32
    %dma_start3A_179 = arith.constant 2000 : i32
    %dma_start3A_180 = arith.constant 0 : i32
    %dma_start3A_181 = tpu.memref_slice %arg17[%dma_start3A_179, %dma_start3A_180] : memref<2500x16xf32, #tpu.memory_space<vmem>> -> memref<125x16xf32, #tpu.memory_space<vmem>>
    %dma_start3A_182 = arith.constant 0 : i32
    %dma_start3A_183 = tpu.memref_slice %arg18[%dma_start3A_178, %dma_start3A_182] : memref<20x125xi32, #tpu.memory_space<vmem>> -> memref<1x125xi32, #tpu.memory_space<vmem>>
    %dma_start3A_184 = tpu.memref_squeeze %dma_start3A_183 : memref<1x125xi32, #tpu.memory_space<vmem>> -> memref<125xi32, #tpu.memory_space<vmem>>
    %dma_start3A_185 = arith.constant 0 : i32
    %dma_start3A_186 = arith.constant 0 : i32
    %dma_start3A_187 = tpu.memref_slice %arg19[%dma_start3A_185, %dma_start3A_186] : memref<2500x16xf32, #tpu.memory_space<vmem_shared>> -> memref<2500x16xf32, #tpu.memory_space<vmem_shared>>
    tpu.enqueue_indirect_dma source(%dma_start3A_181 : memref<125x16xf32, #tpu.memory_space<vmem>>) target(%dma_start3A_187 : memref<2500x16xf32, #tpu.memory_space<vmem_shared>>) offsets(%dma_start3A_184 : memref<125xi32, #tpu.memory_space<vmem>>) semaphore(%arg20 : memref<!tpu.dma_semaphore, #tpu.memory_space<semaphore_mem>>) {add = true}
    %dma_start3A_188 = arith.constant 17 : i32
    %dma_start3A_189 = arith.constant 2125 : i32
    %dma_start3A_190 = arith.constant 0 : i32
    %dma_start3A_191 = tpu.memref_slice %arg17[%dma_start3A_189, %dma_start3A_190] : memref<2500x16xf32, #tpu.memory_space<vmem>> -> memref<125x16xf32, #tpu.memory_space<vmem>>
    %dma_start3A_192 = arith.constant 0 : i32
    %dma_start3A_193 = tpu.memref_slice %arg18[%dma_start3A_188, %dma_start3A_192] : memref<20x125xi32, #tpu.memory_space<vmem>> -> memref<1x125xi32, #tpu.memory_space<vmem>>
    %dma_start3A_194 = tpu.memref_squeeze %dma_start3A_193 : memref<1x125xi32, #tpu.memory_space<vmem>> -> memref<125xi32, #tpu.memory_space<vmem>>
    %dma_start3A_195 = arith.constant 0 : i32
    %dma_start3A_196 = arith.constant 0 : i32
    %dma_start3A_197 = tpu.memref_slice %arg19[%dma_start3A_195, %dma_start3A_196] : memref<2500x16xf32, #tpu.memory_space<vmem_shared>> -> memref<2500x16xf32, #tpu.memory_space<vmem_shared>>
    tpu.enqueue_indirect_dma source(%dma_start3A_191 : memref<125x16xf32, #tpu.memory_space<vmem>>) target(%dma_start3A_197 : memref<2500x16xf32, #tpu.memory_space<vmem_shared>>) offsets(%dma_start3A_194 : memref<125xi32, #tpu.memory_space<vmem>>) semaphore(%arg20 : memref<!tpu.dma_semaphore, #tpu.memory_space<semaphore_mem>>) {add = true}
    %dma_start3A_198 = arith.constant 18 : i32
    %dma_start3A_199 = arith.constant 2250 : i32
    %dma_start3A_200 = arith.constant 0 : i32
    %dma_start3A_201 = tpu.memref_slice %arg17[%dma_start3A_199, %dma_start3A_200] : memref<2500x16xf32, #tpu.memory_space<vmem>> -> memref<125x16xf32, #tpu.memory_space<vmem>>
    %dma_start3A_202 = arith.constant 0 : i32
    %dma_start3A_203 = tpu.memref_slice %arg18[%dma_start3A_198, %dma_start3A_202] : memref<20x125xi32, #tpu.memory_space<vmem>> -> memref<1x125xi32, #tpu.memory_space<vmem>>
    %dma_start3A_204 = tpu.memref_squeeze %dma_start3A_203 : memref<1x125xi32, #tpu.memory_space<vmem>> -> memref<125xi32, #tpu.memory_space<vmem>>
    %dma_start3A_205 = arith.constant 0 : i32
    %dma_start3A_206 = arith.constant 0 : i32
    %dma_start3A_207 = tpu.memref_slice %arg19[%dma_start3A_205, %dma_start3A_206] : memref<2500x16xf32, #tpu.memory_space<vmem_shared>> -> memref<2500x16xf32, #tpu.memory_space<vmem_shared>>
    tpu.enqueue_indirect_dma source(%dma_start3A_201 : memref<125x16xf32, #tpu.memory_space<vmem>>) target(%dma_start3A_207 : memref<2500x16xf32, #tpu.memory_space<vmem_shared>>) offsets(%dma_start3A_204 : memref<125xi32, #tpu.memory_space<vmem>>) semaphore(%arg20 : memref<!tpu.dma_semaphore, #tpu.memory_space<semaphore_mem>>) {add = true}
    %dma_start3A_208 = arith.constant 19 : i32
    %dma_start3A_209 = arith.constant 2375 : i32
    %dma_start3A_210 = arith.constant 0 : i32
    %dma_start3A_211 = tpu.memref_slice %arg17[%dma_start3A_209, %dma_start3A_210] : memref<2500x16xf32, #tpu.memory_space<vmem>> -> memref<125x16xf32, #tpu.memory_space<vmem>>
    %dma_start3A_212 = arith.constant 0 : i32
    %dma_start3A_213 = tpu.memref_slice %arg18[%dma_start3A_208, %dma_start3A_212] : memref<20x125xi32, #tpu.memory_space<vmem>> -> memref<1x125xi32, #tpu.memory_space<vmem>>
    %dma_start3A_214 = tpu.memref_squeeze %dma_start3A_213 : memref<1x125xi32, #tpu.memory_space<vmem>> -> memref<125xi32, #tpu.memory_space<vmem>>
    %dma_start3A_215 = arith.constant 0 : i32
    %dma_start3A_216 = arith.constant 0 : i32
    %dma_start3A_217 = tpu.memref_slice %arg19[%dma_start3A_215, %dma_start3A_216] : memref<2500x16xf32, #tpu.memory_space<vmem_shared>> -> memref<2500x16xf32, #tpu.memory_space<vmem_shared>>
    tpu.enqueue_indirect_dma source(%dma_start3A_211 : memref<125x16xf32, #tpu.memory_space<vmem>>) target(%dma_start3A_217 : memref<2500x16xf32, #tpu.memory_space<vmem_shared>>) offsets(%dma_start3A_214 : memref<125xi32, #tpu.memory_space<vmem>>) semaphore(%arg20 : memref<!tpu.dma_semaphore, #tpu.memory_space<semaphore_mem>>) {add = true}
    %dma_wait3A = arith.constant 0 : i32
    %dma_wait3A_218 = arith.constant 0 : i32
    %dma_wait3A_219 = arith.constant 0 : i32
    %dma_wait3A_220 = tpu.memref_slice %arg17[%dma_wait3A_218, %dma_wait3A_219] : memref<2500x16xf32, #tpu.memory_space<vmem>> -> memref<125x16xf32, #tpu.memory_space<vmem>>
    %dma_wait3A_221 = arith.constant 0 : i32
    %dma_wait3A_222 = tpu.memref_slice %arg18[%dma_wait3A, %dma_wait3A_221] : memref<20x125xi32, #tpu.memory_space<vmem>> -> memref<1x125xi32, #tpu.memory_space<vmem>>
    %dma_wait3A_223 = tpu.memref_squeeze %dma_wait3A_222 : memref<1x125xi32, #tpu.memory_space<vmem>> -> memref<125xi32, #tpu.memory_space<vmem>>
    %dma_wait3A_224 = arith.constant 0 : i32
    %dma_wait3A_225 = arith.constant 0 : i32
    %dma_wait3A_226 = tpu.memref_slice %arg19[%dma_wait3A_224, %dma_wait3A_225] : memref<2500x16xf32, #tpu.memory_space<vmem_shared>> -> memref<2500x16xf32, #tpu.memory_space<vmem_shared>>
    tpu.wait_indirect_dma semaphore(%arg20 : memref<!tpu.dma_semaphore, #tpu.memory_space<semaphore_mem>>) src(%dma_wait3A_220 : memref<125x16xf32, #tpu.memory_space<vmem>>) dst(%dma_wait3A_226 : memref<2500x16xf32, #tpu.memory_space<vmem_shared>>)
    %dma_wait3A_227 = arith.constant 1 : i32
    %dma_wait3A_228 = arith.constant 125 : i32
    %dma_wait3A_229 = arith.constant 0 : i32
    %dma_wait3A_230 = tpu.memref_slice %arg17[%dma_wait3A_228, %dma_wait3A_229] : memref<2500x16xf32, #tpu.memory_space<vmem>> -> memref<125x16xf32, #tpu.memory_space<vmem>>
    %dma_wait3A_231 = arith.constant 0 : i32
    %dma_wait3A_232 = tpu.memref_slice %arg18[%dma_wait3A_227, %dma_wait3A_231] : memref<20x125xi32, #tpu.memory_space<vmem>> -> memref<1x125xi32, #tpu.memory_space<vmem>>
    %dma_wait3A_233 = tpu.memref_squeeze %dma_wait3A_232 : memref<1x125xi32, #tpu.memory_space<vmem>> -> memref<125xi32, #tpu.memory_space<vmem>>
    %dma_wait3A_234 = arith.constant 0 : i32
    %dma_wait3A_235 = arith.constant 0 : i32
    %dma_wait3A_236 = tpu.memref_slice %arg19[%dma_wait3A_234, %dma_wait3A_235] : memref<2500x16xf32, #tpu.memory_space<vmem_shared>> -> memref<2500x16xf32, #tpu.memory_space<vmem_shared>>
    tpu.wait_indirect_dma semaphore(%arg20 : memref<!tpu.dma_semaphore, #tpu.memory_space<semaphore_mem>>) src(%dma_wait3A_230 : memref<125x16xf32, #tpu.memory_space<vmem>>) dst(%dma_wait3A_236 : memref<2500x16xf32, #tpu.memory_space<vmem_shared>>)
    %dma_wait3A_237 = arith.constant 2 : i32
    %dma_wait3A_238 = arith.constant 250 : i32
    %dma_wait3A_239 = arith.constant 0 : i32
    %dma_wait3A_240 = tpu.memref_slice %arg17[%dma_wait3A_238, %dma_wait3A_239] : memref<2500x16xf32, #tpu.memory_space<vmem>> -> memref<125x16xf32, #tpu.memory_space<vmem>>
    %dma_wait3A_241 = arith.constant 0 : i32
    %dma_wait3A_242 = tpu.memref_slice %arg18[%dma_wait3A_237, %dma_wait3A_241] : memref<20x125xi32, #tpu.memory_space<vmem>> -> memref<1x125xi32, #tpu.memory_space<vmem>>
    %dma_wait3A_243 = tpu.memref_squeeze %dma_wait3A_242 : memref<1x125xi32, #tpu.memory_space<vmem>> -> memref<125xi32, #tpu.memory_space<vmem>>
    %dma_wait3A_244 = arith.constant 0 : i32
    %dma_wait3A_245 = arith.constant 0 : i32
    %dma_wait3A_246 = tpu.memref_slice %arg19[%dma_wait3A_244, %dma_wait3A_245] : memref<2500x16xf32, #tpu.memory_space<vmem_shared>> -> memref<2500x16xf32, #tpu.memory_space<vmem_shared>>
    tpu.wait_indirect_dma semaphore(%arg20 : memref<!tpu.dma_semaphore, #tpu.memory_space<semaphore_mem>>) src(%dma_wait3A_240 : memref<125x16xf32, #tpu.memory_space<vmem>>) dst(%dma_wait3A_246 : memref<2500x16xf32, #tpu.memory_space<vmem_shared>>)
    %dma_wait3A_247 = arith.constant 3 : i32
    %dma_wait3A_248 = arith.constant 375 : i32
    %dma_wait3A_249 = arith.constant 0 : i32
    %dma_wait3A_250 = tpu.memref_slice %arg17[%dma_wait3A_248, %dma_wait3A_249] : memref<2500x16xf32, #tpu.memory_space<vmem>> -> memref<125x16xf32, #tpu.memory_space<vmem>>
    %dma_wait3A_251 = arith.constant 0 : i32
    %dma_wait3A_252 = tpu.memref_slice %arg18[%dma_wait3A_247, %dma_wait3A_251] : memref<20x125xi32, #tpu.memory_space<vmem>> -> memref<1x125xi32, #tpu.memory_space<vmem>>
    %dma_wait3A_253 = tpu.memref_squeeze %dma_wait3A_252 : memref<1x125xi32, #tpu.memory_space<vmem>> -> memref<125xi32, #tpu.memory_space<vmem>>
    %dma_wait3A_254 = arith.constant 0 : i32
    %dma_wait3A_255 = arith.constant 0 : i32
    %dma_wait3A_256 = tpu.memref_slice %arg19[%dma_wait3A_254, %dma_wait3A_255] : memref<2500x16xf32, #tpu.memory_space<vmem_shared>> -> memref<2500x16xf32, #tpu.memory_space<vmem_shared>>
    tpu.wait_indirect_dma semaphore(%arg20 : memref<!tpu.dma_semaphore, #tpu.memory_space<semaphore_mem>>) src(%dma_wait3A_250 : memref<125x16xf32, #tpu.memory_space<vmem>>) dst(%dma_wait3A_256 : memref<2500x16xf32, #tpu.memory_space<vmem_shared>>)
    %dma_wait3A_257 = arith.constant 4 : i32
    %dma_wait3A_258 = arith.constant 500 : i32
    %dma_wait3A_259 = arith.constant 0 : i32
    %dma_wait3A_260 = tpu.memref_slice %arg17[%dma_wait3A_258, %dma_wait3A_259] : memref<2500x16xf32, #tpu.memory_space<vmem>> -> memref<125x16xf32, #tpu.memory_space<vmem>>
    %dma_wait3A_261 = arith.constant 0 : i32
    %dma_wait3A_262 = tpu.memref_slice %arg18[%dma_wait3A_257, %dma_wait3A_261] : memref<20x125xi32, #tpu.memory_space<vmem>> -> memref<1x125xi32, #tpu.memory_space<vmem>>
    %dma_wait3A_263 = tpu.memref_squeeze %dma_wait3A_262 : memref<1x125xi32, #tpu.memory_space<vmem>> -> memref<125xi32, #tpu.memory_space<vmem>>
    %dma_wait3A_264 = arith.constant 0 : i32
    %dma_wait3A_265 = arith.constant 0 : i32
    %dma_wait3A_266 = tpu.memref_slice %arg19[%dma_wait3A_264, %dma_wait3A_265] : memref<2500x16xf32, #tpu.memory_space<vmem_shared>> -> memref<2500x16xf32, #tpu.memory_space<vmem_shared>>
    tpu.wait_indirect_dma semaphore(%arg20 : memref<!tpu.dma_semaphore, #tpu.memory_space<semaphore_mem>>) src(%dma_wait3A_260 : memref<125x16xf32, #tpu.memory_space<vmem>>) dst(%dma_wait3A_266 : memref<2500x16xf32, #tpu.memory_space<vmem_shared>>)
    %dma_wait3A_267 = arith.constant 5 : i32
    %dma_wait3A_268 = arith.constant 625 : i32
    %dma_wait3A_269 = arith.constant 0 : i32
    %dma_wait3A_270 = tpu.memref_slice %arg17[%dma_wait3A_268, %dma_wait3A_269] : memref<2500x16xf32, #tpu.memory_space<vmem>> -> memref<125x16xf32, #tpu.memory_space<vmem>>
    %dma_wait3A_271 = arith.constant 0 : i32
    %dma_wait3A_272 = tpu.memref_slice %arg18[%dma_wait3A_267, %dma_wait3A_271] : memref<20x125xi32, #tpu.memory_space<vmem>> -> memref<1x125xi32, #tpu.memory_space<vmem>>
    %dma_wait3A_273 = tpu.memref_squeeze %dma_wait3A_272 : memref<1x125xi32, #tpu.memory_space<vmem>> -> memref<125xi32, #tpu.memory_space<vmem>>
    %dma_wait3A_274 = arith.constant 0 : i32
    %dma_wait3A_275 = arith.constant 0 : i32
    %dma_wait3A_276 = tpu.memref_slice %arg19[%dma_wait3A_274, %dma_wait3A_275] : memref<2500x16xf32, #tpu.memory_space<vmem_shared>> -> memref<2500x16xf32, #tpu.memory_space<vmem_shared>>
    tpu.wait_indirect_dma semaphore(%arg20 : memref<!tpu.dma_semaphore, #tpu.memory_space<semaphore_mem>>) src(%dma_wait3A_270 : memref<125x16xf32, #tpu.memory_space<vmem>>) dst(%dma_wait3A_276 : memref<2500x16xf32, #tpu.memory_space<vmem_shared>>)
    %dma_wait3A_277 = arith.constant 6 : i32
    %dma_wait3A_278 = arith.constant 750 : i32
    %dma_wait3A_279 = arith.constant 0 : i32
    %dma_wait3A_280 = tpu.memref_slice %arg17[%dma_wait3A_278, %dma_wait3A_279] : memref<2500x16xf32, #tpu.memory_space<vmem>> -> memref<125x16xf32, #tpu.memory_space<vmem>>
    %dma_wait3A_281 = arith.constant 0 : i32
    %dma_wait3A_282 = tpu.memref_slice %arg18[%dma_wait3A_277, %dma_wait3A_281] : memref<20x125xi32, #tpu.memory_space<vmem>> -> memref<1x125xi32, #tpu.memory_space<vmem>>
    %dma_wait3A_283 = tpu.memref_squeeze %dma_wait3A_282 : memref<1x125xi32, #tpu.memory_space<vmem>> -> memref<125xi32, #tpu.memory_space<vmem>>
    %dma_wait3A_284 = arith.constant 0 : i32
    %dma_wait3A_285 = arith.constant 0 : i32
    %dma_wait3A_286 = tpu.memref_slice %arg19[%dma_wait3A_284, %dma_wait3A_285] : memref<2500x16xf32, #tpu.memory_space<vmem_shared>> -> memref<2500x16xf32, #tpu.memory_space<vmem_shared>>
    tpu.wait_indirect_dma semaphore(%arg20 : memref<!tpu.dma_semaphore, #tpu.memory_space<semaphore_mem>>) src(%dma_wait3A_280 : memref<125x16xf32, #tpu.memory_space<vmem>>) dst(%dma_wait3A_286 : memref<2500x16xf32, #tpu.memory_space<vmem_shared>>)
    %dma_wait3A_287 = arith.constant 7 : i32
    %dma_wait3A_288 = arith.constant 875 : i32
    %dma_wait3A_289 = arith.constant 0 : i32
    %dma_wait3A_290 = tpu.memref_slice %arg17[%dma_wait3A_288, %dma_wait3A_289] : memref<2500x16xf32, #tpu.memory_space<vmem>> -> memref<125x16xf32, #tpu.memory_space<vmem>>
    %dma_wait3A_291 = arith.constant 0 : i32
    %dma_wait3A_292 = tpu.memref_slice %arg18[%dma_wait3A_287, %dma_wait3A_291] : memref<20x125xi32, #tpu.memory_space<vmem>> -> memref<1x125xi32, #tpu.memory_space<vmem>>
    %dma_wait3A_293 = tpu.memref_squeeze %dma_wait3A_292 : memref<1x125xi32, #tpu.memory_space<vmem>> -> memref<125xi32, #tpu.memory_space<vmem>>
    %dma_wait3A_294 = arith.constant 0 : i32
    %dma_wait3A_295 = arith.constant 0 : i32
    %dma_wait3A_296 = tpu.memref_slice %arg19[%dma_wait3A_294, %dma_wait3A_295] : memref<2500x16xf32, #tpu.memory_space<vmem_shared>> -> memref<2500x16xf32, #tpu.memory_space<vmem_shared>>
    tpu.wait_indirect_dma semaphore(%arg20 : memref<!tpu.dma_semaphore, #tpu.memory_space<semaphore_mem>>) src(%dma_wait3A_290 : memref<125x16xf32, #tpu.memory_space<vmem>>) dst(%dma_wait3A_296 : memref<2500x16xf32, #tpu.memory_space<vmem_shared>>)
    %dma_wait3A_297 = arith.constant 8 : i32
    %dma_wait3A_298 = arith.constant 1000 : i32
    %dma_wait3A_299 = arith.constant 0 : i32
    %dma_wait3A_300 = tpu.memref_slice %arg17[%dma_wait3A_298, %dma_wait3A_299] : memref<2500x16xf32, #tpu.memory_space<vmem>> -> memref<125x16xf32, #tpu.memory_space<vmem>>
    %dma_wait3A_301 = arith.constant 0 : i32
    %dma_wait3A_302 = tpu.memref_slice %arg18[%dma_wait3A_297, %dma_wait3A_301] : memref<20x125xi32, #tpu.memory_space<vmem>> -> memref<1x125xi32, #tpu.memory_space<vmem>>
    %dma_wait3A_303 = tpu.memref_squeeze %dma_wait3A_302 : memref<1x125xi32, #tpu.memory_space<vmem>> -> memref<125xi32, #tpu.memory_space<vmem>>
    %dma_wait3A_304 = arith.constant 0 : i32
    %dma_wait3A_305 = arith.constant 0 : i32
    %dma_wait3A_306 = tpu.memref_slice %arg19[%dma_wait3A_304, %dma_wait3A_305] : memref<2500x16xf32, #tpu.memory_space<vmem_shared>> -> memref<2500x16xf32, #tpu.memory_space<vmem_shared>>
    tpu.wait_indirect_dma semaphore(%arg20 : memref<!tpu.dma_semaphore, #tpu.memory_space<semaphore_mem>>) src(%dma_wait3A_300 : memref<125x16xf32, #tpu.memory_space<vmem>>) dst(%dma_wait3A_306 : memref<2500x16xf32, #tpu.memory_space<vmem_shared>>)
    %dma_wait3A_307 = arith.constant 9 : i32
    %dma_wait3A_308 = arith.constant 1125 : i32
    %dma_wait3A_309 = arith.constant 0 : i32
    %dma_wait3A_310 = tpu.memref_slice %arg17[%dma_wait3A_308, %dma_wait3A_309] : memref<2500x16xf32, #tpu.memory_space<vmem>> -> memref<125x16xf32, #tpu.memory_space<vmem>>
    %dma_wait3A_311 = arith.constant 0 : i32
    %dma_wait3A_312 = tpu.memref_slice %arg18[%dma_wait3A_307, %dma_wait3A_311] : memref<20x125xi32, #tpu.memory_space<vmem>> -> memref<1x125xi32, #tpu.memory_space<vmem>>
    %dma_wait3A_313 = tpu.memref_squeeze %dma_wait3A_312 : memref<1x125xi32, #tpu.memory_space<vmem>> -> memref<125xi32, #tpu.memory_space<vmem>>
    %dma_wait3A_314 = arith.constant 0 : i32
    %dma_wait3A_315 = arith.constant 0 : i32
    %dma_wait3A_316 = tpu.memref_slice %arg19[%dma_wait3A_314, %dma_wait3A_315] : memref<2500x16xf32, #tpu.memory_space<vmem_shared>> -> memref<2500x16xf32, #tpu.memory_space<vmem_shared>>
    tpu.wait_indirect_dma semaphore(%arg20 : memref<!tpu.dma_semaphore, #tpu.memory_space<semaphore_mem>>) src(%dma_wait3A_310 : memref<125x16xf32, #tpu.memory_space<vmem>>) dst(%dma_wait3A_316 : memref<2500x16xf32, #tpu.memory_space<vmem_shared>>)
    %dma_wait3A_317 = arith.constant 10 : i32
    %dma_wait3A_318 = arith.constant 1250 : i32
    %dma_wait3A_319 = arith.constant 0 : i32
    %dma_wait3A_320 = tpu.memref_slice %arg17[%dma_wait3A_318, %dma_wait3A_319] : memref<2500x16xf32, #tpu.memory_space<vmem>> -> memref<125x16xf32, #tpu.memory_space<vmem>>
    %dma_wait3A_321 = arith.constant 0 : i32
    %dma_wait3A_322 = tpu.memref_slice %arg18[%dma_wait3A_317, %dma_wait3A_321] : memref<20x125xi32, #tpu.memory_space<vmem>> -> memref<1x125xi32, #tpu.memory_space<vmem>>
    %dma_wait3A_323 = tpu.memref_squeeze %dma_wait3A_322 : memref<1x125xi32, #tpu.memory_space<vmem>> -> memref<125xi32, #tpu.memory_space<vmem>>
    %dma_wait3A_324 = arith.constant 0 : i32
    %dma_wait3A_325 = arith.constant 0 : i32
    %dma_wait3A_326 = tpu.memref_slice %arg19[%dma_wait3A_324, %dma_wait3A_325] : memref<2500x16xf32, #tpu.memory_space<vmem_shared>> -> memref<2500x16xf32, #tpu.memory_space<vmem_shared>>
    tpu.wait_indirect_dma semaphore(%arg20 : memref<!tpu.dma_semaphore, #tpu.memory_space<semaphore_mem>>) src(%dma_wait3A_320 : memref<125x16xf32, #tpu.memory_space<vmem>>) dst(%dma_wait3A_326 : memref<2500x16xf32, #tpu.memory_space<vmem_shared>>)
    %dma_wait3A_327 = arith.constant 11 : i32
    %dma_wait3A_328 = arith.constant 1375 : i32
    %dma_wait3A_329 = arith.constant 0 : i32
    %dma_wait3A_330 = tpu.memref_slice %arg17[%dma_wait3A_328, %dma_wait3A_329] : memref<2500x16xf32, #tpu.memory_space<vmem>> -> memref<125x16xf32, #tpu.memory_space<vmem>>
    %dma_wait3A_331 = arith.constant 0 : i32
    %dma_wait3A_332 = tpu.memref_slice %arg18[%dma_wait3A_327, %dma_wait3A_331] : memref<20x125xi32, #tpu.memory_space<vmem>> -> memref<1x125xi32, #tpu.memory_space<vmem>>
    %dma_wait3A_333 = tpu.memref_squeeze %dma_wait3A_332 : memref<1x125xi32, #tpu.memory_space<vmem>> -> memref<125xi32, #tpu.memory_space<vmem>>
    %dma_wait3A_334 = arith.constant 0 : i32
    %dma_wait3A_335 = arith.constant 0 : i32
    %dma_wait3A_336 = tpu.memref_slice %arg19[%dma_wait3A_334, %dma_wait3A_335] : memref<2500x16xf32, #tpu.memory_space<vmem_shared>> -> memref<2500x16xf32, #tpu.memory_space<vmem_shared>>
    tpu.wait_indirect_dma semaphore(%arg20 : memref<!tpu.dma_semaphore, #tpu.memory_space<semaphore_mem>>) src(%dma_wait3A_330 : memref<125x16xf32, #tpu.memory_space<vmem>>) dst(%dma_wait3A_336 : memref<2500x16xf32, #tpu.memory_space<vmem_shared>>)
    %dma_wait3A_337 = arith.constant 12 : i32
    %dma_wait3A_338 = arith.constant 1500 : i32
    %dma_wait3A_339 = arith.constant 0 : i32
    %dma_wait3A_340 = tpu.memref_slice %arg17[%dma_wait3A_338, %dma_wait3A_339] : memref<2500x16xf32, #tpu.memory_space<vmem>> -> memref<125x16xf32, #tpu.memory_space<vmem>>
    %dma_wait3A_341 = arith.constant 0 : i32
    %dma_wait3A_342 = tpu.memref_slice %arg18[%dma_wait3A_337, %dma_wait3A_341] : memref<20x125xi32, #tpu.memory_space<vmem>> -> memref<1x125xi32, #tpu.memory_space<vmem>>
    %dma_wait3A_343 = tpu.memref_squeeze %dma_wait3A_342 : memref<1x125xi32, #tpu.memory_space<vmem>> -> memref<125xi32, #tpu.memory_space<vmem>>
    %dma_wait3A_344 = arith.constant 0 : i32
    %dma_wait3A_345 = arith.constant 0 : i32
    %dma_wait3A_346 = tpu.memref_slice %arg19[%dma_wait3A_344, %dma_wait3A_345] : memref<2500x16xf32, #tpu.memory_space<vmem_shared>> -> memref<2500x16xf32, #tpu.memory_space<vmem_shared>>
    tpu.wait_indirect_dma semaphore(%arg20 : memref<!tpu.dma_semaphore, #tpu.memory_space<semaphore_mem>>) src(%dma_wait3A_340 : memref<125x16xf32, #tpu.memory_space<vmem>>) dst(%dma_wait3A_346 : memref<2500x16xf32, #tpu.memory_space<vmem_shared>>)
    %dma_wait3A_347 = arith.constant 13 : i32
    %dma_wait3A_348 = arith.constant 1625 : i32
    %dma_wait3A_349 = arith.constant 0 : i32
    %dma_wait3A_350 = tpu.memref_slice %arg17[%dma_wait3A_348, %dma_wait3A_349] : memref<2500x16xf32, #tpu.memory_space<vmem>> -> memref<125x16xf32, #tpu.memory_space<vmem>>
    %dma_wait3A_351 = arith.constant 0 : i32
    %dma_wait3A_352 = tpu.memref_slice %arg18[%dma_wait3A_347, %dma_wait3A_351] : memref<20x125xi32, #tpu.memory_space<vmem>> -> memref<1x125xi32, #tpu.memory_space<vmem>>
    %dma_wait3A_353 = tpu.memref_squeeze %dma_wait3A_352 : memref<1x125xi32, #tpu.memory_space<vmem>> -> memref<125xi32, #tpu.memory_space<vmem>>
    %dma_wait3A_354 = arith.constant 0 : i32
    %dma_wait3A_355 = arith.constant 0 : i32
    %dma_wait3A_356 = tpu.memref_slice %arg19[%dma_wait3A_354, %dma_wait3A_355] : memref<2500x16xf32, #tpu.memory_space<vmem_shared>> -> memref<2500x16xf32, #tpu.memory_space<vmem_shared>>
    tpu.wait_indirect_dma semaphore(%arg20 : memref<!tpu.dma_semaphore, #tpu.memory_space<semaphore_mem>>) src(%dma_wait3A_350 : memref<125x16xf32, #tpu.memory_space<vmem>>) dst(%dma_wait3A_356 : memref<2500x16xf32, #tpu.memory_space<vmem_shared>>)
    %dma_wait3A_357 = arith.constant 14 : i32
    %dma_wait3A_358 = arith.constant 1750 : i32
    %dma_wait3A_359 = arith.constant 0 : i32
    %dma_wait3A_360 = tpu.memref_slice %arg17[%dma_wait3A_358, %dma_wait3A_359] : memref<2500x16xf32, #tpu.memory_space<vmem>> -> memref<125x16xf32, #tpu.memory_space<vmem>>
    %dma_wait3A_361 = arith.constant 0 : i32
    %dma_wait3A_362 = tpu.memref_slice %arg18[%dma_wait3A_357, %dma_wait3A_361] : memref<20x125xi32, #tpu.memory_space<vmem>> -> memref<1x125xi32, #tpu.memory_space<vmem>>
    %dma_wait3A_363 = tpu.memref_squeeze %dma_wait3A_362 : memref<1x125xi32, #tpu.memory_space<vmem>> -> memref<125xi32, #tpu.memory_space<vmem>>
    %dma_wait3A_364 = arith.constant 0 : i32
    %dma_wait3A_365 = arith.constant 0 : i32
    %dma_wait3A_366 = tpu.memref_slice %arg19[%dma_wait3A_364, %dma_wait3A_365] : memref<2500x16xf32, #tpu.memory_space<vmem_shared>> -> memref<2500x16xf32, #tpu.memory_space<vmem_shared>>
    tpu.wait_indirect_dma semaphore(%arg20 : memref<!tpu.dma_semaphore, #tpu.memory_space<semaphore_mem>>) src(%dma_wait3A_360 : memref<125x16xf32, #tpu.memory_space<vmem>>) dst(%dma_wait3A_366 : memref<2500x16xf32, #tpu.memory_space<vmem_shared>>)
    %dma_wait3A_367 = arith.constant 15 : i32
    %dma_wait3A_368 = arith.constant 1875 : i32
    %dma_wait3A_369 = arith.constant 0 : i32
    %dma_wait3A_370 = tpu.memref_slice %arg17[%dma_wait3A_368, %dma_wait3A_369] : memref<2500x16xf32, #tpu.memory_space<vmem>> -> memref<125x16xf32, #tpu.memory_space<vmem>>
    %dma_wait3A_371 = arith.constant 0 : i32
    %dma_wait3A_372 = tpu.memref_slice %arg18[%dma_wait3A_367, %dma_wait3A_371] : memref<20x125xi32, #tpu.memory_space<vmem>> -> memref<1x125xi32, #tpu.memory_space<vmem>>
    %dma_wait3A_373 = tpu.memref_squeeze %dma_wait3A_372 : memref<1x125xi32, #tpu.memory_space<vmem>> -> memref<125xi32, #tpu.memory_space<vmem>>
    %dma_wait3A_374 = arith.constant 0 : i32
    %dma_wait3A_375 = arith.constant 0 : i32
    %dma_wait3A_376 = tpu.memref_slice %arg19[%dma_wait3A_374, %dma_wait3A_375] : memref<2500x16xf32, #tpu.memory_space<vmem_shared>> -> memref<2500x16xf32, #tpu.memory_space<vmem_shared>>
    tpu.wait_indirect_dma semaphore(%arg20 : memref<!tpu.dma_semaphore, #tpu.memory_space<semaphore_mem>>) src(%dma_wait3A_370 : memref<125x16xf32, #tpu.memory_space<vmem>>) dst(%dma_wait3A_376 : memref<2500x16xf32, #tpu.memory_space<vmem_shared>>)
    %dma_wait3A_377 = arith.constant 16 : i32
    %dma_wait3A_378 = arith.constant 2000 : i32
    %dma_wait3A_379 = arith.constant 0 : i32
    %dma_wait3A_380 = tpu.memref_slice %arg17[%dma_wait3A_378, %dma_wait3A_379] : memref<2500x16xf32, #tpu.memory_space<vmem>> -> memref<125x16xf32, #tpu.memory_space<vmem>>
    %dma_wait3A_381 = arith.constant 0 : i32
    %dma_wait3A_382 = tpu.memref_slice %arg18[%dma_wait3A_377, %dma_wait3A_381] : memref<20x125xi32, #tpu.memory_space<vmem>> -> memref<1x125xi32, #tpu.memory_space<vmem>>
    %dma_wait3A_383 = tpu.memref_squeeze %dma_wait3A_382 : memref<1x125xi32, #tpu.memory_space<vmem>> -> memref<125xi32, #tpu.memory_space<vmem>>
    %dma_wait3A_384 = arith.constant 0 : i32
    %dma_wait3A_385 = arith.constant 0 : i32
    %dma_wait3A_386 = tpu.memref_slice %arg19[%dma_wait3A_384, %dma_wait3A_385] : memref<2500x16xf32, #tpu.memory_space<vmem_shared>> -> memref<2500x16xf32, #tpu.memory_space<vmem_shared>>
    tpu.wait_indirect_dma semaphore(%arg20 : memref<!tpu.dma_semaphore, #tpu.memory_space<semaphore_mem>>) src(%dma_wait3A_380 : memref<125x16xf32, #tpu.memory_space<vmem>>) dst(%dma_wait3A_386 : memref<2500x16xf32, #tpu.memory_space<vmem_shared>>)
    %dma_wait3A_387 = arith.constant 17 : i32
    %dma_wait3A_388 = arith.constant 2125 : i32
    %dma_wait3A_389 = arith.constant 0 : i32
    %dma_wait3A_390 = tpu.memref_slice %arg17[%dma_wait3A_388, %dma_wait3A_389] : memref<2500x16xf32, #tpu.memory_space<vmem>> -> memref<125x16xf32, #tpu.memory_space<vmem>>
    %dma_wait3A_391 = arith.constant 0 : i32
    %dma_wait3A_392 = tpu.memref_slice %arg18[%dma_wait3A_387, %dma_wait3A_391] : memref<20x125xi32, #tpu.memory_space<vmem>> -> memref<1x125xi32, #tpu.memory_space<vmem>>
    %dma_wait3A_393 = tpu.memref_squeeze %dma_wait3A_392 : memref<1x125xi32, #tpu.memory_space<vmem>> -> memref<125xi32, #tpu.memory_space<vmem>>
    %dma_wait3A_394 = arith.constant 0 : i32
    %dma_wait3A_395 = arith.constant 0 : i32
    %dma_wait3A_396 = tpu.memref_slice %arg19[%dma_wait3A_394, %dma_wait3A_395] : memref<2500x16xf32, #tpu.memory_space<vmem_shared>> -> memref<2500x16xf32, #tpu.memory_space<vmem_shared>>
    tpu.wait_indirect_dma semaphore(%arg20 : memref<!tpu.dma_semaphore, #tpu.memory_space<semaphore_mem>>) src(%dma_wait3A_390 : memref<125x16xf32, #tpu.memory_space<vmem>>) dst(%dma_wait3A_396 : memref<2500x16xf32, #tpu.memory_space<vmem_shared>>)
    %dma_wait3A_397 = arith.constant 18 : i32
    %dma_wait3A_398 = arith.constant 2250 : i32
    %dma_wait3A_399 = arith.constant 0 : i32
    %dma_wait3A_400 = tpu.memref_slice %arg17[%dma_wait3A_398, %dma_wait3A_399] : memref<2500x16xf32, #tpu.memory_space<vmem>> -> memref<125x16xf32, #tpu.memory_space<vmem>>
    %dma_wait3A_401 = arith.constant 0 : i32
    %dma_wait3A_402 = tpu.memref_slice %arg18[%dma_wait3A_397, %dma_wait3A_401] : memref<20x125xi32, #tpu.memory_space<vmem>> -> memref<1x125xi32, #tpu.memory_space<vmem>>
    %dma_wait3A_403 = tpu.memref_squeeze %dma_wait3A_402 : memref<1x125xi32, #tpu.memory_space<vmem>> -> memref<125xi32, #tpu.memory_space<vmem>>
    %dma_wait3A_404 = arith.constant 0 : i32
    %dma_wait3A_405 = arith.constant 0 : i32
    %dma_wait3A_406 = tpu.memref_slice %arg19[%dma_wait3A_404, %dma_wait3A_405] : memref<2500x16xf32, #tpu.memory_space<vmem_shared>> -> memref<2500x16xf32, #tpu.memory_space<vmem_shared>>
    tpu.wait_indirect_dma semaphore(%arg20 : memref<!tpu.dma_semaphore, #tpu.memory_space<semaphore_mem>>) src(%dma_wait3A_400 : memref<125x16xf32, #tpu.memory_space<vmem>>) dst(%dma_wait3A_406 : memref<2500x16xf32, #tpu.memory_space<vmem_shared>>)
    %dma_wait3A_407 = arith.constant 19 : i32
    %dma_wait3A_408 = arith.constant 2375 : i32
    %dma_wait3A_409 = arith.constant 0 : i32
    %dma_wait3A_410 = tpu.memref_slice %arg17[%dma_wait3A_408, %dma_wait3A_409] : memref<2500x16xf32, #tpu.memory_space<vmem>> -> memref<125x16xf32, #tpu.memory_space<vmem>>
    %dma_wait3A_411 = arith.constant 0 : i32
    %dma_wait3A_412 = tpu.memref_slice %arg18[%dma_wait3A_407, %dma_wait3A_411] : memref<20x125xi32, #tpu.memory_space<vmem>> -> memref<1x125xi32, #tpu.memory_space<vmem>>
    %dma_wait3A_413 = tpu.memref_squeeze %dma_wait3A_412 : memref<1x125xi32, #tpu.memory_space<vmem>> -> memref<125xi32, #tpu.memory_space<vmem>>
    %dma_wait3A_414 = arith.constant 0 : i32
    %dma_wait3A_415 = arith.constant 0 : i32
    %dma_wait3A_416 = tpu.memref_slice %arg19[%dma_wait3A_414, %dma_wait3A_415] : memref<2500x16xf32, #tpu.memory_space<vmem_shared>> -> memref<2500x16xf32, #tpu.memory_space<vmem_shared>>
    tpu.wait_indirect_dma semaphore(%arg20 : memref<!tpu.dma_semaphore, #tpu.memory_space<semaphore_mem>>) src(%dma_wait3A_410 : memref<125x16xf32, #tpu.memory_space<vmem>>) dst(%dma_wait3A_416 : memref<2500x16xf32, #tpu.memory_space<vmem_shared>>)
    %barrier3A_417 = arith.constant 0 : index
    tpu.barrier barrier_id(%barrier3A_417)
    %eq3A_418 = arith.constant 0 : i32
    %eq3A_419 = arith.cmpi eq, %arg1, %eq3A_418 : i32
    %convert_element_type3A_420 = arith.extui %eq3A_419 : i1 to i32
    %cond3A_421 = arith.constant 0 : i32
    %cond3A_422 = arith.cmpi ne, %convert_element_type3A_420, %cond3A_421 : i32
    scf.if %cond3A_422 {
      "tpu.region"() ({
        %run_scoped3A = tpu.sem_alloc : memref<!tpu.dma_semaphore, #tpu.memory_space<semaphore_mem>>
        %dma_start3A_423 = arith.constant 0 : i32
        %dma_start3A_424 = arith.constant 0 : i32
        %dma_start3A_425 = tpu.memref_slice %arg9[%arg0, %dma_start3A_423, %dma_start3A_424] : memref<2x2500x16xf32, #tpu.memory_space<hbm>> -> memref<1x2500x16xf32, #tpu.memory_space<hbm>>
        %dma_start3A_426 = tpu.memref_squeeze %dma_start3A_425 : memref<1x2500x16xf32, #tpu.memory_space<hbm>> -> memref<2500x16xf32, #tpu.memory_space<hbm>>
        tpu.enqueue_dma source(%arg19 : memref<2500x16xf32, #tpu.memory_space<vmem_shared>>) target(%dma_start3A_426 : memref<2500x16xf32, #tpu.memory_space<hbm>>) target_semaphore(%run_scoped3A : memref<!tpu.dma_semaphore, #tpu.memory_space<semaphore_mem>>)
        %dma_wait3A_427 = arith.constant 0 : i32
        %dma_wait3A_428 = arith.constant 0 : i32
        %dma_wait3A_429 = tpu.memref_slice %arg9[%arg0, %dma_wait3A_427, %dma_wait3A_428] : memref<2x2500x16xf32, #tpu.memory_space<hbm>> -> memref<1x2500x16xf32, #tpu.memory_space<hbm>>
        %dma_wait3A_430 = tpu.memref_squeeze %dma_wait3A_429 : memref<1x2500x16xf32, #tpu.memory_space<hbm>> -> memref<2500x16xf32, #tpu.memory_space<hbm>>
        tpu.wait_dma2 semaphore(%run_scoped3A : memref<!tpu.dma_semaphore, #tpu.memory_space<semaphore_mem>>) src(%arg19 : memref<2500x16xf32, #tpu.memory_space<vmem_shared>>) dst(%dma_wait3A_430 : memref<2500x16xf32, #tpu.memory_space<hbm>>)
        tpu.yield
      }) : () -> ()
    } else {
    }
    return
  }
}

#map = affine_map<(d0, d1) -> (0, 0, 0)>
#map1 = affine_map<(d0, d1) -> (0, 0)>
module attributes {stable_mosaic.version = 14 : i64} {
  func.func @_gine_sc(%arg0: i32, %arg1: i32, %arg2: memref<2x1280x125xi32, #tpu.memory_space<hbm>>, %arg3: memref<1280x125xi32, #tpu.memory_space<hbm>>, %arg4: memref<20000x64xf32, #tpu.memory_space<hbm>>, %arg5: memref<2x160000x64xf32, #tpu.memory_space<hbm>>, %arg6: memref<625x64xf32, #tpu.memory_space<hbm>>, %arg7: memref<2x10000x64xf32, #tpu.memory_space<hbm>>, %arg8: memref<4x125xi32, #tpu.memory_space<vmem>>, %arg9: memref<4x125xi32, #tpu.memory_space<vmem>>, %arg10: memref<500x64xf32, #tpu.memory_space<vmem>>, %arg11: memref<500x64xf32, #tpu.memory_space<vmem>>, %arg12: memref<10000x64xf32, #tpu.memory_space<vmem_shared>>, %arg13: memref<!tpu.dma_semaphore, #tpu.memory_space<semaphore_mem>>, %arg14: memref<!tpu.dma_semaphore, #tpu.memory_space<semaphore_mem>>) attributes {dimension_semantics = [#tpu.dimension_semantics<core_parallel>, #tpu.dimension_semantics<subcore_parallel>], iteration_bounds = array<i64: 2, 16>, scalar_prefetch = 0 : i64, scratch_operands = 7 : i64, tpu.core_type = #tpu.core_type<sc_vector_subcore>, window_params = [{transform_indices = #map}, {transform_indices = #map1}, {transform_indices = #map1}, {transform_indices = #map}, {transform_indices = #map1}, {transform_indices = #map}]} {
    %mul3A = arith.constant 625 : i32
    %mul3A_0 = arith.muli %arg1, %mul3A : i32
    "tpu.region"() ({
      %run_scoped3A = tpu.sem_alloc : memref<!tpu.dma_semaphore, #tpu.memory_space<semaphore_mem>>
      %dma_start3A = arith.constant 0 : i32
      %dma_start3A_9 = tpu.memref_slice %arg12[%mul3A_0, %dma_start3A] : memref<10000x64xf32, #tpu.memory_space<vmem_shared>> -> memref<625x64xf32, #tpu.memory_space<vmem_shared>>
      tpu.enqueue_dma source(%arg6 : memref<625x64xf32, #tpu.memory_space<hbm>>) target(%dma_start3A_9 : memref<625x64xf32, #tpu.memory_space<vmem_shared>>) target_semaphore(%run_scoped3A : memref<!tpu.dma_semaphore, #tpu.memory_space<semaphore_mem>>)
      %dma_wait3A = arith.constant 0 : i32
      %dma_wait3A_10 = tpu.memref_slice %arg12[%mul3A_0, %dma_wait3A] : memref<10000x64xf32, #tpu.memory_space<vmem_shared>> -> memref<625x64xf32, #tpu.memory_space<vmem_shared>>
      tpu.wait_dma2 semaphore(%run_scoped3A : memref<!tpu.dma_semaphore, #tpu.memory_space<semaphore_mem>>) src(%arg6 : memref<625x64xf32, #tpu.memory_space<hbm>>) dst(%dma_wait3A_10 : memref<625x64xf32, #tpu.memory_space<vmem_shared>>)
      tpu.yield
    }) : () -> ()
    %barrier3A = arith.constant 0 : index
    tpu.barrier barrier_id(%barrier3A)
    %scan3A = arith.constant 0 : i32
    %scan3A_1 = arith.constant 0 : i32
    %scan3A_2 = arith.constant 20 : i32
    %scan3A_3 = arith.addi %scan3A_1, %scan3A_2 : i32
    %scan3A_4 = arith.constant 1 : i32
    scf.for %scan3A_9 = %scan3A_1 to %scan3A_3 step %scan3A_4  : i32 {
      %mul3A_10 = arith.constant 10000 : i32
      %mul3A_11 = arith.muli %arg1, %mul3A_10 : i32
      %mul3A_12 = arith.constant 500 : i32
      %mul3A_13 = arith.muli %scan3A_9, %mul3A_12 : i32
      %add3A = arith.addi %mul3A_11, %mul3A_13 : i32
      %mul3A_14 = arith.constant 80 : i32
      %mul3A_15 = arith.muli %arg1, %mul3A_14 : i32
      %mul3A_16 = arith.constant 4 : i32
      %mul3A_17 = arith.muli %scan3A_9, %mul3A_16 : i32
      %add3A_18 = arith.addi %mul3A_15, %mul3A_17 : i32
      "tpu.region"() ({
        %run_scoped3A = tpu.sem_alloc : memref<!tpu.dma_semaphore, #tpu.memory_space<semaphore_mem>>
        %dma_start3A_183 = arith.constant 0 : i32
        %dma_start3A_184 = tpu.memref_slice %arg2[%arg0, %add3A_18, %dma_start3A_183] : memref<2x1280x125xi32, #tpu.memory_space<hbm>> -> memref<1x4x125xi32, #tpu.memory_space<hbm>>
        %dma_start3A_185 = tpu.memref_squeeze %dma_start3A_184 : memref<1x4x125xi32, #tpu.memory_space<hbm>> -> memref<4x125xi32, #tpu.memory_space<hbm>>
        %dma_start3A_186 = arith.constant 0 : i32
        %dma_start3A_187 = tpu.memref_slice %arg2[%arg0, %add3A_18, %dma_start3A_186] : memref<2x1280x125xi32, #tpu.memory_space<hbm>> -> memref<1x4x125xi32, #tpu.memory_space<hbm>>
        %dma_start3A_188 = tpu.memref_squeeze %dma_start3A_187 : memref<1x4x125xi32, #tpu.memory_space<hbm>> -> memref<4x125xi32, #tpu.memory_space<hbm>>
        tpu.enqueue_dma source(%dma_start3A_188 : memref<4x125xi32, #tpu.memory_space<hbm>>) target(%arg8 : memref<4x125xi32, #tpu.memory_space<vmem>>) target_semaphore(%run_scoped3A : memref<!tpu.dma_semaphore, #tpu.memory_space<semaphore_mem>>)
        %dma_wait3A_189 = arith.constant 0 : i32
        %dma_wait3A_190 = tpu.memref_slice %arg2[%arg0, %add3A_18, %dma_wait3A_189] : memref<2x1280x125xi32, #tpu.memory_space<hbm>> -> memref<1x4x125xi32, #tpu.memory_space<hbm>>
        %dma_wait3A_191 = tpu.memref_squeeze %dma_wait3A_190 : memref<1x4x125xi32, #tpu.memory_space<hbm>> -> memref<4x125xi32, #tpu.memory_space<hbm>>
        %dma_wait3A_192 = arith.constant 0 : i32
        %dma_wait3A_193 = tpu.memref_slice %arg2[%arg0, %add3A_18, %dma_wait3A_192] : memref<2x1280x125xi32, #tpu.memory_space<hbm>> -> memref<1x4x125xi32, #tpu.memory_space<hbm>>
        %dma_wait3A_194 = tpu.memref_squeeze %dma_wait3A_193 : memref<1x4x125xi32, #tpu.memory_space<hbm>> -> memref<4x125xi32, #tpu.memory_space<hbm>>
        tpu.wait_dma2 semaphore(%run_scoped3A : memref<!tpu.dma_semaphore, #tpu.memory_space<semaphore_mem>>) src(%dma_wait3A_194 : memref<4x125xi32, #tpu.memory_space<hbm>>) dst(%arg8 : memref<4x125xi32, #tpu.memory_space<vmem>>)
        tpu.yield
      }) : () -> ()
      "tpu.region"() ({
        %run_scoped3A = tpu.sem_alloc : memref<!tpu.dma_semaphore, #tpu.memory_space<semaphore_mem>>
        %dma_start3A_183 = arith.constant 0 : i32
        %dma_start3A_184 = tpu.memref_slice %arg3[%add3A_18, %dma_start3A_183] : memref<1280x125xi32, #tpu.memory_space<hbm>> -> memref<4x125xi32, #tpu.memory_space<hbm>>
        %dma_start3A_185 = arith.constant 0 : i32
        %dma_start3A_186 = tpu.memref_slice %arg3[%add3A_18, %dma_start3A_185] : memref<1280x125xi32, #tpu.memory_space<hbm>> -> memref<4x125xi32, #tpu.memory_space<hbm>>
        tpu.enqueue_dma source(%dma_start3A_186 : memref<4x125xi32, #tpu.memory_space<hbm>>) target(%arg9 : memref<4x125xi32, #tpu.memory_space<vmem>>) target_semaphore(%run_scoped3A : memref<!tpu.dma_semaphore, #tpu.memory_space<semaphore_mem>>)
        %dma_wait3A_187 = arith.constant 0 : i32
        %dma_wait3A_188 = tpu.memref_slice %arg3[%add3A_18, %dma_wait3A_187] : memref<1280x125xi32, #tpu.memory_space<hbm>> -> memref<4x125xi32, #tpu.memory_space<hbm>>
        %dma_wait3A_189 = arith.constant 0 : i32
        %dma_wait3A_190 = tpu.memref_slice %arg3[%add3A_18, %dma_wait3A_189] : memref<1280x125xi32, #tpu.memory_space<hbm>> -> memref<4x125xi32, #tpu.memory_space<hbm>>
        tpu.wait_dma2 semaphore(%run_scoped3A : memref<!tpu.dma_semaphore, #tpu.memory_space<semaphore_mem>>) src(%dma_wait3A_190 : memref<4x125xi32, #tpu.memory_space<hbm>>) dst(%arg9 : memref<4x125xi32, #tpu.memory_space<vmem>>)
        tpu.yield
      }) : () -> ()
      %dma_start3A = arith.constant 0 : i32
      %dma_start3A_19 = arith.constant 0 : i32
      %dma_start3A_20 = arith.constant 0 : i32
      %dma_start3A_21 = tpu.memref_slice %arg10[%dma_start3A_19, %dma_start3A_20] : memref<500x64xf32, #tpu.memory_space<vmem>> -> memref<125x64xf32, #tpu.memory_space<vmem>>
      %dma_start3A_22 = arith.constant 0 : i32
      %dma_start3A_23 = tpu.memref_slice %arg8[%dma_start3A, %dma_start3A_22] : memref<4x125xi32, #tpu.memory_space<vmem>> -> memref<1x125xi32, #tpu.memory_space<vmem>>
      %dma_start3A_24 = tpu.memref_squeeze %dma_start3A_23 : memref<1x125xi32, #tpu.memory_space<vmem>> -> memref<125xi32, #tpu.memory_space<vmem>>
      %dma_start3A_25 = arith.constant 0 : i32
      %dma_start3A_26 = arith.constant 0 : i32
      %dma_start3A_27 = tpu.memref_slice %arg4[%dma_start3A_25, %dma_start3A_26] : memref<20000x64xf32, #tpu.memory_space<hbm>> -> memref<20000x64xf32, #tpu.memory_space<hbm>>
      tpu.enqueue_indirect_dma source(%dma_start3A_27 : memref<20000x64xf32, #tpu.memory_space<hbm>>) target(%dma_start3A_21 : memref<125x64xf32, #tpu.memory_space<vmem>>) offsets(%dma_start3A_24 : memref<125xi32, #tpu.memory_space<vmem>>) semaphore(%arg13 : memref<!tpu.dma_semaphore, #tpu.memory_space<semaphore_mem>>)
      %dma_start3A_28 = arith.constant 1 : i32
      %dma_start3A_29 = arith.constant 125 : i32
      %dma_start3A_30 = arith.constant 0 : i32
      %dma_start3A_31 = tpu.memref_slice %arg10[%dma_start3A_29, %dma_start3A_30] : memref<500x64xf32, #tpu.memory_space<vmem>> -> memref<125x64xf32, #tpu.memory_space<vmem>>
      %dma_start3A_32 = arith.constant 0 : i32
      %dma_start3A_33 = tpu.memref_slice %arg8[%dma_start3A_28, %dma_start3A_32] : memref<4x125xi32, #tpu.memory_space<vmem>> -> memref<1x125xi32, #tpu.memory_space<vmem>>
      %dma_start3A_34 = tpu.memref_squeeze %dma_start3A_33 : memref<1x125xi32, #tpu.memory_space<vmem>> -> memref<125xi32, #tpu.memory_space<vmem>>
      %dma_start3A_35 = arith.constant 0 : i32
      %dma_start3A_36 = arith.constant 0 : i32
      %dma_start3A_37 = tpu.memref_slice %arg4[%dma_start3A_35, %dma_start3A_36] : memref<20000x64xf32, #tpu.memory_space<hbm>> -> memref<20000x64xf32, #tpu.memory_space<hbm>>
      tpu.enqueue_indirect_dma source(%dma_start3A_37 : memref<20000x64xf32, #tpu.memory_space<hbm>>) target(%dma_start3A_31 : memref<125x64xf32, #tpu.memory_space<vmem>>) offsets(%dma_start3A_34 : memref<125xi32, #tpu.memory_space<vmem>>) semaphore(%arg13 : memref<!tpu.dma_semaphore, #tpu.memory_space<semaphore_mem>>)
      %dma_start3A_38 = arith.constant 2 : i32
      %dma_start3A_39 = arith.constant 250 : i32
      %dma_start3A_40 = arith.constant 0 : i32
      %dma_start3A_41 = tpu.memref_slice %arg10[%dma_start3A_39, %dma_start3A_40] : memref<500x64xf32, #tpu.memory_space<vmem>> -> memref<125x64xf32, #tpu.memory_space<vmem>>
      %dma_start3A_42 = arith.constant 0 : i32
      %dma_start3A_43 = tpu.memref_slice %arg8[%dma_start3A_38, %dma_start3A_42] : memref<4x125xi32, #tpu.memory_space<vmem>> -> memref<1x125xi32, #tpu.memory_space<vmem>>
      %dma_start3A_44 = tpu.memref_squeeze %dma_start3A_43 : memref<1x125xi32, #tpu.memory_space<vmem>> -> memref<125xi32, #tpu.memory_space<vmem>>
      %dma_start3A_45 = arith.constant 0 : i32
      %dma_start3A_46 = arith.constant 0 : i32
      %dma_start3A_47 = tpu.memref_slice %arg4[%dma_start3A_45, %dma_start3A_46] : memref<20000x64xf32, #tpu.memory_space<hbm>> -> memref<20000x64xf32, #tpu.memory_space<hbm>>
      tpu.enqueue_indirect_dma source(%dma_start3A_47 : memref<20000x64xf32, #tpu.memory_space<hbm>>) target(%dma_start3A_41 : memref<125x64xf32, #tpu.memory_space<vmem>>) offsets(%dma_start3A_44 : memref<125xi32, #tpu.memory_space<vmem>>) semaphore(%arg13 : memref<!tpu.dma_semaphore, #tpu.memory_space<semaphore_mem>>)
      %dma_start3A_48 = arith.constant 3 : i32
      %dma_start3A_49 = arith.constant 375 : i32
      %dma_start3A_50 = arith.constant 0 : i32
      %dma_start3A_51 = tpu.memref_slice %arg10[%dma_start3A_49, %dma_start3A_50] : memref<500x64xf32, #tpu.memory_space<vmem>> -> memref<125x64xf32, #tpu.memory_space<vmem>>
      %dma_start3A_52 = arith.constant 0 : i32
      %dma_start3A_53 = tpu.memref_slice %arg8[%dma_start3A_48, %dma_start3A_52] : memref<4x125xi32, #tpu.memory_space<vmem>> -> memref<1x125xi32, #tpu.memory_space<vmem>>
      %dma_start3A_54 = tpu.memref_squeeze %dma_start3A_53 : memref<1x125xi32, #tpu.memory_space<vmem>> -> memref<125xi32, #tpu.memory_space<vmem>>
      %dma_start3A_55 = arith.constant 0 : i32
      %dma_start3A_56 = arith.constant 0 : i32
      %dma_start3A_57 = tpu.memref_slice %arg4[%dma_start3A_55, %dma_start3A_56] : memref<20000x64xf32, #tpu.memory_space<hbm>> -> memref<20000x64xf32, #tpu.memory_space<hbm>>
      tpu.enqueue_indirect_dma source(%dma_start3A_57 : memref<20000x64xf32, #tpu.memory_space<hbm>>) target(%dma_start3A_51 : memref<125x64xf32, #tpu.memory_space<vmem>>) offsets(%dma_start3A_54 : memref<125xi32, #tpu.memory_space<vmem>>) semaphore(%arg13 : memref<!tpu.dma_semaphore, #tpu.memory_space<semaphore_mem>>)
      "tpu.region"() ({
        %run_scoped3A = tpu.sem_alloc : memref<!tpu.dma_semaphore, #tpu.memory_space<semaphore_mem>>
        %dma_start3A_183 = arith.constant 0 : i32
        %dma_start3A_184 = tpu.memref_slice %arg5[%arg0, %add3A, %dma_start3A_183] : memref<2x160000x64xf32, #tpu.memory_space<hbm>> -> memref<1x500x64xf32, #tpu.memory_space<hbm>>
        %dma_start3A_185 = tpu.memref_squeeze %dma_start3A_184 : memref<1x500x64xf32, #tpu.memory_space<hbm>> -> memref<500x64xf32, #tpu.memory_space<hbm>>
        %dma_start3A_186 = arith.constant 0 : i32
        %dma_start3A_187 = tpu.memref_slice %arg5[%arg0, %add3A, %dma_start3A_186] : memref<2x160000x64xf32, #tpu.memory_space<hbm>> -> memref<1x500x64xf32, #tpu.memory_space<hbm>>
        %dma_start3A_188 = tpu.memref_squeeze %dma_start3A_187 : memref<1x500x64xf32, #tpu.memory_space<hbm>> -> memref<500x64xf32, #tpu.memory_space<hbm>>
        tpu.enqueue_dma source(%dma_start3A_188 : memref<500x64xf32, #tpu.memory_space<hbm>>) target(%arg11 : memref<500x64xf32, #tpu.memory_space<vmem>>) target_semaphore(%run_scoped3A : memref<!tpu.dma_semaphore, #tpu.memory_space<semaphore_mem>>)
        %dma_wait3A_189 = arith.constant 0 : i32
        %dma_wait3A_190 = tpu.memref_slice %arg5[%arg0, %add3A, %dma_wait3A_189] : memref<2x160000x64xf32, #tpu.memory_space<hbm>> -> memref<1x500x64xf32, #tpu.memory_space<hbm>>
        %dma_wait3A_191 = tpu.memref_squeeze %dma_wait3A_190 : memref<1x500x64xf32, #tpu.memory_space<hbm>> -> memref<500x64xf32, #tpu.memory_space<hbm>>
        %dma_wait3A_192 = arith.constant 0 : i32
        %dma_wait3A_193 = tpu.memref_slice %arg5[%arg0, %add3A, %dma_wait3A_192] : memref<2x160000x64xf32, #tpu.memory_space<hbm>> -> memref<1x500x64xf32, #tpu.memory_space<hbm>>
        %dma_wait3A_194 = tpu.memref_squeeze %dma_wait3A_193 : memref<1x500x64xf32, #tpu.memory_space<hbm>> -> memref<500x64xf32, #tpu.memory_space<hbm>>
        tpu.wait_dma2 semaphore(%run_scoped3A : memref<!tpu.dma_semaphore, #tpu.memory_space<semaphore_mem>>) src(%dma_wait3A_194 : memref<500x64xf32, #tpu.memory_space<hbm>>) dst(%arg11 : memref<500x64xf32, #tpu.memory_space<vmem>>)
        tpu.yield
      }) : () -> ()
      %dma_wait3A = arith.constant 0 : i32
      %dma_wait3A_58 = arith.constant 0 : i32
      %dma_wait3A_59 = arith.constant 0 : i32
      %dma_wait3A_60 = tpu.memref_slice %arg10[%dma_wait3A_58, %dma_wait3A_59] : memref<500x64xf32, #tpu.memory_space<vmem>> -> memref<125x64xf32, #tpu.memory_space<vmem>>
      %dma_wait3A_61 = arith.constant 0 : i32
      %dma_wait3A_62 = tpu.memref_slice %arg8[%dma_wait3A, %dma_wait3A_61] : memref<4x125xi32, #tpu.memory_space<vmem>> -> memref<1x125xi32, #tpu.memory_space<vmem>>
      %dma_wait3A_63 = tpu.memref_squeeze %dma_wait3A_62 : memref<1x125xi32, #tpu.memory_space<vmem>> -> memref<125xi32, #tpu.memory_space<vmem>>
      %dma_wait3A_64 = arith.constant 0 : i32
      %dma_wait3A_65 = arith.constant 0 : i32
      %dma_wait3A_66 = tpu.memref_slice %arg4[%dma_wait3A_64, %dma_wait3A_65] : memref<20000x64xf32, #tpu.memory_space<hbm>> -> memref<20000x64xf32, #tpu.memory_space<hbm>>
      tpu.wait_indirect_dma semaphore(%arg13 : memref<!tpu.dma_semaphore, #tpu.memory_space<semaphore_mem>>) src(%dma_wait3A_66 : memref<20000x64xf32, #tpu.memory_space<hbm>>) dst(%dma_wait3A_60 : memref<125x64xf32, #tpu.memory_space<vmem>>)
      %dma_wait3A_67 = arith.constant 1 : i32
      %dma_wait3A_68 = arith.constant 125 : i32
      %dma_wait3A_69 = arith.constant 0 : i32
      %dma_wait3A_70 = tpu.memref_slice %arg10[%dma_wait3A_68, %dma_wait3A_69] : memref<500x64xf32, #tpu.memory_space<vmem>> -> memref<125x64xf32, #tpu.memory_space<vmem>>
      %dma_wait3A_71 = arith.constant 0 : i32
      %dma_wait3A_72 = tpu.memref_slice %arg8[%dma_wait3A_67, %dma_wait3A_71] : memref<4x125xi32, #tpu.memory_space<vmem>> -> memref<1x125xi32, #tpu.memory_space<vmem>>
      %dma_wait3A_73 = tpu.memref_squeeze %dma_wait3A_72 : memref<1x125xi32, #tpu.memory_space<vmem>> -> memref<125xi32, #tpu.memory_space<vmem>>
      %dma_wait3A_74 = arith.constant 0 : i32
      %dma_wait3A_75 = arith.constant 0 : i32
      %dma_wait3A_76 = tpu.memref_slice %arg4[%dma_wait3A_74, %dma_wait3A_75] : memref<20000x64xf32, #tpu.memory_space<hbm>> -> memref<20000x64xf32, #tpu.memory_space<hbm>>
      tpu.wait_indirect_dma semaphore(%arg13 : memref<!tpu.dma_semaphore, #tpu.memory_space<semaphore_mem>>) src(%dma_wait3A_76 : memref<20000x64xf32, #tpu.memory_space<hbm>>) dst(%dma_wait3A_70 : memref<125x64xf32, #tpu.memory_space<vmem>>)
      %dma_wait3A_77 = arith.constant 2 : i32
      %dma_wait3A_78 = arith.constant 250 : i32
      %dma_wait3A_79 = arith.constant 0 : i32
      %dma_wait3A_80 = tpu.memref_slice %arg10[%dma_wait3A_78, %dma_wait3A_79] : memref<500x64xf32, #tpu.memory_space<vmem>> -> memref<125x64xf32, #tpu.memory_space<vmem>>
      %dma_wait3A_81 = arith.constant 0 : i32
      %dma_wait3A_82 = tpu.memref_slice %arg8[%dma_wait3A_77, %dma_wait3A_81] : memref<4x125xi32, #tpu.memory_space<vmem>> -> memref<1x125xi32, #tpu.memory_space<vmem>>
      %dma_wait3A_83 = tpu.memref_squeeze %dma_wait3A_82 : memref<1x125xi32, #tpu.memory_space<vmem>> -> memref<125xi32, #tpu.memory_space<vmem>>
      %dma_wait3A_84 = arith.constant 0 : i32
      %dma_wait3A_85 = arith.constant 0 : i32
      %dma_wait3A_86 = tpu.memref_slice %arg4[%dma_wait3A_84, %dma_wait3A_85] : memref<20000x64xf32, #tpu.memory_space<hbm>> -> memref<20000x64xf32, #tpu.memory_space<hbm>>
      tpu.wait_indirect_dma semaphore(%arg13 : memref<!tpu.dma_semaphore, #tpu.memory_space<semaphore_mem>>) src(%dma_wait3A_86 : memref<20000x64xf32, #tpu.memory_space<hbm>>) dst(%dma_wait3A_80 : memref<125x64xf32, #tpu.memory_space<vmem>>)
      %dma_wait3A_87 = arith.constant 3 : i32
      %dma_wait3A_88 = arith.constant 375 : i32
      %dma_wait3A_89 = arith.constant 0 : i32
      %dma_wait3A_90 = tpu.memref_slice %arg10[%dma_wait3A_88, %dma_wait3A_89] : memref<500x64xf32, #tpu.memory_space<vmem>> -> memref<125x64xf32, #tpu.memory_space<vmem>>
      %dma_wait3A_91 = arith.constant 0 : i32
      %dma_wait3A_92 = tpu.memref_slice %arg8[%dma_wait3A_87, %dma_wait3A_91] : memref<4x125xi32, #tpu.memory_space<vmem>> -> memref<1x125xi32, #tpu.memory_space<vmem>>
      %dma_wait3A_93 = tpu.memref_squeeze %dma_wait3A_92 : memref<1x125xi32, #tpu.memory_space<vmem>> -> memref<125xi32, #tpu.memory_space<vmem>>
      %dma_wait3A_94 = arith.constant 0 : i32
      %dma_wait3A_95 = arith.constant 0 : i32
      %dma_wait3A_96 = tpu.memref_slice %arg4[%dma_wait3A_94, %dma_wait3A_95] : memref<20000x64xf32, #tpu.memory_space<hbm>> -> memref<20000x64xf32, #tpu.memory_space<hbm>>
      tpu.wait_indirect_dma semaphore(%arg13 : memref<!tpu.dma_semaphore, #tpu.memory_space<semaphore_mem>>) src(%dma_wait3A_96 : memref<20000x64xf32, #tpu.memory_space<hbm>>) dst(%dma_wait3A_90 : memref<125x64xf32, #tpu.memory_space<vmem>>)
      %scan3A_97 = arith.constant 0 : i32
      %scan3A_98 = arith.constant 0 : i32
      %scan3A_99 = arith.constant 500 : i32
      %scan3A_100 = arith.addi %scan3A_98, %scan3A_99 : i32
      %scan3A_101 = arith.constant 1 : i32
      scf.for %scan3A_183 = %scan3A_98 to %scan3A_100 step %scan3A_101  : i32 {
        %get3A = arith.index_cast %scan3A_183 : i32 to index
        %get3A_184 = arith.constant 0 : index
        %get3A_185 = tpu.vector_load %arg10[%get3A, %get3A_184] {strides = array<i32>} : memref<500x64xf32, #tpu.memory_space<vmem>>, vector<16xf32>,
        %get3A_186 = arith.index_cast %scan3A_183 : i32 to index
        %get3A_187 = arith.constant 0 : index
        %get3A_188 = tpu.vector_load %arg11[%get3A_186, %get3A_187] {strides = array<i32>} : memref<500x64xf32, #tpu.memory_space<vmem>>, vector<16xf32>,
        %add3A_189 = arith.addf %get3A_185, %get3A_188 : vector<16xf32>
        %max3A = arith.constant 0.000000e+00 : f32
        %max3A_190 = vector.broadcast %max3A : f32 to vector<16xf32>
        %max3A_191 = arith.maximumf %add3A_189, %max3A_190 : vector<16xf32>
        %swap3A = arith.index_cast %scan3A_183 : i32 to index
        %swap3A_192 = arith.constant 0 : index
        %swap3A_193 = tpu.vector_load %arg10[%swap3A, %swap3A_192] {strides = array<i32>} : memref<500x64xf32, #tpu.memory_space<vmem>>, vector<16xf32>,
        tpu.vector_store %arg10[%swap3A, %swap3A_192], %max3A_191 {strides = array<i32>} : memref<500x64xf32, #tpu.memory_space<vmem>>, vector<16xf32>,
        %get3A_194 = arith.index_cast %scan3A_183 : i32 to index
        %get3A_195 = arith.constant 16 : index
        %get3A_196 = tpu.vector_load %arg10[%get3A_194, %get3A_195] {strides = array<i32>} : memref<500x64xf32, #tpu.memory_space<vmem>>, vector<16xf32>,
        %get3A_197 = arith.index_cast %scan3A_183 : i32 to index
        %get3A_198 = arith.constant 16 : index
        %get3A_199 = tpu.vector_load %arg11[%get3A_197, %get3A_198] {strides = array<i32>} : memref<500x64xf32, #tpu.memory_space<vmem>>, vector<16xf32>,
        %add3A_200 = arith.addf %get3A_196, %get3A_199 : vector<16xf32>
        %max3A_201 = arith.constant 0.000000e+00 : f32
        %max3A_202 = vector.broadcast %max3A_201 : f32 to vector<16xf32>
        %max3A_203 = arith.maximumf %add3A_200, %max3A_202 : vector<16xf32>
        %swap3A_204 = arith.index_cast %scan3A_183 : i32 to index
        %swap3A_205 = arith.constant 16 : index
        %swap3A_206 = tpu.vector_load %arg10[%swap3A_204, %swap3A_205] {strides = array<i32>} : memref<500x64xf32, #tpu.memory_space<vmem>>, vector<16xf32>,
        tpu.vector_store %arg10[%swap3A_204, %swap3A_205], %max3A_203 {strides = array<i32>} : memref<500x64xf32, #tpu.memory_space<vmem>>, vector<16xf32>,
        %get3A_207 = arith.index_cast %scan3A_183 : i32 to index
        %get3A_208 = arith.constant 32 : index
        %get3A_209 = tpu.vector_load %arg10[%get3A_207, %get3A_208] {strides = array<i32>} : memref<500x64xf32, #tpu.memory_space<vmem>>, vector<16xf32>,
        %get3A_210 = arith.index_cast %scan3A_183 : i32 to index
        %get3A_211 = arith.constant 32 : index
        %get3A_212 = tpu.vector_load %arg11[%get3A_210, %get3A_211] {strides = array<i32>} : memref<500x64xf32, #tpu.memory_space<vmem>>, vector<16xf32>,
        %add3A_213 = arith.addf %get3A_209, %get3A_212 : vector<16xf32>
        %max3A_214 = arith.constant 0.000000e+00 : f32
        %max3A_215 = vector.broadcast %max3A_214 : f32 to vector<16xf32>
        %max3A_216 = arith.maximumf %add3A_213, %max3A_215 : vector<16xf32>
        %swap3A_217 = arith.index_cast %scan3A_183 : i32 to index
        %swap3A_218 = arith.constant 32 : index
        %swap3A_219 = tpu.vector_load %arg10[%swap3A_217, %swap3A_218] {strides = array<i32>} : memref<500x64xf32, #tpu.memory_space<vmem>>, vector<16xf32>,
        tpu.vector_store %arg10[%swap3A_217, %swap3A_218], %max3A_216 {strides = array<i32>} : memref<500x64xf32, #tpu.memory_space<vmem>>, vector<16xf32>,
        %get3A_220 = arith.index_cast %scan3A_183 : i32 to index
        %get3A_221 = arith.constant 48 : index
        %get3A_222 = tpu.vector_load %arg10[%get3A_220, %get3A_221] {strides = array<i32>} : memref<500x64xf32, #tpu.memory_space<vmem>>, vector<16xf32>,
        %get3A_223 = arith.index_cast %scan3A_183 : i32 to index
        %get3A_224 = arith.constant 48 : index
        %get3A_225 = tpu.vector_load %arg11[%get3A_223, %get3A_224] {strides = array<i32>} : memref<500x64xf32, #tpu.memory_space<vmem>>, vector<16xf32>,
        %add3A_226 = arith.addf %get3A_222, %get3A_225 : vector<16xf32>
        %max3A_227 = arith.constant 0.000000e+00 : f32
        %max3A_228 = vector.broadcast %max3A_227 : f32 to vector<16xf32>
        %max3A_229 = arith.maximumf %add3A_226, %max3A_228 : vector<16xf32>
        %swap3A_230 = arith.index_cast %scan3A_183 : i32 to index
        %swap3A_231 = arith.constant 48 : index
        %swap3A_232 = tpu.vector_load %arg10[%swap3A_230, %swap3A_231] {strides = array<i32>} : memref<500x64xf32, #tpu.memory_space<vmem>>, vector<16xf32>,
        tpu.vector_store %arg10[%swap3A_230, %swap3A_231], %max3A_229 {strides = array<i32>} : memref<500x64xf32, #tpu.memory_space<vmem>>, vector<16xf32>,
      }
      %scan3A_102 = arith.constant 500 : i32
      %dma_start3A_103 = arith.constant 0 : i32
      %dma_start3A_104 = arith.constant 0 : i32
      %dma_start3A_105 = arith.constant 0 : i32
      %dma_start3A_106 = tpu.memref_slice %arg10[%dma_start3A_104, %dma_start3A_105] : memref<500x64xf32, #tpu.memory_space<vmem>> -> memref<125x64xf32, #tpu.memory_space<vmem>>
      %dma_start3A_107 = arith.constant 0 : i32
      %dma_start3A_108 = tpu.memref_slice %arg9[%dma_start3A_103, %dma_start3A_107] : memref<4x125xi32, #tpu.memory_space<vmem>> -> memref<1x125xi32, #tpu.memory_space<vmem>>
      %dma_start3A_109 = tpu.memref_squeeze %dma_start3A_108 : memref<1x125xi32, #tpu.memory_space<vmem>> -> memref<125xi32, #tpu.memory_space<vmem>>
      %dma_start3A_110 = arith.constant 0 : i32
      %dma_start3A_111 = arith.constant 0 : i32
      %dma_start3A_112 = tpu.memref_slice %arg12[%dma_start3A_110, %dma_start3A_111] : memref<10000x64xf32, #tpu.memory_space<vmem_shared>> -> memref<10000x64xf32, #tpu.memory_space<vmem_shared>>
      tpu.enqueue_indirect_dma source(%dma_start3A_106 : memref<125x64xf32, #tpu.memory_space<vmem>>) target(%dma_start3A_112 : memref<10000x64xf32, #tpu.memory_space<vmem_shared>>) offsets(%dma_start3A_109 : memref<125xi32, #tpu.memory_space<vmem>>) semaphore(%arg14 : memref<!tpu.dma_semaphore, #tpu.memory_space<semaphore_mem>>) {add = true}
      %dma_start3A_113 = arith.constant 1 : i32
      %dma_start3A_114 = arith.constant 125 : i32
      %dma_start3A_115 = arith.constant 0 : i32
      %dma_start3A_116 = tpu.memref_slice %arg10[%dma_start3A_114, %dma_start3A_115] : memref<500x64xf32, #tpu.memory_space<vmem>> -> memref<125x64xf32, #tpu.memory_space<vmem>>
      %dma_start3A_117 = arith.constant 0 : i32
      %dma_start3A_118 = tpu.memref_slice %arg9[%dma_start3A_113, %dma_start3A_117] : memref<4x125xi32, #tpu.memory_space<vmem>> -> memref<1x125xi32, #tpu.memory_space<vmem>>
      %dma_start3A_119 = tpu.memref_squeeze %dma_start3A_118 : memref<1x125xi32, #tpu.memory_space<vmem>> -> memref<125xi32, #tpu.memory_space<vmem>>
      %dma_start3A_120 = arith.constant 0 : i32
      %dma_start3A_121 = arith.constant 0 : i32
      %dma_start3A_122 = tpu.memref_slice %arg12[%dma_start3A_120, %dma_start3A_121] : memref<10000x64xf32, #tpu.memory_space<vmem_shared>> -> memref<10000x64xf32, #tpu.memory_space<vmem_shared>>
      tpu.enqueue_indirect_dma source(%dma_start3A_116 : memref<125x64xf32, #tpu.memory_space<vmem>>) target(%dma_start3A_122 : memref<10000x64xf32, #tpu.memory_space<vmem_shared>>) offsets(%dma_start3A_119 : memref<125xi32, #tpu.memory_space<vmem>>) semaphore(%arg14 : memref<!tpu.dma_semaphore, #tpu.memory_space<semaphore_mem>>) {add = true}
      %dma_start3A_123 = arith.constant 2 : i32
      %dma_start3A_124 = arith.constant 250 : i32
      %dma_start3A_125 = arith.constant 0 : i32
      %dma_start3A_126 = tpu.memref_slice %arg10[%dma_start3A_124, %dma_start3A_125] : memref<500x64xf32, #tpu.memory_space<vmem>> -> memref<125x64xf32, #tpu.memory_space<vmem>>
      %dma_start3A_127 = arith.constant 0 : i32
      %dma_start3A_128 = tpu.memref_slice %arg9[%dma_start3A_123, %dma_start3A_127] : memref<4x125xi32, #tpu.memory_space<vmem>> -> memref<1x125xi32, #tpu.memory_space<vmem>>
      %dma_start3A_129 = tpu.memref_squeeze %dma_start3A_128 : memref<1x125xi32, #tpu.memory_space<vmem>> -> memref<125xi32, #tpu.memory_space<vmem>>
      %dma_start3A_130 = arith.constant 0 : i32
      %dma_start3A_131 = arith.constant 0 : i32
      %dma_start3A_132 = tpu.memref_slice %arg12[%dma_start3A_130, %dma_start3A_131] : memref<10000x64xf32, #tpu.memory_space<vmem_shared>> -> memref<10000x64xf32, #tpu.memory_space<vmem_shared>>
      tpu.enqueue_indirect_dma source(%dma_start3A_126 : memref<125x64xf32, #tpu.memory_space<vmem>>) target(%dma_start3A_132 : memref<10000x64xf32, #tpu.memory_space<vmem_shared>>) offsets(%dma_start3A_129 : memref<125xi32, #tpu.memory_space<vmem>>) semaphore(%arg14 : memref<!tpu.dma_semaphore, #tpu.memory_space<semaphore_mem>>) {add = true}
      %dma_start3A_133 = arith.constant 3 : i32
      %dma_start3A_134 = arith.constant 375 : i32
      %dma_start3A_135 = arith.constant 0 : i32
      %dma_start3A_136 = tpu.memref_slice %arg10[%dma_start3A_134, %dma_start3A_135] : memref<500x64xf32, #tpu.memory_space<vmem>> -> memref<125x64xf32, #tpu.memory_space<vmem>>
      %dma_start3A_137 = arith.constant 0 : i32
      %dma_start3A_138 = tpu.memref_slice %arg9[%dma_start3A_133, %dma_start3A_137] : memref<4x125xi32, #tpu.memory_space<vmem>> -> memref<1x125xi32, #tpu.memory_space<vmem>>
      %dma_start3A_139 = tpu.memref_squeeze %dma_start3A_138 : memref<1x125xi32, #tpu.memory_space<vmem>> -> memref<125xi32, #tpu.memory_space<vmem>>
      %dma_start3A_140 = arith.constant 0 : i32
      %dma_start3A_141 = arith.constant 0 : i32
      %dma_start3A_142 = tpu.memref_slice %arg12[%dma_start3A_140, %dma_start3A_141] : memref<10000x64xf32, #tpu.memory_space<vmem_shared>> -> memref<10000x64xf32, #tpu.memory_space<vmem_shared>>
      tpu.enqueue_indirect_dma source(%dma_start3A_136 : memref<125x64xf32, #tpu.memory_space<vmem>>) target(%dma_start3A_142 : memref<10000x64xf32, #tpu.memory_space<vmem_shared>>) offsets(%dma_start3A_139 : memref<125xi32, #tpu.memory_space<vmem>>) semaphore(%arg14 : memref<!tpu.dma_semaphore, #tpu.memory_space<semaphore_mem>>) {add = true}
      %dma_wait3A_143 = arith.constant 0 : i32
      %dma_wait3A_144 = arith.constant 0 : i32
      %dma_wait3A_145 = arith.constant 0 : i32
      %dma_wait3A_146 = tpu.memref_slice %arg10[%dma_wait3A_144, %dma_wait3A_145] : memref<500x64xf32, #tpu.memory_space<vmem>> -> memref<125x64xf32, #tpu.memory_space<vmem>>
      %dma_wait3A_147 = arith.constant 0 : i32
      %dma_wait3A_148 = tpu.memref_slice %arg9[%dma_wait3A_143, %dma_wait3A_147] : memref<4x125xi32, #tpu.memory_space<vmem>> -> memref<1x125xi32, #tpu.memory_space<vmem>>
      %dma_wait3A_149 = tpu.memref_squeeze %dma_wait3A_148 : memref<1x125xi32, #tpu.memory_space<vmem>> -> memref<125xi32, #tpu.memory_space<vmem>>
      %dma_wait3A_150 = arith.constant 0 : i32
      %dma_wait3A_151 = arith.constant 0 : i32
      %dma_wait3A_152 = tpu.memref_slice %arg12[%dma_wait3A_150, %dma_wait3A_151] : memref<10000x64xf32, #tpu.memory_space<vmem_shared>> -> memref<10000x64xf32, #tpu.memory_space<vmem_shared>>
      tpu.wait_indirect_dma semaphore(%arg14 : memref<!tpu.dma_semaphore, #tpu.memory_space<semaphore_mem>>) src(%dma_wait3A_146 : memref<125x64xf32, #tpu.memory_space<vmem>>) dst(%dma_wait3A_152 : memref<10000x64xf32, #tpu.memory_space<vmem_shared>>)
      %dma_wait3A_153 = arith.constant 1 : i32
      %dma_wait3A_154 = arith.constant 125 : i32
      %dma_wait3A_155 = arith.constant 0 : i32
      %dma_wait3A_156 = tpu.memref_slice %arg10[%dma_wait3A_154, %dma_wait3A_155] : memref<500x64xf32, #tpu.memory_space<vmem>> -> memref<125x64xf32, #tpu.memory_space<vmem>>
      %dma_wait3A_157 = arith.constant 0 : i32
      %dma_wait3A_158 = tpu.memref_slice %arg9[%dma_wait3A_153, %dma_wait3A_157] : memref<4x125xi32, #tpu.memory_space<vmem>> -> memref<1x125xi32, #tpu.memory_space<vmem>>
      %dma_wait3A_159 = tpu.memref_squeeze %dma_wait3A_158 : memref<1x125xi32, #tpu.memory_space<vmem>> -> memref<125xi32, #tpu.memory_space<vmem>>
      %dma_wait3A_160 = arith.constant 0 : i32
      %dma_wait3A_161 = arith.constant 0 : i32
      %dma_wait3A_162 = tpu.memref_slice %arg12[%dma_wait3A_160, %dma_wait3A_161] : memref<10000x64xf32, #tpu.memory_space<vmem_shared>> -> memref<10000x64xf32, #tpu.memory_space<vmem_shared>>
      tpu.wait_indirect_dma semaphore(%arg14 : memref<!tpu.dma_semaphore, #tpu.memory_space<semaphore_mem>>) src(%dma_wait3A_156 : memref<125x64xf32, #tpu.memory_space<vmem>>) dst(%dma_wait3A_162 : memref<10000x64xf32, #tpu.memory_space<vmem_shared>>)
      %dma_wait3A_163 = arith.constant 2 : i32
      %dma_wait3A_164 = arith.constant 250 : i32
      %dma_wait3A_165 = arith.constant 0 : i32
      %dma_wait3A_166 = tpu.memref_slice %arg10[%dma_wait3A_164, %dma_wait3A_165] : memref<500x64xf32, #tpu.memory_space<vmem>> -> memref<125x64xf32, #tpu.memory_space<vmem>>
      %dma_wait3A_167 = arith.constant 0 : i32
      %dma_wait3A_168 = tpu.memref_slice %arg9[%dma_wait3A_163, %dma_wait3A_167] : memref<4x125xi32, #tpu.memory_space<vmem>> -> memref<1x125xi32, #tpu.memory_space<vmem>>
      %dma_wait3A_169 = tpu.memref_squeeze %dma_wait3A_168 : memref<1x125xi32, #tpu.memory_space<vmem>> -> memref<125xi32, #tpu.memory_space<vmem>>
      %dma_wait3A_170 = arith.constant 0 : i32
      %dma_wait3A_171 = arith.constant 0 : i32
      %dma_wait3A_172 = tpu.memref_slice %arg12[%dma_wait3A_170, %dma_wait3A_171] : memref<10000x64xf32, #tpu.memory_space<vmem_shared>> -> memref<10000x64xf32, #tpu.memory_space<vmem_shared>>
      tpu.wait_indirect_dma semaphore(%arg14 : memref<!tpu.dma_semaphore, #tpu.memory_space<semaphore_mem>>) src(%dma_wait3A_166 : memref<125x64xf32, #tpu.memory_space<vmem>>) dst(%dma_wait3A_172 : memref<10000x64xf32, #tpu.memory_space<vmem_shared>>)
      %dma_wait3A_173 = arith.constant 3 : i32
      %dma_wait3A_174 = arith.constant 375 : i32
      %dma_wait3A_175 = arith.constant 0 : i32
      %dma_wait3A_176 = tpu.memref_slice %arg10[%dma_wait3A_174, %dma_wait3A_175] : memref<500x64xf32, #tpu.memory_space<vmem>> -> memref<125x64xf32, #tpu.memory_space<vmem>>
      %dma_wait3A_177 = arith.constant 0 : i32
      %dma_wait3A_178 = tpu.memref_slice %arg9[%dma_wait3A_173, %dma_wait3A_177] : memref<4x125xi32, #tpu.memory_space<vmem>> -> memref<1x125xi32, #tpu.memory_space<vmem>>
      %dma_wait3A_179 = tpu.memref_squeeze %dma_wait3A_178 : memref<1x125xi32, #tpu.memory_space<vmem>> -> memref<125xi32, #tpu.memory_space<vmem>>
      %dma_wait3A_180 = arith.constant 0 : i32
      %dma_wait3A_181 = arith.constant 0 : i32
      %dma_wait3A_182 = tpu.memref_slice %arg12[%dma_wait3A_180, %dma_wait3A_181] : memref<10000x64xf32, #tpu.memory_space<vmem_shared>> -> memref<10000x64xf32, #tpu.memory_space<vmem_shared>>
      tpu.wait_indirect_dma semaphore(%arg14 : memref<!tpu.dma_semaphore, #tpu.memory_space<semaphore_mem>>) src(%dma_wait3A_176 : memref<125x64xf32, #tpu.memory_space<vmem>>) dst(%dma_wait3A_182 : memref<10000x64xf32, #tpu.memory_space<vmem_shared>>)
    }
    %scan3A_5 = arith.constant 20 : i32
    %barrier3A_6 = arith.constant 0 : index
    tpu.barrier barrier_id(%barrier3A_6)
    %eq3A = arith.constant 0 : i32
    %eq3A_7 = arith.cmpi eq, %arg1, %eq3A : i32
    %convert_element_type3A = arith.extui %eq3A_7 : i1 to i32
    %cond3A = arith.constant 0 : i32
    %cond3A_8 = arith.cmpi ne, %convert_element_type3A, %cond3A : i32
    scf.if %cond3A_8 {
      "tpu.region"() ({
        %run_scoped3A = tpu.sem_alloc : memref<!tpu.dma_semaphore, #tpu.memory_space<semaphore_mem>>
        %dma_start3A = arith.constant 0 : i32
        %dma_start3A_9 = arith.constant 0 : i32
        %dma_start3A_10 = tpu.memref_slice %arg7[%arg0, %dma_start3A, %dma_start3A_9] : memref<2x10000x64xf32, #tpu.memory_space<hbm>> -> memref<1x10000x64xf32, #tpu.memory_space<hbm>>
        %dma_start3A_11 = tpu.memref_squeeze %dma_start3A_10 : memref<1x10000x64xf32, #tpu.memory_space<hbm>> -> memref<10000x64xf32, #tpu.memory_space<hbm>>
        tpu.enqueue_dma source(%arg12 : memref<10000x64xf32, #tpu.memory_space<vmem_shared>>) target(%dma_start3A_11 : memref<10000x64xf32, #tpu.memory_space<hbm>>) target_semaphore(%run_scoped3A : memref<!tpu.dma_semaphore, #tpu.memory_space<semaphore_mem>>)
        %dma_wait3A = arith.constant 0 : i32
        %dma_wait3A_12 = arith.constant 0 : i32
        %dma_wait3A_13 = tpu.memref_slice %arg7[%arg0, %dma_wait3A, %dma_wait3A_12] : memref<2x10000x64xf32, #tpu.memory_space<hbm>> -> memref<1x10000x64xf32, #tpu.memory_space<hbm>>
        %dma_wait3A_14 = tpu.memref_squeeze %dma_wait3A_13 : memref<1x10000x64xf32, #tpu.memory_space<hbm>> -> memref<10000x64xf32, #tpu.memory_space<hbm>>
        tpu.wait_dma2 semaphore(%run_scoped3A : memref<!tpu.dma_semaphore, #tpu.memory_space<semaphore_mem>>) src(%arg12 : memref<10000x64xf32, #tpu.memory_space<vmem_shared>>) dst(%dma_wait3A_14 : memref<10000x64xf32, #tpu.memory_space<hbm>>)
        tpu.yield
      }) : () -> ()
    } else {
    }
    return
  }
}

#map = affine_map<(d0, d1) -> (0, 0, 0)>
#map1 = affine_map<(d0, d1) -> (0, 0)>
#map2 = affine_map<(d0, d1) -> (0)>
module attributes {stable_mosaic.version = 14 : i64} {
  func.func @_gat_sc(%arg0: i32, %arg1: i32, %arg2: memref<2x1280x125xi32, #tpu.memory_space<hbm>>, %arg3: memref<1280x125xi32, #tpu.memory_space<hbm>>, %arg4: memref<20000x128xf32, #tpu.memory_space<hbm>>, %arg5: memref<640000xf32, #tpu.memory_space<hbm>>, %arg6: memref<625x128xf32, #tpu.memory_space<hbm>>, %arg7: memref<2x10000x128xf32, #tpu.memory_space<hbm>>, %arg8: memref<2x125xi32, #tpu.memory_space<vmem>>, %arg9: memref<2x125xi32, #tpu.memory_space<vmem>>, %arg10: memref<250x128xf32, #tpu.memory_space<vmem>>, %arg11: memref<1000xf32, #tpu.memory_space<vmem>>, %arg12: memref<10000x128xf32, #tpu.memory_space<vmem_shared>>, %arg13: memref<!tpu.dma_semaphore, #tpu.memory_space<semaphore_mem>>, %arg14: memref<!tpu.dma_semaphore, #tpu.memory_space<semaphore_mem>>) attributes {dimension_semantics = [#tpu.dimension_semantics<core_parallel>, #tpu.dimension_semantics<subcore_parallel>], iteration_bounds = array<i64: 2, 16>, scalar_prefetch = 0 : i64, scratch_operands = 7 : i64, tpu.core_type = #tpu.core_type<sc_vector_subcore>, window_params = [{transform_indices = #map}, {transform_indices = #map1}, {transform_indices = #map1}, {transform_indices = #map2}, {transform_indices = #map1}, {transform_indices = #map}]} {
    %mul3A = arith.constant 2 : i32
    %mul3A_0 = arith.muli %mul3A, %arg0 : i32
    %mul3A_1 = arith.constant 625 : i32
    %mul3A_2 = arith.muli %arg1, %mul3A_1 : i32
    "tpu.region"() ({
      %run_scoped3A = tpu.sem_alloc : memref<!tpu.dma_semaphore, #tpu.memory_space<semaphore_mem>>
      %dma_start3A = arith.constant 0 : i32
      %dma_start3A_11 = tpu.memref_slice %arg12[%mul3A_2, %dma_start3A] : memref<10000x128xf32, #tpu.memory_space<vmem_shared>> -> memref<625x128xf32, #tpu.memory_space<vmem_shared>>
      tpu.enqueue_dma source(%arg6 : memref<625x128xf32, #tpu.memory_space<hbm>>) target(%dma_start3A_11 : memref<625x128xf32, #tpu.memory_space<vmem_shared>>) target_semaphore(%run_scoped3A : memref<!tpu.dma_semaphore, #tpu.memory_space<semaphore_mem>>)
      %dma_wait3A = arith.constant 0 : i32
      %dma_wait3A_12 = tpu.memref_slice %arg12[%mul3A_2, %dma_wait3A] : memref<10000x128xf32, #tpu.memory_space<vmem_shared>> -> memref<625x128xf32, #tpu.memory_space<vmem_shared>>
      tpu.wait_dma2 semaphore(%run_scoped3A : memref<!tpu.dma_semaphore, #tpu.memory_space<semaphore_mem>>) src(%arg6 : memref<625x128xf32, #tpu.memory_space<hbm>>) dst(%dma_wait3A_12 : memref<625x128xf32, #tpu.memory_space<vmem_shared>>)
      tpu.yield
    }) : () -> ()
    %barrier3A = arith.constant 0 : index
    tpu.barrier barrier_id(%barrier3A)
    %scan3A = arith.constant 0 : i32
    %scan3A_3 = arith.constant 0 : i32
    %scan3A_4 = arith.constant 40 : i32
    %scan3A_5 = arith.addi %scan3A_3, %scan3A_4 : i32
    %scan3A_6 = arith.constant 1 : i32
    scf.for %scan3A_11 = %scan3A_3 to %scan3A_5 step %scan3A_6  : i32 {
      %mul3A_12 = arith.constant 10000 : i32
      %mul3A_13 = arith.muli %arg1, %mul3A_12 : i32
      %mul3A_14 = arith.constant 250 : i32
      %mul3A_15 = arith.muli %scan3A_11, %mul3A_14 : i32
      %add3A = arith.addi %mul3A_13, %mul3A_15 : i32
      %mul3A_16 = arith.constant 80 : i32
      %mul3A_17 = arith.muli %arg1, %mul3A_16 : i32
      %mul3A_18 = arith.constant 2 : i32
      %mul3A_19 = arith.muli %scan3A_11, %mul3A_18 : i32
      %add3A_20 = arith.addi %mul3A_17, %mul3A_19 : i32
      "tpu.region"() ({
        %run_scoped3A = tpu.sem_alloc : memref<!tpu.dma_semaphore, #tpu.memory_space<semaphore_mem>>
        %dma_start3A_107 = arith.constant 0 : i32
        %dma_start3A_108 = tpu.memref_slice %arg2[%arg0, %add3A_20, %dma_start3A_107] : memref<2x1280x125xi32, #tpu.memory_space<hbm>> -> memref<1x2x125xi32, #tpu.memory_space<hbm>>
        %dma_start3A_109 = tpu.memref_squeeze %dma_start3A_108 : memref<1x2x125xi32, #tpu.memory_space<hbm>> -> memref<2x125xi32, #tpu.memory_space<hbm>>
        %dma_start3A_110 = arith.constant 0 : i32
        %dma_start3A_111 = tpu.memref_slice %arg2[%arg0, %add3A_20, %dma_start3A_110] : memref<2x1280x125xi32, #tpu.memory_space<hbm>> -> memref<1x2x125xi32, #tpu.memory_space<hbm>>
        %dma_start3A_112 = tpu.memref_squeeze %dma_start3A_111 : memref<1x2x125xi32, #tpu.memory_space<hbm>> -> memref<2x125xi32, #tpu.memory_space<hbm>>
        tpu.enqueue_dma source(%dma_start3A_112 : memref<2x125xi32, #tpu.memory_space<hbm>>) target(%arg8 : memref<2x125xi32, #tpu.memory_space<vmem>>) target_semaphore(%run_scoped3A : memref<!tpu.dma_semaphore, #tpu.memory_space<semaphore_mem>>)
        %dma_wait3A_113 = arith.constant 0 : i32
        %dma_wait3A_114 = tpu.memref_slice %arg2[%arg0, %add3A_20, %dma_wait3A_113] : memref<2x1280x125xi32, #tpu.memory_space<hbm>> -> memref<1x2x125xi32, #tpu.memory_space<hbm>>
        %dma_wait3A_115 = tpu.memref_squeeze %dma_wait3A_114 : memref<1x2x125xi32, #tpu.memory_space<hbm>> -> memref<2x125xi32, #tpu.memory_space<hbm>>
        %dma_wait3A_116 = arith.constant 0 : i32
        %dma_wait3A_117 = tpu.memref_slice %arg2[%arg0, %add3A_20, %dma_wait3A_116] : memref<2x1280x125xi32, #tpu.memory_space<hbm>> -> memref<1x2x125xi32, #tpu.memory_space<hbm>>
        %dma_wait3A_118 = tpu.memref_squeeze %dma_wait3A_117 : memref<1x2x125xi32, #tpu.memory_space<hbm>> -> memref<2x125xi32, #tpu.memory_space<hbm>>
        tpu.wait_dma2 semaphore(%run_scoped3A : memref<!tpu.dma_semaphore, #tpu.memory_space<semaphore_mem>>) src(%dma_wait3A_118 : memref<2x125xi32, #tpu.memory_space<hbm>>) dst(%arg8 : memref<2x125xi32, #tpu.memory_space<vmem>>)
        tpu.yield
      }) : () -> ()
      "tpu.region"() ({
        %run_scoped3A = tpu.sem_alloc : memref<!tpu.dma_semaphore, #tpu.memory_space<semaphore_mem>>
        %dma_start3A_107 = arith.constant 0 : i32
        %dma_start3A_108 = tpu.memref_slice %arg3[%add3A_20, %dma_start3A_107] : memref<1280x125xi32, #tpu.memory_space<hbm>> -> memref<2x125xi32, #tpu.memory_space<hbm>>
        %dma_start3A_109 = arith.constant 0 : i32
        %dma_start3A_110 = tpu.memref_slice %arg3[%add3A_20, %dma_start3A_109] : memref<1280x125xi32, #tpu.memory_space<hbm>> -> memref<2x125xi32, #tpu.memory_space<hbm>>
        tpu.enqueue_dma source(%dma_start3A_110 : memref<2x125xi32, #tpu.memory_space<hbm>>) target(%arg9 : memref<2x125xi32, #tpu.memory_space<vmem>>) target_semaphore(%run_scoped3A : memref<!tpu.dma_semaphore, #tpu.memory_space<semaphore_mem>>)
        %dma_wait3A_111 = arith.constant 0 : i32
        %dma_wait3A_112 = tpu.memref_slice %arg3[%add3A_20, %dma_wait3A_111] : memref<1280x125xi32, #tpu.memory_space<hbm>> -> memref<2x125xi32, #tpu.memory_space<hbm>>
        %dma_wait3A_113 = arith.constant 0 : i32
        %dma_wait3A_114 = tpu.memref_slice %arg3[%add3A_20, %dma_wait3A_113] : memref<1280x125xi32, #tpu.memory_space<hbm>> -> memref<2x125xi32, #tpu.memory_space<hbm>>
        tpu.wait_dma2 semaphore(%run_scoped3A : memref<!tpu.dma_semaphore, #tpu.memory_space<semaphore_mem>>) src(%dma_wait3A_114 : memref<2x125xi32, #tpu.memory_space<hbm>>) dst(%arg9 : memref<2x125xi32, #tpu.memory_space<vmem>>)
        tpu.yield
      }) : () -> ()
      %dma_start3A = arith.constant 0 : i32
      %dma_start3A_21 = arith.constant 0 : i32
      %dma_start3A_22 = arith.constant 0 : i32
      %dma_start3A_23 = tpu.memref_slice %arg10[%dma_start3A_21, %dma_start3A_22] : memref<250x128xf32, #tpu.memory_space<vmem>> -> memref<125x128xf32, #tpu.memory_space<vmem>>
      %dma_start3A_24 = arith.constant 0 : i32
      %dma_start3A_25 = tpu.memref_slice %arg8[%dma_start3A, %dma_start3A_24] : memref<2x125xi32, #tpu.memory_space<vmem>> -> memref<1x125xi32, #tpu.memory_space<vmem>>
      %dma_start3A_26 = tpu.memref_squeeze %dma_start3A_25 : memref<1x125xi32, #tpu.memory_space<vmem>> -> memref<125xi32, #tpu.memory_space<vmem>>
      %dma_start3A_27 = arith.constant 0 : i32
      %dma_start3A_28 = arith.constant 0 : i32
      %dma_start3A_29 = tpu.memref_slice %arg4[%dma_start3A_27, %dma_start3A_28] : memref<20000x128xf32, #tpu.memory_space<hbm>> -> memref<20000x128xf32, #tpu.memory_space<hbm>>
      tpu.enqueue_indirect_dma source(%dma_start3A_29 : memref<20000x128xf32, #tpu.memory_space<hbm>>) target(%dma_start3A_23 : memref<125x128xf32, #tpu.memory_space<vmem>>) offsets(%dma_start3A_26 : memref<125xi32, #tpu.memory_space<vmem>>) semaphore(%arg13 : memref<!tpu.dma_semaphore, #tpu.memory_space<semaphore_mem>>)
      %dma_start3A_30 = arith.constant 1 : i32
      %dma_start3A_31 = arith.constant 125 : i32
      %dma_start3A_32 = arith.constant 0 : i32
      %dma_start3A_33 = tpu.memref_slice %arg10[%dma_start3A_31, %dma_start3A_32] : memref<250x128xf32, #tpu.memory_space<vmem>> -> memref<125x128xf32, #tpu.memory_space<vmem>>
      %dma_start3A_34 = arith.constant 0 : i32
      %dma_start3A_35 = tpu.memref_slice %arg8[%dma_start3A_30, %dma_start3A_34] : memref<2x125xi32, #tpu.memory_space<vmem>> -> memref<1x125xi32, #tpu.memory_space<vmem>>
      %dma_start3A_36 = tpu.memref_squeeze %dma_start3A_35 : memref<1x125xi32, #tpu.memory_space<vmem>> -> memref<125xi32, #tpu.memory_space<vmem>>
      %dma_start3A_37 = arith.constant 0 : i32
      %dma_start3A_38 = arith.constant 0 : i32
      %dma_start3A_39 = tpu.memref_slice %arg4[%dma_start3A_37, %dma_start3A_38] : memref<20000x128xf32, #tpu.memory_space<hbm>> -> memref<20000x128xf32, #tpu.memory_space<hbm>>
      tpu.enqueue_indirect_dma source(%dma_start3A_39 : memref<20000x128xf32, #tpu.memory_space<hbm>>) target(%dma_start3A_33 : memref<125x128xf32, #tpu.memory_space<vmem>>) offsets(%dma_start3A_36 : memref<125xi32, #tpu.memory_space<vmem>>) semaphore(%arg13 : memref<!tpu.dma_semaphore, #tpu.memory_space<semaphore_mem>>)
      %mul3A_40 = arith.constant 4 : i32
      %mul3A_41 = arith.muli %add3A, %mul3A_40 : i32
      "tpu.region"() ({
        %run_scoped3A = tpu.sem_alloc : memref<!tpu.dma_semaphore, #tpu.memory_space<semaphore_mem>>
        %dma_start3A_107 = tpu.memref_slice %arg5[%mul3A_41] : memref<640000xf32, #tpu.memory_space<hbm>> -> memref<1000xf32, #tpu.memory_space<hbm>>
        %dma_start3A_108 = tpu.memref_slice %arg5[%mul3A_41] : memref<640000xf32, #tpu.memory_space<hbm>> -> memref<1000xf32, #tpu.memory_space<hbm>>
        tpu.enqueue_dma source(%dma_start3A_108 : memref<1000xf32, #tpu.memory_space<hbm>>) target(%arg11 : memref<1000xf32, #tpu.memory_space<vmem>>) target_semaphore(%run_scoped3A : memref<!tpu.dma_semaphore, #tpu.memory_space<semaphore_mem>>)
        %dma_wait3A_109 = tpu.memref_slice %arg5[%mul3A_41] : memref<640000xf32, #tpu.memory_space<hbm>> -> memref<1000xf32, #tpu.memory_space<hbm>>
        %dma_wait3A_110 = tpu.memref_slice %arg5[%mul3A_41] : memref<640000xf32, #tpu.memory_space<hbm>> -> memref<1000xf32, #tpu.memory_space<hbm>>
        tpu.wait_dma2 semaphore(%run_scoped3A : memref<!tpu.dma_semaphore, #tpu.memory_space<semaphore_mem>>) src(%dma_wait3A_110 : memref<1000xf32, #tpu.memory_space<hbm>>) dst(%arg11 : memref<1000xf32, #tpu.memory_space<vmem>>)
        tpu.yield
      }) : () -> ()
      %dma_wait3A = arith.constant 0 : i32
      %dma_wait3A_42 = arith.constant 0 : i32
      %dma_wait3A_43 = arith.constant 0 : i32
      %dma_wait3A_44 = tpu.memref_slice %arg10[%dma_wait3A_42, %dma_wait3A_43] : memref<250x128xf32, #tpu.memory_space<vmem>> -> memref<125x128xf32, #tpu.memory_space<vmem>>
      %dma_wait3A_45 = arith.constant 0 : i32
      %dma_wait3A_46 = tpu.memref_slice %arg8[%dma_wait3A, %dma_wait3A_45] : memref<2x125xi32, #tpu.memory_space<vmem>> -> memref<1x125xi32, #tpu.memory_space<vmem>>
      %dma_wait3A_47 = tpu.memref_squeeze %dma_wait3A_46 : memref<1x125xi32, #tpu.memory_space<vmem>> -> memref<125xi32, #tpu.memory_space<vmem>>
      %dma_wait3A_48 = arith.constant 0 : i32
      %dma_wait3A_49 = arith.constant 0 : i32
      %dma_wait3A_50 = tpu.memref_slice %arg4[%dma_wait3A_48, %dma_wait3A_49] : memref<20000x128xf32, #tpu.memory_space<hbm>> -> memref<20000x128xf32, #tpu.memory_space<hbm>>
      tpu.wait_indirect_dma semaphore(%arg13 : memref<!tpu.dma_semaphore, #tpu.memory_space<semaphore_mem>>) src(%dma_wait3A_50 : memref<20000x128xf32, #tpu.memory_space<hbm>>) dst(%dma_wait3A_44 : memref<125x128xf32, #tpu.memory_space<vmem>>)
      %dma_wait3A_51 = arith.constant 1 : i32
      %dma_wait3A_52 = arith.constant 125 : i32
      %dma_wait3A_53 = arith.constant 0 : i32
      %dma_wait3A_54 = tpu.memref_slice %arg10[%dma_wait3A_52, %dma_wait3A_53] : memref<250x128xf32, #tpu.memory_space<vmem>> -> memref<125x128xf32, #tpu.memory_space<vmem>>
      %dma_wait3A_55 = arith.constant 0 : i32
      %dma_wait3A_56 = tpu.memref_slice %arg8[%dma_wait3A_51, %dma_wait3A_55] : memref<2x125xi32, #tpu.memory_space<vmem>> -> memref<1x125xi32, #tpu.memory_space<vmem>>
      %dma_wait3A_57 = tpu.memref_squeeze %dma_wait3A_56 : memref<1x125xi32, #tpu.memory_space<vmem>> -> memref<125xi32, #tpu.memory_space<vmem>>
      %dma_wait3A_58 = arith.constant 0 : i32
      %dma_wait3A_59 = arith.constant 0 : i32
      %dma_wait3A_60 = tpu.memref_slice %arg4[%dma_wait3A_58, %dma_wait3A_59] : memref<20000x128xf32, #tpu.memory_space<hbm>> -> memref<20000x128xf32, #tpu.memory_space<hbm>>
      tpu.wait_indirect_dma semaphore(%arg13 : memref<!tpu.dma_semaphore, #tpu.memory_space<semaphore_mem>>) src(%dma_wait3A_60 : memref<20000x128xf32, #tpu.memory_space<hbm>>) dst(%dma_wait3A_54 : memref<125x128xf32, #tpu.memory_space<vmem>>)
      %scan3A_61 = arith.constant 0 : i32
      %scan3A_62 = arith.constant 0 : i32
      %scan3A_63 = arith.constant 250 : i32
      %scan3A_64 = arith.addi %scan3A_62, %scan3A_63 : i32
      %scan3A_65 = arith.constant 1 : i32
      scf.for %scan3A_107 = %scan3A_62 to %scan3A_64 step %scan3A_65  : i32 {
        %mul3A_108 = arith.constant 4 : i32
        %mul3A_109 = arith.muli %mul3A_108, %scan3A_107 : i32
        %broadcast_in_dim3A = vector.broadcast %mul3A_109 : i32 to vector<16xi32>
        %add3A_110 = vector.broadcast %mul3A_0 : i32 to vector<16xi32>
        %add3A_111 = arith.addi %broadcast_in_dim3A, %add3A_110 : vector<16xi32>
        %gather3A = tpu.vector_load_idx %arg11[%add3A_111] : memref<1000xf32, #tpu.memory_space<vmem>>[vector<16xi32>], vector<16xf32>,
        %add3A_112 = arith.constant 1 : i32
        %add3A_113 = vector.broadcast %add3A_112 : i32 to vector<16xi32>
        %add3A_114 = arith.addi %add3A_111, %add3A_113 : vector<16xi32>
        %gather3A_115 = tpu.vector_load_idx %arg11[%add3A_114] : memref<1000xf32, #tpu.memory_space<vmem>>[vector<16xi32>], vector<16xf32>,
        %get3A = arith.index_cast %scan3A_107 : i32 to index
        %get3A_116 = arith.constant 0 : index
        %get3A_117 = tpu.vector_load %arg10[%get3A, %get3A_116] {strides = array<i32>} : memref<250x128xf32, #tpu.memory_space<vmem>>, vector<16xf32>,
        %mul3A_118 = arith.mulf %get3A_117, %gather3A : vector<16xf32>
        %swap3A = arith.index_cast %scan3A_107 : i32 to index
        %swap3A_119 = arith.constant 0 : index
        %swap3A_120 = tpu.vector_load %arg10[%swap3A, %swap3A_119] {strides = array<i32>} : memref<250x128xf32, #tpu.memory_space<vmem>>, vector<16xf32>,
        tpu.vector_store %arg10[%swap3A, %swap3A_119], %mul3A_118 {strides = array<i32>} : memref<250x128xf32, #tpu.memory_space<vmem>>, vector<16xf32>,
        %get3A_121 = arith.index_cast %scan3A_107 : i32 to index
        %get3A_122 = arith.constant 16 : index
        %get3A_123 = tpu.vector_load %arg10[%get3A_121, %get3A_122] {strides = array<i32>} : memref<250x128xf32, #tpu.memory_space<vmem>>, vector<16xf32>,
        %mul3A_124 = arith.mulf %get3A_123, %gather3A : vector<16xf32>
        %swap3A_125 = arith.index_cast %scan3A_107 : i32 to index
        %swap3A_126 = arith.constant 16 : index
        %swap3A_127 = tpu.vector_load %arg10[%swap3A_125, %swap3A_126] {strides = array<i32>} : memref<250x128xf32, #tpu.memory_space<vmem>>, vector<16xf32>,
        tpu.vector_store %arg10[%swap3A_125, %swap3A_126], %mul3A_124 {strides = array<i32>} : memref<250x128xf32, #tpu.memory_space<vmem>>, vector<16xf32>,
        %get3A_128 = arith.index_cast %scan3A_107 : i32 to index
        %get3A_129 = arith.constant 32 : index
        %get3A_130 = tpu.vector_load %arg10[%get3A_128, %get3A_129] {strides = array<i32>} : memref<250x128xf32, #tpu.memory_space<vmem>>, vector<16xf32>,
        %mul3A_131 = arith.mulf %get3A_130, %gather3A : vector<16xf32>
        %swap3A_132 = arith.index_cast %scan3A_107 : i32 to index
        %swap3A_133 = arith.constant 32 : index
        %swap3A_134 = tpu.vector_load %arg10[%swap3A_132, %swap3A_133] {strides = array<i32>} : memref<250x128xf32, #tpu.memory_space<vmem>>, vector<16xf32>,
        tpu.vector_store %arg10[%swap3A_132, %swap3A_133], %mul3A_131 {strides = array<i32>} : memref<250x128xf32, #tpu.memory_space<vmem>>, vector<16xf32>,
        %get3A_135 = arith.index_cast %scan3A_107 : i32 to index
        %get3A_136 = arith.constant 48 : index
        %get3A_137 = tpu.vector_load %arg10[%get3A_135, %get3A_136] {strides = array<i32>} : memref<250x128xf32, #tpu.memory_space<vmem>>, vector<16xf32>,
        %mul3A_138 = arith.mulf %get3A_137, %gather3A : vector<16xf32>
        %swap3A_139 = arith.index_cast %scan3A_107 : i32 to index
        %swap3A_140 = arith.constant 48 : index
        %swap3A_141 = tpu.vector_load %arg10[%swap3A_139, %swap3A_140] {strides = array<i32>} : memref<250x128xf32, #tpu.memory_space<vmem>>, vector<16xf32>,
        tpu.vector_store %arg10[%swap3A_139, %swap3A_140], %mul3A_138 {strides = array<i32>} : memref<250x128xf32, #tpu.memory_space<vmem>>, vector<16xf32>,
        %get3A_142 = arith.index_cast %scan3A_107 : i32 to index
        %get3A_143 = arith.constant 64 : index
        %get3A_144 = tpu.vector_load %arg10[%get3A_142, %get3A_143] {strides = array<i32>} : memref<250x128xf32, #tpu.memory_space<vmem>>, vector<16xf32>,
        %mul3A_145 = arith.mulf %get3A_144, %gather3A_115 : vector<16xf32>
        %swap3A_146 = arith.index_cast %scan3A_107 : i32 to index
        %swap3A_147 = arith.constant 64 : index
        %swap3A_148 = tpu.vector_load %arg10[%swap3A_146, %swap3A_147] {strides = array<i32>} : memref<250x128xf32, #tpu.memory_space<vmem>>, vector<16xf32>,
        tpu.vector_store %arg10[%swap3A_146, %swap3A_147], %mul3A_145 {strides = array<i32>} : memref<250x128xf32, #tpu.memory_space<vmem>>, vector<16xf32>,
        %get3A_149 = arith.index_cast %scan3A_107 : i32 to index
        %get3A_150 = arith.constant 80 : index
        %get3A_151 = tpu.vector_load %arg10[%get3A_149, %get3A_150] {strides = array<i32>} : memref<250x128xf32, #tpu.memory_space<vmem>>, vector<16xf32>,
        %mul3A_152 = arith.mulf %get3A_151, %gather3A_115 : vector<16xf32>
        %swap3A_153 = arith.index_cast %scan3A_107 : i32 to index
        %swap3A_154 = arith.constant 80 : index
        %swap3A_155 = tpu.vector_load %arg10[%swap3A_153, %swap3A_154] {strides = array<i32>} : memref<250x128xf32, #tpu.memory_space<vmem>>, vector<16xf32>,
        tpu.vector_store %arg10[%swap3A_153, %swap3A_154], %mul3A_152 {strides = array<i32>} : memref<250x128xf32, #tpu.memory_space<vmem>>, vector<16xf32>,
        %get3A_156 = arith.index_cast %scan3A_107 : i32 to index
        %get3A_157 = arith.constant 96 : index
        %get3A_158 = tpu.vector_load %arg10[%get3A_156, %get3A_157] {strides = array<i32>} : memref<250x128xf32, #tpu.memory_space<vmem>>, vector<16xf32>,
        %mul3A_159 = arith.mulf %get3A_158, %gather3A_115 : vector<16xf32>
        %swap3A_160 = arith.index_cast %scan3A_107 : i32 to index
        %swap3A_161 = arith.constant 96 : index
        %swap3A_162 = tpu.vector_load %arg10[%swap3A_160, %swap3A_161] {strides = array<i32>} : memref<250x128xf32, #tpu.memory_space<vmem>>, vector<16xf32>,
        tpu.vector_store %arg10[%swap3A_160, %swap3A_161], %mul3A_159 {strides = array<i32>} : memref<250x128xf32, #tpu.memory_space<vmem>>, vector<16xf32>,
        %get3A_163 = arith.index_cast %scan3A_107 : i32 to index
        %get3A_164 = arith.constant 112 : index
        %get3A_165 = tpu.vector_load %arg10[%get3A_163, %get3A_164] {strides = array<i32>} : memref<250x128xf32, #tpu.memory_space<vmem>>, vector<16xf32>,
        %mul3A_166 = arith.mulf %get3A_165, %gather3A_115 : vector<16xf32>
        %swap3A_167 = arith.index_cast %scan3A_107 : i32 to index
        %swap3A_168 = arith.constant 112 : index
        %swap3A_169 = tpu.vector_load %arg10[%swap3A_167, %swap3A_168] {strides = array<i32>} : memref<250x128xf32, #tpu.memory_space<vmem>>, vector<16xf32>,
        tpu.vector_store %arg10[%swap3A_167, %swap3A_168], %mul3A_166 {strides = array<i32>} : memref<250x128xf32, #tpu.memory_space<vmem>>, vector<16xf32>,
      }
      %scan3A_66 = arith.constant 250 : i32
      %dma_start3A_67 = arith.constant 0 : i32
      %dma_start3A_68 = arith.constant 0 : i32
      %dma_start3A_69 = arith.constant 0 : i32
      %dma_start3A_70 = tpu.memref_slice %arg10[%dma_start3A_68, %dma_start3A_69] : memref<250x128xf32, #tpu.memory_space<vmem>> -> memref<125x128xf32, #tpu.memory_space<vmem>>
      %dma_start3A_71 = arith.constant 0 : i32
      %dma_start3A_72 = tpu.memref_slice %arg9[%dma_start3A_67, %dma_start3A_71] : memref<2x125xi32, #tpu.memory_space<vmem>> -> memref<1x125xi32, #tpu.memory_space<vmem>>
      %dma_start3A_73 = tpu.memref_squeeze %dma_start3A_72 : memref<1x125xi32, #tpu.memory_space<vmem>> -> memref<125xi32, #tpu.memory_space<vmem>>
      %dma_start3A_74 = arith.constant 0 : i32
      %dma_start3A_75 = arith.constant 0 : i32
      %dma_start3A_76 = tpu.memref_slice %arg12[%dma_start3A_74, %dma_start3A_75] : memref<10000x128xf32, #tpu.memory_space<vmem_shared>> -> memref<10000x128xf32, #tpu.memory_space<vmem_shared>>
      tpu.enqueue_indirect_dma source(%dma_start3A_70 : memref<125x128xf32, #tpu.memory_space<vmem>>) target(%dma_start3A_76 : memref<10000x128xf32, #tpu.memory_space<vmem_shared>>) offsets(%dma_start3A_73 : memref<125xi32, #tpu.memory_space<vmem>>) semaphore(%arg14 : memref<!tpu.dma_semaphore, #tpu.memory_space<semaphore_mem>>) {add = true}
      %dma_start3A_77 = arith.constant 1 : i32
      %dma_start3A_78 = arith.constant 125 : i32
      %dma_start3A_79 = arith.constant 0 : i32
      %dma_start3A_80 = tpu.memref_slice %arg10[%dma_start3A_78, %dma_start3A_79] : memref<250x128xf32, #tpu.memory_space<vmem>> -> memref<125x128xf32, #tpu.memory_space<vmem>>
      %dma_start3A_81 = arith.constant 0 : i32
      %dma_start3A_82 = tpu.memref_slice %arg9[%dma_start3A_77, %dma_start3A_81] : memref<2x125xi32, #tpu.memory_space<vmem>> -> memref<1x125xi32, #tpu.memory_space<vmem>>
      %dma_start3A_83 = tpu.memref_squeeze %dma_start3A_82 : memref<1x125xi32, #tpu.memory_space<vmem>> -> memref<125xi32, #tpu.memory_space<vmem>>
      %dma_start3A_84 = arith.constant 0 : i32
      %dma_start3A_85 = arith.constant 0 : i32
      %dma_start3A_86 = tpu.memref_slice %arg12[%dma_start3A_84, %dma_start3A_85] : memref<10000x128xf32, #tpu.memory_space<vmem_shared>> -> memref<10000x128xf32, #tpu.memory_space<vmem_shared>>
      tpu.enqueue_indirect_dma source(%dma_start3A_80 : memref<125x128xf32, #tpu.memory_space<vmem>>) target(%dma_start3A_86 : memref<10000x128xf32, #tpu.memory_space<vmem_shared>>) offsets(%dma_start3A_83 : memref<125xi32, #tpu.memory_space<vmem>>) semaphore(%arg14 : memref<!tpu.dma_semaphore, #tpu.memory_space<semaphore_mem>>) {add = true}
      %dma_wait3A_87 = arith.constant 0 : i32
      %dma_wait3A_88 = arith.constant 0 : i32
      %dma_wait3A_89 = arith.constant 0 : i32
      %dma_wait3A_90 = tpu.memref_slice %arg10[%dma_wait3A_88, %dma_wait3A_89] : memref<250x128xf32, #tpu.memory_space<vmem>> -> memref<125x128xf32, #tpu.memory_space<vmem>>
      %dma_wait3A_91 = arith.constant 0 : i32
      %dma_wait3A_92 = tpu.memref_slice %arg9[%dma_wait3A_87, %dma_wait3A_91] : memref<2x125xi32, #tpu.memory_space<vmem>> -> memref<1x125xi32, #tpu.memory_space<vmem>>
      %dma_wait3A_93 = tpu.memref_squeeze %dma_wait3A_92 : memref<1x125xi32, #tpu.memory_space<vmem>> -> memref<125xi32, #tpu.memory_space<vmem>>
      %dma_wait3A_94 = arith.constant 0 : i32
      %dma_wait3A_95 = arith.constant 0 : i32
      %dma_wait3A_96 = tpu.memref_slice %arg12[%dma_wait3A_94, %dma_wait3A_95] : memref<10000x128xf32, #tpu.memory_space<vmem_shared>> -> memref<10000x128xf32, #tpu.memory_space<vmem_shared>>
      tpu.wait_indirect_dma semaphore(%arg14 : memref<!tpu.dma_semaphore, #tpu.memory_space<semaphore_mem>>) src(%dma_wait3A_90 : memref<125x128xf32, #tpu.memory_space<vmem>>) dst(%dma_wait3A_96 : memref<10000x128xf32, #tpu.memory_space<vmem_shared>>)
      %dma_wait3A_97 = arith.constant 1 : i32
      %dma_wait3A_98 = arith.constant 125 : i32
      %dma_wait3A_99 = arith.constant 0 : i32
      %dma_wait3A_100 = tpu.memref_slice %arg10[%dma_wait3A_98, %dma_wait3A_99] : memref<250x128xf32, #tpu.memory_space<vmem>> -> memref<125x128xf32, #tpu.memory_space<vmem>>
      %dma_wait3A_101 = arith.constant 0 : i32
      %dma_wait3A_102 = tpu.memref_slice %arg9[%dma_wait3A_97, %dma_wait3A_101] : memref<2x125xi32, #tpu.memory_space<vmem>> -> memref<1x125xi32, #tpu.memory_space<vmem>>
      %dma_wait3A_103 = tpu.memref_squeeze %dma_wait3A_102 : memref<1x125xi32, #tpu.memory_space<vmem>> -> memref<125xi32, #tpu.memory_space<vmem>>
      %dma_wait3A_104 = arith.constant 0 : i32
      %dma_wait3A_105 = arith.constant 0 : i32
      %dma_wait3A_106 = tpu.memref_slice %arg12[%dma_wait3A_104, %dma_wait3A_105] : memref<10000x128xf32, #tpu.memory_space<vmem_shared>> -> memref<10000x128xf32, #tpu.memory_space<vmem_shared>>
      tpu.wait_indirect_dma semaphore(%arg14 : memref<!tpu.dma_semaphore, #tpu.memory_space<semaphore_mem>>) src(%dma_wait3A_100 : memref<125x128xf32, #tpu.memory_space<vmem>>) dst(%dma_wait3A_106 : memref<10000x128xf32, #tpu.memory_space<vmem_shared>>)
    }
    %scan3A_7 = arith.constant 40 : i32
    %barrier3A_8 = arith.constant 0 : index
    tpu.barrier barrier_id(%barrier3A_8)
    %eq3A = arith.constant 0 : i32
    %eq3A_9 = arith.cmpi eq, %arg1, %eq3A : i32
    %convert_element_type3A = arith.extui %eq3A_9 : i1 to i32
    %cond3A = arith.constant 0 : i32
    %cond3A_10 = arith.cmpi ne, %convert_element_type3A, %cond3A : i32
    scf.if %cond3A_10 {
      "tpu.region"() ({
        %run_scoped3A = tpu.sem_alloc : memref<!tpu.dma_semaphore, #tpu.memory_space<semaphore_mem>>
        %dma_start3A = arith.constant 0 : i32
        %dma_start3A_11 = arith.constant 0 : i32
        %dma_start3A_12 = tpu.memref_slice %arg7[%arg0, %dma_start3A, %dma_start3A_11] : memref<2x10000x128xf32, #tpu.memory_space<hbm>> -> memref<1x10000x128xf32, #tpu.memory_space<hbm>>
        %dma_start3A_13 = tpu.memref_squeeze %dma_start3A_12 : memref<1x10000x128xf32, #tpu.memory_space<hbm>> -> memref<10000x128xf32, #tpu.memory_space<hbm>>
        tpu.enqueue_dma source(%arg12 : memref<10000x128xf32, #tpu.memory_space<vmem_shared>>) target(%dma_start3A_13 : memref<10000x128xf32, #tpu.memory_space<hbm>>) target_semaphore(%run_scoped3A : memref<!tpu.dma_semaphore, #tpu.memory_space<semaphore_mem>>)
        %dma_wait3A = arith.constant 0 : i32
        %dma_wait3A_14 = arith.constant 0 : i32
        %dma_wait3A_15 = tpu.memref_slice %arg7[%arg0, %dma_wait3A, %dma_wait3A_14] : memref<2x10000x128xf32, #tpu.memory_space<hbm>> -> memref<1x10000x128xf32, #tpu.memory_space<hbm>>
        %dma_wait3A_16 = tpu.memref_squeeze %dma_wait3A_15 : memref<1x10000x128xf32, #tpu.memory_space<hbm>> -> memref<10000x128xf32, #tpu.memory_space<hbm>>
        tpu.wait_dma2 semaphore(%run_scoped3A : memref<!tpu.dma_semaphore, #tpu.memory_space<semaphore_mem>>) src(%arg12 : memref<10000x128xf32, #tpu.memory_space<vmem_shared>>) dst(%dma_wait3A_16 : memref<10000x128xf32, #tpu.memory_space<hbm>>)
        tpu.yield
      }) : () -> ()
    } else {
    }
    return
  }
}

module attributes {stable_mosaic.version = 14 : i64} {
  func.func @_nodes_tc(%arg0: i32, %arg1: memref<1000x128xf32, #tpu.memory_space<vmem>>, %arg2: memref<128x256xf32, #tpu.memory_space<vmem>>, %arg3: memref<128x8xf32, #tpu.memory_space<vmem>>, %arg4: memref<2x1000x128xf32, #tpu.memory_space<vmem>>, %arg5: memref<2x1000x64xf32, #tpu.memory_space<vmem>>, %arg6: memref<1000x16xf32, #tpu.memory_space<vmem>>) attributes {dimension_semantics = [#tpu.dimension_semantics<arbitrary>], iteration_bounds = array<i64: 10>, scalar_prefetch = 0 : i64, scratch_operands = 0 : i64, tpu.core_type = #tpu.core_type<tc>, window_params = [{transform_indices = @transform_0, window_bounds = array<i64: 1000, 128>}, {pipeline_mode = #tpu.pipeline_mode<synchronous>, transform_indices = @transform_1, window_bounds = array<i64: 128, 256>}, {pipeline_mode = #tpu.pipeline_mode<synchronous>, transform_indices = @transform_2, window_bounds = array<i64: 128, 8>}, {transform_indices = @transform_3, window_bounds = array<i64: 2, 1000, 128>}, {transform_indices = @transform_4, window_bounds = array<i64: 2, 1000, 64>}, {transform_indices = @transform_5, window_bounds = array<i64: 1000, 16>}]} {
    %get3A = arith.constant 0 : index
    %get3A_0 = arith.constant 0 : index
    %get3A_1 = vector.load %arg1[%get3A, %get3A_0] : memref<1000x128xf32, #tpu.memory_space<vmem>>, vector<1000x128xf32>
    %get3A_2 = arith.constant 0 : index
    %get3A_3 = arith.constant 0 : index
    %get3A_4 = vector.load %arg2[%get3A_2, %get3A_3] : memref<128x256xf32, #tpu.memory_space<vmem>>, vector<128x256xf32>
    %dot_general3A = arith.constant dense<0.000000e+00> : vector<1000x256xf32>
    %dot_general3A_5 = tpu.matmul %get3A_1, %get3A_4, %dot_general3A {dimension_numbers = #tpu.dot_dimension_numbers<[1], [0], [0], [1], [0, 0, 1, 1], [], []>, transpose_lhs_hint = false} : vector<1000x128xf32>, vector<128x256xf32>, vector<1000x256xf32> -> vector<1000x256xf32>
    %slice3A = vector.extract_strided_slice %dot_general3A_5 {offsets = [0, 0], sizes = [1000, 128], strides = [1, 1]} : vector<1000x256xf32> to vector<1000x128xf32>
    %swap3A = arith.constant 0 : index
    %swap3A_6 = arith.constant 0 : index
    %swap3A_7 = arith.constant 0 : index
    %swap3A_8 = vector.load %arg4[%swap3A, %swap3A_6, %swap3A_7] : memref<2x1000x128xf32, #tpu.memory_space<vmem>>, vector<1x1000x128xf32>
    %swap3A_9 = vector.shape_cast %swap3A_8 : vector<1x1000x128xf32> to vector<1000x128xf32>
    %swap3A_10 = vector.shape_cast %slice3A : vector<1000x128xf32> to vector<1x1000x128xf32>
    tpu.vector_store %arg4[%swap3A, %swap3A_6, %swap3A_7], %swap3A_10 {strides = array<i32>} : memref<2x1000x128xf32, #tpu.memory_space<vmem>>, vector<1x1000x128xf32>,
    %slice3A_11 = vector.extract_strided_slice %dot_general3A_5 {offsets = [0, 128], sizes = [1000, 128], strides = [1, 1]} : vector<1000x256xf32> to vector<1000x128xf32>
    %swap3A_12 = arith.constant 1 : index
    %swap3A_13 = arith.constant 0 : index
    %swap3A_14 = arith.constant 0 : index
    %swap3A_15 = vector.load %arg4[%swap3A_12, %swap3A_13, %swap3A_14] : memref<2x1000x128xf32, #tpu.memory_space<vmem>>, vector<1x1000x128xf32>
    %swap3A_16 = vector.shape_cast %swap3A_15 : vector<1x1000x128xf32> to vector<1000x128xf32>
    %swap3A_17 = vector.shape_cast %slice3A_11 : vector<1000x128xf32> to vector<1x1000x128xf32>
    tpu.vector_store %arg4[%swap3A_12, %swap3A_13, %swap3A_14], %swap3A_17 {strides = array<i32>} : memref<2x1000x128xf32, #tpu.memory_space<vmem>>, vector<1x1000x128xf32>,
    %slice3A_18 = vector.extract_strided_slice %get3A_1 {offsets = [0, 0], sizes = [1000, 64], strides = [1, 1]} : vector<1000x128xf32> to vector<1000x64xf32>
    %swap3A_19 = arith.constant 0 : index
    %swap3A_20 = arith.constant 0 : index
    %swap3A_21 = arith.constant 0 : index
    %swap3A_22 = vector.load %arg5[%swap3A_19, %swap3A_20, %swap3A_21] : memref<2x1000x64xf32, #tpu.memory_space<vmem>>, vector<1x1000x64xf32>
    %swap3A_23 = vector.shape_cast %swap3A_22 : vector<1x1000x64xf32> to vector<1000x64xf32>
    %swap3A_24 = vector.shape_cast %slice3A_18 : vector<1000x64xf32> to vector<1x1000x64xf32>
    tpu.vector_store %arg5[%swap3A_19, %swap3A_20, %swap3A_21], %swap3A_24 {strides = array<i32>} : memref<2x1000x64xf32, #tpu.memory_space<vmem>>, vector<1x1000x64xf32>,
    %slice3A_25 = vector.extract_strided_slice %get3A_1 {offsets = [0, 64], sizes = [1000, 64], strides = [1, 1]} : vector<1000x128xf32> to vector<1000x64xf32>
    %swap3A_26 = arith.constant 1 : index
    %swap3A_27 = arith.constant 0 : index
    %swap3A_28 = arith.constant 0 : index
    %swap3A_29 = vector.load %arg5[%swap3A_26, %swap3A_27, %swap3A_28] : memref<2x1000x64xf32, #tpu.memory_space<vmem>>, vector<1x1000x64xf32>
    %swap3A_30 = vector.shape_cast %swap3A_29 : vector<1x1000x64xf32> to vector<1000x64xf32>
    %swap3A_31 = vector.shape_cast %slice3A_25 : vector<1000x64xf32> to vector<1x1000x64xf32>
    tpu.vector_store %arg5[%swap3A_26, %swap3A_27, %swap3A_28], %swap3A_31 {strides = array<i32>} : memref<2x1000x64xf32, #tpu.memory_space<vmem>>, vector<1x1000x64xf32>,
    %get3A_32 = arith.constant 0 : index
    %get3A_33 = arith.constant 0 : index
    %get3A_34 = vector.load %arg3[%get3A_32, %get3A_33] : memref<128x8xf32, #tpu.memory_space<vmem>>, vector<128x8xf32>
    %dot_general3A_35 = arith.constant dense<0.000000e+00> : vector<1000x8xf32>
    %dot_general3A_36 = tpu.matmul %get3A_1, %get3A_34, %dot_general3A_35 {dimension_numbers = #tpu.dot_dimension_numbers<[1], [0], [0], [1], [0, 0, 1, 1], [], []>, transpose_lhs_hint = false} : vector<1000x128xf32>, vector<128x8xf32>, vector<1000x8xf32> -> vector<1000x8xf32>
    %broadcast_in_dim3A = arith.constant 0.000000e+00 : f32
    %broadcast_in_dim3A_37 = vector.broadcast %broadcast_in_dim3A : f32 to vector<1000x8xf32>
    %concatenate3A = tpu.concatenate %dot_general3A_36, %broadcast_in_dim3A_37 in 1 : vector<1000x8xf32>, vector<1000x8xf32> -> vector<1000x16xf32>
    %swap3A_38 = arith.constant 0 : index
    %swap3A_39 = arith.constant 0 : index
    %swap3A_40 = vector.load %arg6[%swap3A_38, %swap3A_39] : memref<1000x16xf32, #tpu.memory_space<vmem>>, vector<1000x16xf32>
    tpu.vector_store %arg6[%swap3A_38, %swap3A_39], %concatenate3A {strides = array<i32>} : memref<1000x16xf32, #tpu.memory_space<vmem>>, vector<1000x16xf32>,
    return
  }
  func.func @transform_0(%arg0: i32) -> (i32, i32) {
    %c0_i32 = arith.constant 0 : i32
    %c0_i32_0 = arith.constant 0 : i32
    return %arg0, %c0_i32 : i32, i32
  }
  func.func @transform_1(%arg0: i32) -> (i32, i32) {
    %c0_i32 = arith.constant 0 : i32
    %c0_i32_0 = arith.constant 0 : i32
    %c0_i32_1 = arith.constant 0 : i32
    return %c0_i32, %c0_i32_0 : i32, i32
  }
  func.func @transform_2(%arg0: i32) -> (i32, i32) {
    %c0_i32 = arith.constant 0 : i32
    %c0_i32_0 = arith.constant 0 : i32
    %c0_i32_1 = arith.constant 0 : i32
    return %c0_i32, %c0_i32_0 : i32, i32
  }
  func.func @transform_3(%arg0: i32) -> (i32, i32, i32) {
    %c0_i32 = arith.constant 0 : i32
    %c0_i32_0 = arith.constant 0 : i32
    %c0_i32_1 = arith.constant 0 : i32
    return %c0_i32, %arg0, %c0_i32_0 : i32, i32, i32
  }
  func.func @transform_4(%arg0: i32) -> (i32, i32, i32) {
    %c0_i32 = arith.constant 0 : i32
    %c0_i32_0 = arith.constant 0 : i32
    %c0_i32_1 = arith.constant 0 : i32
    return %c0_i32, %arg0, %c0_i32_0 : i32, i32, i32
  }
  func.func @transform_5(%arg0: i32) -> (i32, i32) {
    %c0_i32 = arith.constant 0 : i32
    %c0_i32_0 = arith.constant 0 : i32
    return %arg0, %c0_i32 : i32, i32
  }
}

module attributes {stable_mosaic.version = 14 : i64} {
  func.func @_edges_tc(%arg0: i32, %arg1: memref<2000x16xf32, #tpu.memory_space<vmem>>, %arg2: memref<2000x1xf32, #tpu.memory_space<vmem>>, %arg3: memref<24x4xf32, #tpu.memory_space<vmem>>, %arg4: memref<24x128xf32, #tpu.memory_space<vmem>>, %arg5: memref<1x128xf32, #tpu.memory_space<vmem>>, %arg6: memref<2000x4xf32, #tpu.memory_space<vmem>>, %arg7: memref<2x2000x64xf32, #tpu.memory_space<vmem>>) attributes {dimension_semantics = [#tpu.dimension_semantics<arbitrary>], iteration_bounds = array<i64: 80>, scalar_prefetch = 0 : i64, scratch_operands = 0 : i64, tpu.core_type = #tpu.core_type<tc>, window_params = [{transform_indices = @transform_0, window_bounds = array<i64: 2000, 16>}, {transform_indices = @transform_1, window_bounds = array<i64: 2000, 1>}, {pipeline_mode = #tpu.pipeline_mode<synchronous>, transform_indices = @transform_2, window_bounds = array<i64: 24, 4>}, {pipeline_mode = #tpu.pipeline_mode<synchronous>, transform_indices = @transform_3, window_bounds = array<i64: 24, 128>}, {pipeline_mode = #tpu.pipeline_mode<synchronous>, transform_indices = @transform_4, window_bounds = array<i64: 1, 128>}, {transform_indices = @transform_5, window_bounds = array<i64: 2000, 4>}, {transform_indices = @transform_6, window_bounds = array<i64: 2, 2000, 64>}]} {
    %iota3A = tpu.iota {dimensions = array<i32: 1>} : vector<1x8xi32>
    %iota3A_0 = vector.shape_cast %iota3A : vector<1x8xi32> to vector<8xi32>
    %broadcast_in_dim3A = vector.shape_cast %iota3A_0 : vector<8xi32> to vector<1x8xi32>
    %convert_element_type3A = arith.sitofp %broadcast_in_dim3A : vector<1x8xi32> to vector<1x8xf32>
    %get3A = arith.constant 0 : index
    %get3A_1 = arith.constant 0 : index
    %get3A_2 = vector.load %arg2[%get3A, %get3A_1] : memref<2000x1xf32, #tpu.memory_space<vmem>>, vector<2000x1xf32>
    %eq3A = vector.broadcast %get3A_2 : vector<2000x1xf32> to vector<2000x8xf32>
    %eq3A_3 = vector.broadcast %convert_element_type3A : vector<1x8xf32> to vector<2000x8xf32>
    %eq3A_4 = arith.cmpf oeq, %eq3A, %eq3A_3 : vector<2000x8xf32>
    %convert_element_type3A_5 = arith.extui %eq3A_4 : vector<2000x8xi1> to vector<2000x8xi32>
    %convert_element_type3A_6 = arith.sitofp %convert_element_type3A_5 : vector<2000x8xi32> to vector<2000x8xf32>
    %get3A_7 = arith.constant 0 : index
    %get3A_8 = arith.constant 0 : index
    %get3A_9 = vector.load %arg1[%get3A_7, %get3A_8] : memref<2000x16xf32, #tpu.memory_space<vmem>>, vector<2000x16xf32>
    %concatenate3A = tpu.concatenate %get3A_9, %convert_element_type3A_6 in 1 : vector<2000x16xf32>, vector<2000x8xf32> -> vector<2000x24xf32>
    %get3A_10 = arith.constant 0 : index
    %get3A_11 = arith.constant 0 : index
    %get3A_12 = vector.load %arg3[%get3A_10, %get3A_11] : memref<24x4xf32, #tpu.memory_space<vmem>>, vector<24x4xf32>
    %dot_general3A = arith.constant dense<0.000000e+00> : vector<2000x4xf32>
    %dot_general3A_13 = tpu.matmul %concatenate3A, %get3A_12, %dot_general3A {dimension_numbers = #tpu.dot_dimension_numbers<[1], [0], [0], [1], [0, 0, 1, 1], [], []>, transpose_lhs_hint = false} : vector<2000x24xf32>, vector<24x4xf32>, vector<2000x4xf32> -> vector<2000x4xf32>
    %swap3A = arith.constant 0 : index
    %swap3A_14 = arith.constant 0 : index
    %swap3A_15 = vector.load %arg6[%swap3A, %swap3A_14] : memref<2000x4xf32, #tpu.memory_space<vmem>>, vector<2000x4xf32>
    tpu.vector_store %arg6[%swap3A, %swap3A_14], %dot_general3A_13 {strides = array<i32>} : memref<2000x4xf32, #tpu.memory_space<vmem>>, vector<2000x4xf32>,
    %get3A_16 = arith.constant 0 : index
    %get3A_17 = arith.constant 0 : index
    %get3A_18 = vector.load %arg4[%get3A_16, %get3A_17] : memref<24x128xf32, #tpu.memory_space<vmem>>, vector<24x128xf32>
    %dot_general3A_19 = arith.constant dense<0.000000e+00> : vector<2000x128xf32>
    %dot_general3A_20 = tpu.matmul %concatenate3A, %get3A_18, %dot_general3A_19 {dimension_numbers = #tpu.dot_dimension_numbers<[1], [0], [0], [1], [0, 0, 1, 1], [], []>, transpose_lhs_hint = false} : vector<2000x24xf32>, vector<24x128xf32>, vector<2000x128xf32> -> vector<2000x128xf32>
    %get3A_21 = arith.constant 0 : index
    %get3A_22 = arith.constant 0 : index
    %get3A_23 = vector.load %arg5[%get3A_21, %get3A_22] : memref<1x128xf32, #tpu.memory_space<vmem>>, vector<1x128xf32>
    %add3A = vector.broadcast %get3A_23 : vector<1x128xf32> to vector<2000x128xf32>
    %add3A_24 = arith.addf %dot_general3A_20, %add3A : vector<2000x128xf32>
    %slice3A = vector.extract_strided_slice %add3A_24 {offsets = [0, 0], sizes = [2000, 64], strides = [1, 1]} : vector<2000x128xf32> to vector<2000x64xf32>
    %swap3A_25 = arith.constant 0 : index
    %swap3A_26 = arith.constant 0 : index
    %swap3A_27 = arith.constant 0 : index
    %swap3A_28 = vector.load %arg7[%swap3A_25, %swap3A_26, %swap3A_27] : memref<2x2000x64xf32, #tpu.memory_space<vmem>>, vector<1x2000x64xf32>
    %swap3A_29 = vector.shape_cast %swap3A_28 : vector<1x2000x64xf32> to vector<2000x64xf32>
    %swap3A_30 = vector.shape_cast %slice3A : vector<2000x64xf32> to vector<1x2000x64xf32>
    tpu.vector_store %arg7[%swap3A_25, %swap3A_26, %swap3A_27], %swap3A_30 {strides = array<i32>} : memref<2x2000x64xf32, #tpu.memory_space<vmem>>, vector<1x2000x64xf32>,
    %slice3A_31 = vector.extract_strided_slice %add3A_24 {offsets = [0, 64], sizes = [2000, 64], strides = [1, 1]} : vector<2000x128xf32> to vector<2000x64xf32>
    %swap3A_32 = arith.constant 1 : index
    %swap3A_33 = arith.constant 0 : index
    %swap3A_34 = arith.constant 0 : index
    %swap3A_35 = vector.load %arg7[%swap3A_32, %swap3A_33, %swap3A_34] : memref<2x2000x64xf32, #tpu.memory_space<vmem>>, vector<1x2000x64xf32>
    %swap3A_36 = vector.shape_cast %swap3A_35 : vector<1x2000x64xf32> to vector<2000x64xf32>
    %swap3A_37 = vector.shape_cast %slice3A_31 : vector<2000x64xf32> to vector<1x2000x64xf32>
    tpu.vector_store %arg7[%swap3A_32, %swap3A_33, %swap3A_34], %swap3A_37 {strides = array<i32>} : memref<2x2000x64xf32, #tpu.memory_space<vmem>>, vector<1x2000x64xf32>,
    return
  }
  func.func @transform_0(%arg0: i32) -> (i32, i32) {
    %c0_i32 = arith.constant 0 : i32
    %c0_i32_0 = arith.constant 0 : i32
    return %arg0, %c0_i32 : i32, i32
  }
  func.func @transform_1(%arg0: i32) -> (i32, i32) {
    %c0_i32 = arith.constant 0 : i32
    %c0_i32_0 = arith.constant 0 : i32
    return %arg0, %c0_i32 : i32, i32
  }
  func.func @transform_2(%arg0: i32) -> (i32, i32) {
    %c0_i32 = arith.constant 0 : i32
    %c0_i32_0 = arith.constant 0 : i32
    %c0_i32_1 = arith.constant 0 : i32
    return %c0_i32, %c0_i32_0 : i32, i32
  }
  func.func @transform_3(%arg0: i32) -> (i32, i32) {
    %c0_i32 = arith.constant 0 : i32
    %c0_i32_0 = arith.constant 0 : i32
    %c0_i32_1 = arith.constant 0 : i32
    return %c0_i32, %c0_i32_0 : i32, i32
  }
  func.func @transform_4(%arg0: i32) -> (i32, i32) {
    %c0_i32 = arith.constant 0 : i32
    %c0_i32_0 = arith.constant 0 : i32
    %c0_i32_1 = arith.constant 0 : i32
    return %c0_i32, %c0_i32_0 : i32, i32
  }
  func.func @transform_5(%arg0: i32) -> (i32, i32) {
    %c0_i32 = arith.constant 0 : i32
    %c0_i32_0 = arith.constant 0 : i32
    return %arg0, %c0_i32 : i32, i32
  }
  func.func @transform_6(%arg0: i32) -> (i32, i32, i32) {
    %c0_i32 = arith.constant 0 : i32
    %c0_i32_0 = arith.constant 0 : i32
    %c0_i32_1 = arith.constant 0 : i32
    return %c0_i32, %arg0, %c0_i32_0 : i32, i32, i32
  }
}

module attributes {stable_mosaic.version = 14 : i64} {
  func.func @_final_tc(%arg0: i32, %arg1: memref<2x1000x128xf32, #tpu.memory_space<vmem>>, %arg2: memref<2x1000x4xf32, #tpu.memory_space<vmem>>, %arg3: memref<2x1000x64xf32, #tpu.memory_space<vmem>>, %arg4: memref<1000x128xf32, #tpu.memory_space<vmem>>, %arg5: memref<128x64xf32, #tpu.memory_space<vmem>>, %arg6: memref<1x64xf32, #tpu.memory_space<vmem>>, %arg7: memref<64x64xf32, #tpu.memory_space<vmem>>, %arg8: memref<1x64xf32, #tpu.memory_space<vmem>>, %arg9: memref<128x128xf32, #tpu.memory_space<vmem>>, %arg10: memref<128x128xf32, #tpu.memory_space<vmem>>, %arg11: memref<64x128xf32, #tpu.memory_space<vmem>>, %arg12: memref<1x128xf32, #tpu.memory_space<vmem>>, %arg13: memref<1x128xf32, #tpu.memory_space<vmem>>, %arg14: memref<1x128xf32, #tpu.memory_space<vmem>>, %arg15: memref<1000x128xf32, #tpu.memory_space<vmem>>) attributes {dimension_semantics = [#tpu.dimension_semantics<arbitrary>], iteration_bounds = array<i64: 10>, scalar_prefetch = 0 : i64, scratch_operands = 0 : i64, tpu.core_type = #tpu.core_type<tc>, window_params = [{transform_indices = @transform_0, window_bounds = array<i64: 2, 1000, 128>}, {transform_indices = @transform_1, window_bounds = array<i64: 2, 1000, 4>}, {transform_indices = @transform_2, window_bounds = array<i64: 2, 1000, 64>}, {transform_indices = @transform_3, window_bounds = array<i64: 1000, 128>}, {pipeline_mode = #tpu.pipeline_mode<synchronous>, transform_indices = @transform_4, window_bounds = array<i64: 128, 64>}, {pipeline_mode = #tpu.pipeline_mode<synchronous>, transform_indices = @transform_5, window_bounds = array<i64: 1, 64>}, {pipeline_mode = #tpu.pipeline_mode<synchronous>, transform_indices = @transform_6, window_bounds = array<i64: 64, 64>}, {pipeline_mode = #tpu.pipeline_mode<synchronous>, transform_indices = @transform_7, window_bounds = array<i64: 1, 64>}, {pipeline_mode = #tpu.pipeline_mode<synchronous>, transform_indices = @transform_8, window_bounds = array<i64: 128, 128>}, {pipeline_mode = #tpu.pipeline_mode<synchronous>, transform_indices = @transform_9, window_bounds = array<i64: 128, 128>}, {pipeline_mode = #tpu.pipeline_mode<synchronous>, transform_indices = @transform_10, window_bounds = array<i64: 64, 128>}, {pipeline_mode = #tpu.pipeline_mode<synchronous>, transform_indices = @transform_11, window_bounds = array<i64: 1, 128>}, {pipeline_mode = #tpu.pipeline_mode<synchronous>, transform_indices = @transform_12, window_bounds = array<i64: 1, 128>}, {pipeline_mode = #tpu.pipeline_mode<synchronous>, transform_indices = @transform_13, window_bounds = array<i64: 1, 128>}, {transform_indices = @transform_14, window_bounds = array<i64: 1000, 128>}]} {
    %get3A = arith.constant 0 : index
    %get3A_0 = arith.constant 0 : index
    %get3A_1 = arith.constant 0 : index
    %get3A_2 = vector.load %arg2[%get3A, %get3A_0, %get3A_1] : memref<2x1000x4xf32, #tpu.memory_space<vmem>>, vector<1x1000x4xf32>
    %get3A_3 = vector.shape_cast %get3A_2 : vector<1x1000x4xf32> to vector<1000x4xf32>
    %get3A_4 = arith.constant 1 : index
    %get3A_5 = arith.constant 0 : index
    %get3A_6 = arith.constant 0 : index
    %get3A_7 = vector.load %arg2[%get3A_4, %get3A_5, %get3A_6] : memref<2x1000x4xf32, #tpu.memory_space<vmem>>, vector<1x1000x4xf32>
    %get3A_8 = vector.shape_cast %get3A_7 : vector<1x1000x4xf32> to vector<1000x4xf32>
    %add3A = arith.addf %get3A_3, %get3A_8 : vector<1000x4xf32>
    %add3A_9 = arith.constant 1.000000e-16 : f32
    %add3A_10 = vector.broadcast %add3A_9 : f32 to vector<1000x4xf32>
    %add3A_11 = arith.addf %add3A, %add3A_10 : vector<1000x4xf32>
    %slice3A = vector.extract_strided_slice %add3A_11 {offsets = [0, 0], sizes = [1000, 1], strides = [1, 1]} : vector<1000x4xf32> to vector<1000x1xf32>
    %broadcast_in_dim3A = vector.shape_cast %slice3A : vector<1000x1xf32> to vector<1000x1xf32>
    %broadcast_in_dim3A_12 = vector.broadcast %broadcast_in_dim3A : vector<1000x1xf32> to vector<1000x64xf32>
    %slice3A_13 = vector.extract_strided_slice %add3A_11 {offsets = [0, 1], sizes = [1000, 1], strides = [1, 1]} : vector<1000x4xf32> to vector<1000x1xf32>
    %broadcast_in_dim3A_14 = vector.shape_cast %slice3A_13 : vector<1000x1xf32> to vector<1000x1xf32>
    %broadcast_in_dim3A_15 = vector.broadcast %broadcast_in_dim3A_14 : vector<1000x1xf32> to vector<1000x64xf32>
    %concatenate3A = tpu.concatenate %broadcast_in_dim3A_12, %broadcast_in_dim3A_15 in 1 : vector<1000x64xf32>, vector<1000x64xf32> -> vector<1000x128xf32>
    %slice3A_16 = vector.extract_strided_slice %add3A_11 {offsets = [0, 2], sizes = [1000, 1], strides = [1, 1]} : vector<1000x4xf32> to vector<1000x1xf32>
    %broadcast_in_dim3A_17 = vector.shape_cast %slice3A_16 : vector<1000x1xf32> to vector<1000x1xf32>
    %broadcast_in_dim3A_18 = vector.broadcast %broadcast_in_dim3A_17 : vector<1000x1xf32> to vector<1000x64xf32>
    %slice3A_19 = vector.extract_strided_slice %add3A_11 {offsets = [0, 3], sizes = [1000, 1], strides = [1, 1]} : vector<1000x4xf32> to vector<1000x1xf32>
    %broadcast_in_dim3A_20 = vector.shape_cast %slice3A_19 : vector<1000x1xf32> to vector<1000x1xf32>
    %broadcast_in_dim3A_21 = vector.broadcast %broadcast_in_dim3A_20 : vector<1000x1xf32> to vector<1000x64xf32>
    %concatenate3A_22 = tpu.concatenate %broadcast_in_dim3A_18, %broadcast_in_dim3A_21 in 1 : vector<1000x64xf32>, vector<1000x64xf32> -> vector<1000x128xf32>
    %get3A_23 = arith.constant 0 : index
    %get3A_24 = arith.constant 0 : index
    %get3A_25 = arith.constant 0 : index
    %get3A_26 = vector.load %arg1[%get3A_23, %get3A_24, %get3A_25] : memref<2x1000x128xf32, #tpu.memory_space<vmem>>, vector<1x1000x128xf32>
    %get3A_27 = vector.shape_cast %get3A_26 : vector<1x1000x128xf32> to vector<1000x128xf32>
    %div3A = arith.divf %get3A_27, %concatenate3A : vector<1000x128xf32>
    %get3A_28 = arith.constant 1 : index
    %get3A_29 = arith.constant 0 : index
    %get3A_30 = arith.constant 0 : index
    %get3A_31 = vector.load %arg1[%get3A_28, %get3A_29, %get3A_30] : memref<2x1000x128xf32, #tpu.memory_space<vmem>>, vector<1x1000x128xf32>
    %get3A_32 = vector.shape_cast %get3A_31 : vector<1x1000x128xf32> to vector<1000x128xf32>
    %div3A_33 = arith.divf %get3A_32, %concatenate3A_22 : vector<1000x128xf32>
    %get3A_34 = arith.constant 0 : index
    %get3A_35 = arith.constant 0 : index
    %get3A_36 = vector.load %arg4[%get3A_34, %get3A_35] : memref<1000x128xf32, #tpu.memory_space<vmem>>, vector<1000x128xf32>
    %get3A_37 = arith.constant 0 : index
    %get3A_38 = arith.constant 0 : index
    %get3A_39 = arith.constant 0 : index
    %get3A_40 = vector.load %arg3[%get3A_37, %get3A_38, %get3A_39] : memref<2x1000x64xf32, #tpu.memory_space<vmem>>, vector<1x1000x64xf32>
    %get3A_41 = vector.shape_cast %get3A_40 : vector<1x1000x64xf32> to vector<1000x64xf32>
    %get3A_42 = arith.constant 1 : index
    %get3A_43 = arith.constant 0 : index
    %get3A_44 = arith.constant 0 : index
    %get3A_45 = vector.load %arg3[%get3A_42, %get3A_43, %get3A_44] : memref<2x1000x64xf32, #tpu.memory_space<vmem>>, vector<1x1000x64xf32>
    %get3A_46 = vector.shape_cast %get3A_45 : vector<1x1000x64xf32> to vector<1000x64xf32>
    %concatenate3A_47 = tpu.concatenate %get3A_41, %get3A_46 in 1 : vector<1000x64xf32>, vector<1000x64xf32> -> vector<1000x128xf32>
    %add3A_48 = arith.addf %get3A_36, %concatenate3A_47 : vector<1000x128xf32>
    %get3A_49 = arith.constant 0 : index
    %get3A_50 = arith.constant 0 : index
    %get3A_51 = vector.load %arg5[%get3A_49, %get3A_50] : memref<128x64xf32, #tpu.memory_space<vmem>>, vector<128x64xf32>
    %dot_general3A = arith.constant dense<0.000000e+00> : vector<1000x64xf32>
    %dot_general3A_52 = tpu.matmul %add3A_48, %get3A_51, %dot_general3A {dimension_numbers = #tpu.dot_dimension_numbers<[1], [0], [0], [1], [0, 0, 1, 1], [], []>, transpose_lhs_hint = false} : vector<1000x128xf32>, vector<128x64xf32>, vector<1000x64xf32> -> vector<1000x64xf32>
    %get3A_53 = arith.constant 0 : index
    %get3A_54 = arith.constant 0 : index
    %get3A_55 = vector.load %arg6[%get3A_53, %get3A_54] : memref<1x64xf32, #tpu.memory_space<vmem>>, vector<1x64xf32>
    %add3A_56 = vector.broadcast %get3A_55 : vector<1x64xf32> to vector<1000x64xf32>
    %add3A_57 = arith.addf %dot_general3A_52, %add3A_56 : vector<1000x64xf32>
    %max3A = arith.constant 0.000000e+00 : f32
    %max3A_58 = vector.broadcast %max3A : f32 to vector<1000x64xf32>
    %max3A_59 = arith.maximumf %add3A_57, %max3A_58 : vector<1000x64xf32>
    %get3A_60 = arith.constant 0 : index
    %get3A_61 = arith.constant 0 : index
    %get3A_62 = vector.load %arg7[%get3A_60, %get3A_61] : memref<64x64xf32, #tpu.memory_space<vmem>>, vector<64x64xf32>
    %dot_general3A_63 = arith.constant dense<0.000000e+00> : vector<1000x64xf32>
    %dot_general3A_64 = tpu.matmul %max3A_59, %get3A_62, %dot_general3A_63 {dimension_numbers = #tpu.dot_dimension_numbers<[1], [0], [0], [1], [0, 0, 1, 1], [], []>, transpose_lhs_hint = false} : vector<1000x64xf32>, vector<64x64xf32>, vector<1000x64xf32> -> vector<1000x64xf32>
    %get3A_65 = arith.constant 0 : index
    %get3A_66 = arith.constant 0 : index
    %get3A_67 = vector.load %arg8[%get3A_65, %get3A_66] : memref<1x64xf32, #tpu.memory_space<vmem>>, vector<1x64xf32>
    %add3A_68 = vector.broadcast %get3A_67 : vector<1x64xf32> to vector<1000x64xf32>
    %add3A_69 = arith.addf %dot_general3A_64, %add3A_68 : vector<1000x64xf32>
    %get3A_70 = arith.constant 0 : index
    %get3A_71 = arith.constant 0 : index
    %get3A_72 = vector.load %arg9[%get3A_70, %get3A_71] : memref<128x128xf32, #tpu.memory_space<vmem>>, vector<128x128xf32>
    %dot_general3A_73 = arith.constant dense<0.000000e+00> : vector<1000x128xf32>
    %dot_general3A_74 = tpu.matmul %div3A, %get3A_72, %dot_general3A_73 {dimension_numbers = #tpu.dot_dimension_numbers<[1], [0], [0], [1], [0, 0, 1, 1], [], []>, transpose_lhs_hint = false} : vector<1000x128xf32>, vector<128x128xf32>, vector<1000x128xf32> -> vector<1000x128xf32>
    %get3A_75 = arith.constant 0 : index
    %get3A_76 = arith.constant 0 : index
    %get3A_77 = vector.load %arg10[%get3A_75, %get3A_76] : memref<128x128xf32, #tpu.memory_space<vmem>>, vector<128x128xf32>
    %dot_general3A_78 = arith.constant dense<0.000000e+00> : vector<1000x128xf32>
    %dot_general3A_79 = tpu.matmul %div3A_33, %get3A_77, %dot_general3A_78 {dimension_numbers = #tpu.dot_dimension_numbers<[1], [0], [0], [1], [0, 0, 1, 1], [], []>, transpose_lhs_hint = false} : vector<1000x128xf32>, vector<128x128xf32>, vector<1000x128xf32> -> vector<1000x128xf32>
    %add3A_80 = arith.addf %dot_general3A_74, %dot_general3A_79 : vector<1000x128xf32>
    %get3A_81 = arith.constant 0 : index
    %get3A_82 = arith.constant 0 : index
    %get3A_83 = vector.load %arg11[%get3A_81, %get3A_82] : memref<64x128xf32, #tpu.memory_space<vmem>>, vector<64x128xf32>
    %dot_general3A_84 = arith.constant dense<0.000000e+00> : vector<1000x128xf32>
    %dot_general3A_85 = tpu.matmul %add3A_69, %get3A_83, %dot_general3A_84 {dimension_numbers = #tpu.dot_dimension_numbers<[1], [0], [0], [1], [0, 0, 1, 1], [], []>, transpose_lhs_hint = false} : vector<1000x64xf32>, vector<64x128xf32>, vector<1000x128xf32> -> vector<1000x128xf32>
    %add3A_86 = arith.addf %add3A_80, %dot_general3A_85 : vector<1000x128xf32>
    %get3A_87 = arith.constant 0 : index
    %get3A_88 = arith.constant 0 : index
    %get3A_89 = vector.load %arg12[%get3A_87, %get3A_88] : memref<1x128xf32, #tpu.memory_space<vmem>>, vector<1x128xf32>
    %add3A_90 = vector.broadcast %get3A_89 : vector<1x128xf32> to vector<1000x128xf32>
    %add3A_91 = arith.addf %add3A_86, %add3A_90 : vector<1000x128xf32>
    %reduce_sum3A = arith.constant dense<0.000000e+00> : vector<1000xf32>
    %reduce_sum3A_92 = vector.multi_reduction <add>, %add3A_91, %reduce_sum3A [1] : vector<1000x128xf32> to vector<1000xf32>
    %broadcast_in_dim3A_93 = vector.shape_cast %reduce_sum3A_92 : vector<1000xf32> to vector<1000x1xf32>
    %div3A_94 = arith.constant 1.280000e+02 : f32
    %div3A_95 = vector.broadcast %div3A_94 : f32 to vector<1000x1xf32>
    %div3A_96 = arith.divf %broadcast_in_dim3A_93, %div3A_95 : vector<1000x1xf32>
    %sub3A = vector.broadcast %div3A_96 : vector<1000x1xf32> to vector<1000x128xf32>
    %sub3A_97 = arith.subf %add3A_91, %sub3A : vector<1000x128xf32>
    %mul3A = arith.mulf %sub3A_97, %sub3A_97 : vector<1000x128xf32>
    %reduce_sum3A_98 = arith.constant dense<0.000000e+00> : vector<1000xf32>
    %reduce_sum3A_99 = vector.multi_reduction <add>, %mul3A, %reduce_sum3A_98 [1] : vector<1000x128xf32> to vector<1000xf32>
    %broadcast_in_dim3A_100 = vector.shape_cast %reduce_sum3A_99 : vector<1000xf32> to vector<1000x1xf32>
    %div3A_101 = arith.constant 1.280000e+02 : f32
    %div3A_102 = vector.broadcast %div3A_101 : f32 to vector<1000x1xf32>
    %div3A_103 = arith.divf %broadcast_in_dim3A_100, %div3A_102 : vector<1000x1xf32>
    %add3A_104 = arith.constant 9.99999974E-6 : f32
    %add3A_105 = vector.broadcast %add3A_104 : f32 to vector<1000x1xf32>
    %add3A_106 = arith.addf %div3A_103, %add3A_105 : vector<1000x1xf32>
    %rsqrt3A = math.rsqrt %add3A_106 : vector<1000x1xf32>
    %mul3A_107 = vector.broadcast %rsqrt3A : vector<1000x1xf32> to vector<1000x128xf32>
    %mul3A_108 = arith.mulf %sub3A_97, %mul3A_107 : vector<1000x128xf32>
    %get3A_109 = arith.constant 0 : index
    %get3A_110 = arith.constant 0 : index
    %get3A_111 = vector.load %arg13[%get3A_109, %get3A_110] : memref<1x128xf32, #tpu.memory_space<vmem>>, vector<1x128xf32>
    %mul3A_112 = vector.broadcast %get3A_111 : vector<1x128xf32> to vector<1000x128xf32>
    %mul3A_113 = arith.mulf %mul3A_108, %mul3A_112 : vector<1000x128xf32>
    %get3A_114 = arith.constant 0 : index
    %get3A_115 = arith.constant 0 : index
    %get3A_116 = vector.load %arg14[%get3A_114, %get3A_115] : memref<1x128xf32, #tpu.memory_space<vmem>>, vector<1x128xf32>
    %add3A_117 = vector.broadcast %get3A_116 : vector<1x128xf32> to vector<1000x128xf32>
    %add3A_118 = arith.addf %mul3A_113, %add3A_117 : vector<1000x128xf32>
    %max3A_119 = arith.constant 0.000000e+00 : f32
    %max3A_120 = vector.broadcast %max3A_119 : f32 to vector<1000x128xf32>
    %max3A_121 = arith.maximumf %add3A_118, %max3A_120 : vector<1000x128xf32>
    %swap3A = arith.constant 0 : index
    %swap3A_122 = arith.constant 0 : index
    %swap3A_123 = vector.load %arg15[%swap3A, %swap3A_122] : memref<1000x128xf32, #tpu.memory_space<vmem>>, vector<1000x128xf32>
    tpu.vector_store %arg15[%swap3A, %swap3A_122], %max3A_121 {strides = array<i32>} : memref<1000x128xf32, #tpu.memory_space<vmem>>, vector<1000x128xf32>,
    return
  }
  func.func @transform_0(%arg0: i32) -> (i32, i32, i32) {
    %c0_i32 = arith.constant 0 : i32
    %c0_i32_0 = arith.constant 0 : i32
    %c0_i32_1 = arith.constant 0 : i32
    return %c0_i32, %arg0, %c0_i32_0 : i32, i32, i32
  }
  func.func @transform_1(%arg0: i32) -> (i32, i32, i32) {
    %c0_i32 = arith.constant 0 : i32
    %c0_i32_0 = arith.constant 0 : i32
    %c0_i32_1 = arith.constant 0 : i32
    return %c0_i32, %arg0, %c0_i32_0 : i32, i32, i32
  }
  func.func @transform_2(%arg0: i32) -> (i32, i32, i32) {
    %c0_i32 = arith.constant 0 : i32
    %c0_i32_0 = arith.constant 0 : i32
    %c0_i32_1 = arith.constant 0 : i32
    return %c0_i32, %arg0, %c0_i32_0 : i32, i32, i32
  }
  func.func @transform_3(%arg0: i32) -> (i32, i32) {
    %c0_i32 = arith.constant 0 : i32
    %c0_i32_0 = arith.constant 0 : i32
    return %arg0, %c0_i32 : i32, i32
  }
  func.func @transform_4(%arg0: i32) -> (i32, i32) {
    %c0_i32 = arith.constant 0 : i32
    %c0_i32_0 = arith.constant 0 : i32
    %c0_i32_1 = arith.constant 0 : i32
    return %c0_i32, %c0_i32_0 : i32, i32
  }
  func.func @transform_5(%arg0: i32) -> (i32, i32) {
    %c0_i32 = arith.constant 0 : i32
    %c0_i32_0 = arith.constant 0 : i32
    %c0_i32_1 = arith.constant 0 : i32
    return %c0_i32, %c0_i32_0 : i32, i32
  }
  func.func @transform_6(%arg0: i32) -> (i32, i32) {
    %c0_i32 = arith.constant 0 : i32
    %c0_i32_0 = arith.constant 0 : i32
    %c0_i32_1 = arith.constant 0 : i32
    return %c0_i32, %c0_i32_0 : i32, i32
  }
  func.func @transform_7(%arg0: i32) -> (i32, i32) {
    %c0_i32 = arith.constant 0 : i32
    %c0_i32_0 = arith.constant 0 : i32
    %c0_i32_1 = arith.constant 0 : i32
    return %c0_i32, %c0_i32_0 : i32, i32
  }
  func.func @transform_8(%arg0: i32) -> (i32, i32) {
    %c0_i32 = arith.constant 0 : i32
    %c0_i32_0 = arith.constant 0 : i32
    %c0_i32_1 = arith.constant 0 : i32
    return %c0_i32, %c0_i32_0 : i32, i32
  }
  func.func @transform_9(%arg0: i32) -> (i32, i32) {
    %c0_i32 = arith.constant 0 : i32
    %c0_i32_0 = arith.constant 0 : i32
    %c0_i32_1 = arith.constant 0 : i32
    return %c0_i32, %c0_i32_0 : i32, i32
  }
  func.func @transform_10(%arg0: i32) -> (i32, i32) {
    %c0_i32 = arith.constant 0 : i32
    %c0_i32_0 = arith.constant 0 : i32
    %c0_i32_1 = arith.constant 0 : i32
    return %c0_i32, %c0_i32_0 : i32, i32
  }
  func.func @transform_11(%arg0: i32) -> (i32, i32) {
    %c0_i32 = arith.constant 0 : i32
    %c0_i32_0 = arith.constant 0 : i32
    %c0_i32_1 = arith.constant 0 : i32
    return %c0_i32, %c0_i32_0 : i32, i32
  }
  func.func @transform_12(%arg0: i32) -> (i32, i32) {
    %c0_i32 = arith.constant 0 : i32
    %c0_i32_0 = arith.constant 0 : i32
    %c0_i32_1 = arith.constant 0 : i32
    return %c0_i32, %c0_i32_0 : i32, i32
  }
  func.func @transform_13(%arg0: i32) -> (i32, i32) {
    %c0_i32 = arith.constant 0 : i32
    %c0_i32_0 = arith.constant 0 : i32
    %c0_i32_1 = arith.constant 0 : i32
    return %c0_i32, %c0_i32_0 : i32, i32
  }
  func.func @transform_14(%arg0: i32) -> (i32, i32) {
    %c0_i32 = arith.constant 0 : i32
    %c0_i32_0 = arith.constant 0 : i32
    return %arg0, %c0_i32 : i32, i32
  }
}

</mosaic_0001>

<sc_bundles>
// kernel: kernel.11.cloned.1.call-start
scs
__scs_entry_jumppad:
0x0: {  	(pc) =	sbr.rel $0x88, $3  }
0x1: {  	(tag) =	ssettag $0x0;
	lr =	simm.s32 $0x1  }
0x2: {  	[smem:$0x3F8B] =	sst lr;
	_ =	strace $0xD0000000  }
0x3: {  	_ = 	snop  }
0x4: {  	_ = 	snop  }
0x5: {  	_ = 	snop  }
0x6: {  	_ = 	snop  }
0x7: {  	_ = 	snop  }
__scs_overlays_trampoline_lowered:
0x8: {  	[smem:$0x3F9A] =	sst s0  }
0x9: {  	[smem:$0x3F9B] =	sst s1  }
0xa: {  	[smem:$0x3F9C] =	sst s2  }
0xb: {  	[smem:$0x3F9D] =	sst s3  }
0xc: {  	[smem:$0x3F9E] =	sst s4  }
0xd: {  	[smem:$0x3F9F] =	sst s5  }
0xe: {  	[smem:$0x3FA0] =	sst s6  }
0xf: {  	[smem:$0x3FA1] =	sst s7  }
0x10: {  	[smem:$0x3FA2] =	sst s8  }
0x11: {  	[smem:$0x3FA3] =	sst s9;
	s0 =	simm.s32 @!p0 $0x0  }
0x12: {  	s1 =	sld [smem:$0x3F89];
	s0 =	simm.s32 @p0 $0x1  }
0x13: {  	[smem:$0x3FA4] =	sst s0;
	s0 =	simm.s32 @!p1 $0x0  }
0x14: {  	s2 =	sld [smem:$0x3F88];
	s0 =	simm.s32 @p1 $0x1  }
0x15: {  	[smem:$0x3FA5] =	sst s0;
	s0 =	simm.s32 @!p2 $0x0  }
0x16: {  	s3 =	sld [smem:$0x3FDB];
	s0 =	simm.s32 @p2 $0x1  }
0x17: {  	s4 =	simm.s32 $0x1BF5;
	[smem:$0x3FA7] =	sst s0  }
0x18: {  	s0 =	sld [smem:$0x3F8A];
	_ =	swait.ge [sflag:s4], $0x0  }
0x19: {  	s7 =	sld [smem:$0x3F8B]  }
0x1a: {  	s8 =	sadd.s32 $0xFFFFE003, lr  }
0x1b: {  	s9 =	sadd.s32 $0xFFFFFEF7, lr;
	s5 =	simm.s32 $0xFFFFFFFF;
	p2 =	slt.u32 s8, $0xFFFFF086  }
0x1c: {  	p1 =	slt.u32 s9, $0xF7A;
	s5 =	simm.s32 @!p2 $0x0  }
0x1d: {  	s5 =	simm.s32 @p1 $0x1;
	p0 =	seq.s32 s7, s2  }
0x1e: {  	s7 =	smul.u32 @!p0 $0xF7A, s2;
	p2 =	seq.s32 @!p0 s5, $0x0  }
0x1f: {  	s9 =	smul.u32 $0xF7A, s1;
	s8 =	simm.s32 @!p0 $0x1BF5;
	p2 =	por !p2, p0  }
0x20: {  	[sflag:s8] =	ssyncset.s32 @!p0 $0xFFFFF086;
	s6 =	sadd.s32 @!p0 s3, s7;
	s7 =	simm.s32 @!p0 $0x108  }
0x21: {  	s3 =	sadd.s32 s3, s9;
	s6 =	sadd.s32 @!p0 $0x88, s6;
	s7 =	simm.s32 @p2 $0x1082  }
0x22: {  	[simem:s7], [sflag:s8] =	dma.local @!p0 [hbm:s6], $0xF7A  }
0x23: {  	s9 =	sor.u32 $0xD0000000, s2;
	s6 =	simm.s32 $0x108;
	_ =	swait.ge @!p0 [sflag:s8], $0x0  }
0x24: {  	s3 =	sadd.s32 $0x88, s3;
	s6 =	simm.s32 @!p1 $0x1082;
	[sflag:s4] =	ssyncset.s32 $0xFFFFF086  }
0x25: {  	[simem:s6], [sflag:s4] =	dma.local [hbm:s3], $0xF7A  }
0x26: {  	[smem:$0x3F8B] =	sst s1;
	(tag) =	ssettag s2;
	_ =	strace s9  }
0x27: {  	s1 =	sld [smem:$0x3F9B]  }
0x28: {  	s2 =	sld [smem:$0x3F9C]  }
0x29: {  	s4 =	sld [smem:$0x3F9E]  }
0x2a: {  	p0 =	seq.s32 s5, $0x0;
	s5 =	sld [smem:$0x3F9F]  }
0x2b: {  	s6 =	sld [smem:$0x3FA0]  }
0x2c: {  	s7 =	sld [smem:$0x3FA1]  }
0x2d: {  	s3 =	simm.s32 $0x108;
	s8 =	sld [smem:$0x3FA2]  }
0x2e: {  	s3 =	simm.s32 @!p0 $0x1082;
	s9 =	sld [smem:$0x3FA3]  }
0x2f: {  	lr =	sadd.s32 s0, s3;
	s0 =	sld [smem:$0x3F9A]  }
0x30: {  	s3 =	sld [smem:$0x3F9D]  }
0x31: {  	[smem:$0x3FA6] =	sst s10  }
0x32: {  	s10 =	sld [smem:$0x3FA4];
	_ =	sdelay $0x3  }
0x33: {  	p0 =	seq.s32 s10, $0x1;
	s10 =	sld [smem:$0x3FA6];
	_ =	sdelay $0x3  }
0x34: {  	[smem:$0x3FA6] =	sst s10  }
0x35: {  	s10 =	sld [smem:$0x3FA5];
	_ =	sdelay $0x3  }
0x36: {  	p1 =	seq.s32 s10, $0x1;
	s10 =	sld [smem:$0x3FA6];
	_ =	sdelay $0x3  }
0x37: {  	[smem:$0x3FA6] =	sst s10  }
0x38: {  	s10 =	sld [smem:$0x3FA7]  }
0x39: {  	_ = 	snop;
	(pc) =	sbr.ind lr, $3  }
0x3a: {  	_ = 	snop  }
0x3b: {  	_ = 	snop  }
0x3c: {  	p2 =	seq.s32 s10, $0x1;
	s10 =	sld [smem:$0x3FA6]  }
0x3d: {  	_ =	shalt  }
0x3e: {  	_ =	shalt  }
0x3f: {  	_ =	shalt  }
0x40: {  	_ =	shalt  }
0x41: {  	_ =	shalt  }
0x42: {  	_ =	shalt  }
0x43: {  	_ =	shalt  }
0x44: {  	_ =	shalt  }
0x45: {  	_ =	shalt  }
0x46: {  	_ =	shalt  }
0x47: {  	_ =	shalt  }
0x48: {  	_ =	shalt  }
0x49: {  	_ =	shalt  }
0x4a: {  	_ =	shalt  }
0x4b: {  	_ =	shalt  }
0x4c: {  	_ =	shalt  }
0x4d: {  	_ =	shalt  }
0x4e: {  	_ =	shalt  }
0x4f: {  	_ =	shalt  }
0x50: {  	_ =	shalt  }
0x51: {  	_ =	shalt  }
0x52: {  	_ =	shalt  }
0x53: {  	_ =	shalt  }
0x54: {  	_ =	shalt  }
0x55: {  	_ =	shalt  }
0x56: {  	_ =	shalt  }
0x57: {  	_ =	shalt  }
0x58: {  	_ =	shalt  }
0x59: {  	_ =	shalt  }
0x5a: {  	_ =	shalt  }
0x5b: {  	_ =	shalt  }
0x5c: {  	_ =	shalt  }
0x5d: {  	_ =	shalt  }
0x5e: {  	_ =	shalt  }
0x5f: {  	_ =	shalt  }
0x60: {  	_ =	shalt  }
0x61: {  	_ =	shalt  }
0x62: {  	_ =	shalt  }
0x63: {  	_ =	shalt  }
0x64: {  	_ =	shalt  }
0x65: {  	_ =	shalt  }
0x66: {  	_ =	shalt  }
0x67: {  	_ =	shalt  }
0x68: {  	_ =	shalt  }
0x69: {  	_ =	shalt  }
0x6a: {  	_ =	shalt  }
0x6b: {  	_ =	shalt  }
0x6c: {  	_ =	shalt  }
0x6d: {  	_ =	shalt  }
0x6e: {  	_ =	shalt  }
0x6f: {  	_ =	shalt  }
0x70: {  	_ =	shalt  }
0x71: {  	_ =	shalt  }
0x72: {  	_ =	shalt  }
0x73: {  	_ =	shalt  }
0x74: {  	_ =	shalt  }
0x75: {  	_ =	shalt  }
0x76: {  	_ =	shalt  }
0x77: {  	_ =	shalt  }
0x78: {  	_ =	shalt  }
0x79: {  	_ =	shalt  }
0x7a: {  	_ =	shalt  }
0x7b: {  	_ =	shalt  }
0x7c: {  	_ =	shalt  }
0x7d: {  	_ =	shalt  }
0x7e: {  	_ =	shalt  }
0x7f: {  	_ =	shalt  }
0x80: {  	_ =	shalt  }
0x81: {  	_ =	shalt  }
0x82: {  	_ =	shalt  }
0x83: {  	_ =	shalt  }
0x84: {  	_ =	shalt  }
0x85: {  	_ =	shalt  }
0x86: {  	_ =	shalt  }
0x87: {  	_ =	shalt  }
.Lfunc_end0:
.L_simem_size_0:
called_computation.1_lowered:
.L_overlay_start_0:
0x88: {  	s2 =	sld [smem:$0x3FD9]  }
0x89: {  	s3 =	sld [smem:$0x3FFE];
	_ =	sdelay $0x1  }
0x8a: {  	s1 =	srdreg.scid  }
0x8b: {  	s0 =	sand.u32 $0x1, s1  }
0x8c: {  	s17 =	sshll.u32 s0, $0xA;
	s2 =	sadd.s32 s3, s2  }
0x8d: {  	s2 =	sadd.s32 s2, s17  }
0x8e: {  	[smem:$0x3FB2] =	sst s2  }
0x8f: {  	_ = 	snop  }
0x90: {  	s18 =	sld [smem:$0x3FD0];
	(tm) =	ssettm $0x1  }
0x91: {  	s19 =	sld [smem:$0x3FFB];
	_ =	sdelay $0x3  }
0x92: {  	_ =	strace s19  }
0x93: {  	s2 =	sld [smem:$0x3FFC];
	_ =	sdelay $0x3  }
0x94: {  	_ =	strace s2  }
0x95: {  	s2 =	sld [smem:$0x3FFD];
	_ =	sdelay $0x3  }
0x96: {  	_ =	strace s2  }
0x97: {  	_ =	strace $0x8FFFFFFF  }
0x98: {  	s20 =	sld [smem:$0x3FDB];
	_ =	sdelay $0x1  }
0x99: {  	s4 =	simm.s32 $_scs_section_size  }
0x9a: {  	s5 =	simm.s32 $_size__tile_overlayer_lowered;
	s6 =	simm.s32 $_tile_overlayer_lowered  }
0x9b: {  	s7 =	simm.s32 $0x1BFF;
	s21 =	sshll.u32 s6, $0x1;
	s4 =	sadd.s32 s4, s20  }
0x9c: {  	s22 =	simm.s32 $0x0;
	s5 =	sshll.u32 s5, $0x1;
	s6 =	sadd.s32 s21, s4  }
0x9d: {  	[timem:s22], [sflag:s7] =	dma.local [hbm:s6], s5  }
0x9e: {  	_ =	swait.ge [sflag:s7], s5  }
0x9f: {  	s5 =	ssub.s32 $0x0, s5;
	[sflag:s7] =	ssyncset.done $0x0  }
0xa0: {  	[sflag:s7] =	ssyncadd.s32 s5;
	_ =	sdelay $0x1  }
0xa1: {  	s23 =	simm.s32 $0x1B8B  }
0xa2: {  	_ =	swait.ge [sflag:s23], $0x1  }
0xa3: {  	[sflag:s23] =	ssyncset.done $0x0  }
0xa4: {  	[sflag:s23] =	ssyncadd.s32 $0xFFFFFFFF  }
0xa5: {  	s5 =	sld [smem:$0x0]  }
0xa6: {  	s6 =	sand.u32 $0xFFFFFFFE, s1  }
0xa7: {  	p0 =	sne.s32 s1, s6  }
0xa8: {  	s6 =	sshll.u32 @p0 s6, $0xE  }
0xa9: {  	s6 =	sadd.s32 @p0 $0x11B8D, s6;
	s7 =	sshll.u32 @p0 s5, $0x11  }
0xaa: {  	s6 =	sor.u32 @p0 s7, s6  }
0xab: {  	[sflag:s6] =	ssyncadd.remote.s32 @p0 $0x1;
	_ =	sdelay $0x1  }
0xac: {  	s6 =	simm.s32 @p0 $0x1B8D  }
0xad: {  	_ =	swait.eq @p0 [sflag:s6], $0x1  }
0xae: {  	[sflag:s6] =	ssyncadd.s32 @p0 $0xFFFFFFFF  }
0xaf: {  	s7 =	sshll.u32 @!p0 s1, $0xE  }
0xb0: {  	s7 =	sor.u32 @!p0 $0x4000, s7;
	s6 =	simm.s32 @!p0 $0x1B8D  }
0xb1: {  	s5 =	sshll.u32 @!p0 s5, $0x11;
	s7 =	sadd.s32 @!p0 $0x11B8D, s7;
	_ =	swait.eq @!p0 [sflag:s6], $0x1  }
0xb2: {  	s5 =	sor.u32 @!p0 s5, s7;
	[sflag:s6] =	ssyncadd.s32 @!p0 $0xFFFFFFFF  }
0xb3: {  	s25 =	simm.s32 $0x1B8E;
	s24 =	sld [smem:$0x3FFE];
	[sflag:s5] =	ssyncadd.remote.s32 @!p0 $0x1  }
0xb4: {  	s26 =	simm.s32 $execute0_lowered;
	[smem:$0x3FD2] =	sst s25  }
0xb5: {  	s6 =	sshll.u32 s26, $0x1;
	_ =	strace $0x8000004C;
	[dreg:$0x1] =	wrdreg $0xFFFFFFFF  }
0xb6: {  	s28 =	simm.s32 $_size_execute0_lowered;
	s4 =	sadd.s32 s4, s6;
	[dreg:$0x0] =	wrdreg $0x0  }
0xb7: {  	s6 =	sshll.u32 s28, $0x1;
	[dreg:$0x2] =	wrdreg s4  }
0xb8: {  	[dreg:$0x3] =	wrdreg s6  }
0xb9: {  	[dreg:$0x4] =	wrdreg $0xC0  }
0xba: {  	_ =	task [dreg:s22], $0x5FFFF  }
0xbb: {  	[dreg:$0x1] =	wrdreg $0xFFFFFFFF  }
0xbc: {  	[dreg:$0x0] =	wrdreg $0x60  }
0xbd: {  	[dreg:$0x2] =	wrdreg s24  }
0xbe: {  	[dreg:$0x3] =	wrdreg s18  }
0xbf: {  	[dreg:$0x4] =	wrdreg $0x82E80  }
0xc0: {  	[dreg:$0x5] =	wrdreg $0xA  }
0xc1: {  	_ =	task.clear_ibuf [dreg:s22], $0x6FFFF;
	_ =	strace $0x9000004C  }
0xc2: {  	s29 =	simm.s32 $0xA;
	_ =	strace $0x8000004E  }
0xc3: {  	_ =	swait.ge [sflag:s29], $0x1  }
0xc4: {  	[sflag:s29] =	ssyncadd.s32 $0xFFFFFFFF  }
0xc5: {  	_ =	strace $0x9000004E  }
0xc6: {  	_ =	sfence  }
0xc7: {  	s30 =	sld [smem:$0x0];
	_ =	sdelay $0x2  }
0xc8: {  	s31 =	sshll.u32 s1, $0xD;
	s1 =	sshrl.u32 s1, $0x2  }
0xc9: {  	s4 =	sand.u32 $0x4000, s31;
	s1 =	sadd.s32 s1, s30  }
0xca: {  	s0 =	sor.u32 s4, s0;
	s1 =	sshll.u32 s1, $0x11  }
0xcb: {  	s0 =	sor.u32 s1, s0  }
0xcc: {  	s0 =	sadd.s32 $0x8F2B, s0  }
0xcd: {  	[sflag:s0] =	ssyncadd.remote.s32 $0x1  }
0xce: {  	_ =	sfence.sel $0xFFFF  }
0xcf: {  	[dreg:$0x0] =	wrdreg $0xFFFFFFFF;
	(pc) =	sbr.abs _section_cstart, $3  }
0xd0: {  	[dreg:$0x1] =	wrdreg $0xFFFFFFFF  }
0xd1: {  	_ =	task.clear_ibuf [dreg:s22], $0x2FFFF;
	_ =	strace $0x9FFFFFFF  }
0xd2: {  	(tm) =	ssettm $0x7FFFFFFF  }
0xd3: {  	_ =	shalt  }
tec
execute0_lowered:
.L_overlay_start_1:
0x0: {  	(tag) =	ssettag $0x1  }
0x1: {  	s8 =	rddreg [dreg:$0x0]  }
0x2: {  	s1 =	rddreg [dreg:$0x1]  }
0x3: {  	s2 =	rddreg [dreg:$0x2]  }
0x4: {  	s3 =	simm.s32 $0x0;
	s5 =	srdreg.scid;
	s24 =	stileid.u32  }
0x5: {  	s17 =	simm.s32 $0x100;
	s18 =	simm.s32 $0x7D;
	s19 =	simm.s32 $0x200  }
0x6: {  	s20 =	simm.s32 $0x80;
	s21 =	simm.s32 $0x4080;
	s22 =	simm.s32 $0x7F00  }
0x7: {  	s23 =	simm.s32 $0x1;
	s25 =	simm.s32 $0x2;
	[smem:$0x7FF] =	sst s3  }
0x8: {  	s4 =	sadd.s32 $0xE9200, s8;
	s12 =	sand.u32 $0x1, s5;
	s5 =	sadd.s32 $0x14400, s8  }
0x9: {  	s6 =	sadd.s32 $0x6C600, s8;
	s7 =	sadd.s32 $0x19400, s8;
	s11 =	smul.u32 $0x4E200, s24  }
0xa: {  	s15 =	sshll.u32 s24, $0x6;
	p0 =	sne.s32 s24, $0x0;
	s9 =	smul.u32 $0x27100, s12  }
0xb: {  	_ =	strace $0x8000004D;
	s10 =	ssub.s32 $0x2, s12;
	s26 =	sshrl.u32 @!p0 s2, $0x3  }
0xc: {  	s31 =	sshrl.u32 s10, $0x1;
	s11 =	sshrl.u32 s11, $0x2;
	s13 =	sadd.s32 s9, s8  }
0xd: {  	s14 =	ssub.s32 s10, s31;
	s8 =	sshll.u32 s12, $0x1;
	s9 =	smul.u32 $0x2710, s24  }
0xe: {  	s10 =	smul.u32 $0x2800, s24;
	s16 =	sadd.s32 s11, s2;
	s11 =	sor.u32 $0x1C03, s15  }
0xf: {  	s12 =	smul.u32 $0x28000, s12;
	s24 =	simm.s32 $0x180;
	s13 =	sadd.s32 $0x38B400, s13  }
0x10: {  	s14 =	smax.u32 s14, $0x1;
	s15 =	sshrl.u32 s16, $0x3;
	s16 =	simm.s32 $0x3  }
.LBB2_1:
0x11: {  	[spmem:s15], [sflag:s11] =	dma.local [hbm:s7], $0x2710  }
0x12: {  	_ =	swait.ge [sflag:s16], $0x2710  }
0x13: {  	[sflag:s16] =	ssyncset.done $0x0  }
0x14: {  	[sflag:s16] =	ssyncadd.s32 $0xFFFFD8F0  }
0x15: {  	s28 =	simm.s32 $0x0;
	[bflag:$0x0] =	sbarrier.arrive $0xFFFF  }
.LBB2_2:
0x16: {  	s29 =	sshll.u32 s28, $0x8  }
0x17: {  	s29 =	sadd.s32 s10, s29  }
0x18: {  	s30 =	sadd.s32 s12, s29  }
0x19: {  	s30 =	sshrl.u32 s30, $0x3  }
0x1a: {  	s31 =	simm.s32 $0x0;
	s30 =	sadd.s32 s4, s30  }
0x1b: {  	[tilespmem:s31], [sflag:$0x3] =	stream.linear.gather [hbm4b:s30+s31], $0x100, $0x38;
	[tilespmem:$0x1BB68] =	vst v63  }
0x1c: {  	_ =	swait.ge [sflag:s16], $0x100  }
0x1d: {  	s29 =	sshrl.u32 s29, $0x3;
	[sflag:s16] =	ssyncset.done $0x0  }
0x1e: {  	s29 =	sadd.s32 s5, s29;
	[sflag:s16] =	ssyncadd.s32 $0xFFFFFF00  }
0x1f: {  	[tilespmem:s17], [sflag:$0x3] =	stream.linear.gather [hbm4b:s29+s31], $0x100, $0x38;
	[tilespmem:$0x1BB68] =	vst v63  }
0x20: {  	s29 =	smul.u32 $0xFA, s28;
	_ =	swait.ge [sflag:s16], $0x100  }
0x21: {  	[sflag:s16] =	ssyncset.done $0x0  }
0x22: {  	s29 =	sadd.s32 s9, s29;
	[sflag:s16] =	ssyncadd.s32 $0xFFFFFF00  }
0x23: {  	[tilespmem:s19], [sflag:$0x1] =	stream.indirect.gather [hbm4b:s6+s18], $0x80, s31, s18, $0xb8;
	[tilespmem:$0x1BB68] =	vst v63  }
0x24: {  	s29 =	sshrl.u32 s29, $0x1  }
0x25: {  	[tilespmem:s21], [sflag:$0x1] =	stream.indirect.gather [hbm4b:s6+s18], $0x80, s20, s18, $0xb8;
	[tilespmem:$0x1BB68] =	vst v63  }
0x26: {  	s29 =	sadd.s32 s1, s29  }
0x27: {  	[tilespmem:s22], [sflag:$0x3] =	stream.linear.gather [hbm4b:s29+s31], $0x3E8, $0x38;
	[tilespmem:$0x1BB68] =	vst v63  }
0x28: {  	_ =	swait.ge [sflag:s16], $0x3E8  }
0x29: {  	[sflag:s16] =	ssyncset.done $0x0  }
0x2a: {  	[sflag:s16] =	ssyncadd.s32 $0xFFFFFC18  }
0x2b: {  	_ =	swait.ge [sflag:s23], $0x3E80  }
0x2c: {  	[sflag:s23] =	ssyncset.done $0x0  }
0x2d: {  	s30 =	sadd.s32 $0x0, s8;
	[sflag:s23] =	ssyncadd.s32 $0xFFFFC180  }
0x2e: {  	v0 =	vmov s30;
	_ =	swait.ge [sflag:s23], $0x3E80  }
0x2f: {  	v1 =	vor.u32 $0x1, v0;
	[sflag:s23] =	ssyncset.done $0x0  }
0x30: {  	s29 =	simm.s32 $0x240;
	[sflag:s23] =	ssyncadd.s32 $0xFFFFC180  }
0x31: {  	v2 =	vld [tilespmem:s29+$0xFFFFFFF0]  }
0x32: {  	v3 =	vld [tilespmem:s29+$0xFFFFFFC0]  }
0x33: {  	v8 =	vld.idx.msk [tilespmem:v0+s22+$0x0], $0xffff  }
0x34: {  	v1 =	vld.idx.msk [tilespmem:v1+s22+$0x0], $0xffff  }
0x35: {  	v5 =	vld [tilespmem:s29+$0x0]  }
0x36: {  	v6 =	vld [tilespmem:s29+$0xFFFFFFE0]  }
0x37: {  	v4 =	vld [tilespmem:s29+$0xFFFFFFD0]  }
0x38: {  	v9 =	vld [tilespmem:s29+$0x20]  }
0x39: {  	v0 =	vld [tilespmem:s29+$0x30]  }
0x3a: {  	v10 =	vmul.f32 v3, v8;
	v3 =	vmul.f32 v5, v1;
	v5 =	vld [tilespmem:s29+$0x10];
	_ =	sdelay $0x1  }
0x3b: {  	v4 =	vmul.f32 v4, v8;
	v7 =	vmul.f32 v2, v8  }
0x3c: {  	s30 =	simm.s32 $0x4;
	s31 =	simm.s32 $0x240;
	v6 =	vmul.f32 v6, v8;
	v2 =	vmul.f32 v9, v1;
	[tilespmem:s29+$0xFFFFFFC0] =	vst v10  }
.LBB2_3:
0x3d: {  	p1 =	sne.s32 s30, $0x3E4  }
0x3e: {  	[tilespmem:s29+$0xFFFFFFF0] =	vst v7;
	v5 =	vmul.f32 v5, v1;
	v0 =	vmul.f32 v0, v1;
	s31 =	sadd.s32 $0x80, s31;
	s0 =	smov.u32 s30;
	s30 =	sadd.s32 $0x4, s30  }
0x3f: {  	s0 =	sadd.s32 s8, s0;
	[tilespmem:s29+$0xFFFFFFD0] =	vst v4  }
0x40: {  	v1 =	vmov s0;
	v7 =	vld [tilespmem:s31+$0xFFFFFFF0];
	[tilespmem:s29+$0xFFFFFFE0] =	vst v6  }
0x41: {  	v4 =	vor.u32 $0x1, v1;
	v6 =	vld [tilespmem:s31+$0xFFFFFFC0];
	[tilespmem:s29+$0x0] =	vst v3  }
0x42: {  	v8 =	vld [tilespmem:s31+$0xFFFFFFE0];
	[tilespmem:s29+$0x30] =	vst v0  }
0x43: {  	v0 =	vld [tilespmem:s31+$0x30];
	[tilespmem:s29+$0x10] =	vst v5  }
0x44: {  	v3 =	vld [tilespmem:s31+$0xFFFFFFD0];
	[tilespmem:s29+$0x20] =	vst v2;
	s29 =	smov.u32 s31  }
0x45: {  	v2 =	vld.idx.msk [tilespmem:v1+s22+$0x0], $0xffff  }
0x46: {  	v1 =	vld.idx.msk [tilespmem:v4+s22+$0x0], $0xffff  }
0x47: {  	v9 =	vld [tilespmem:s31+$0x0]  }
0x48: {  	v10 =	vld [tilespmem:s31+$0x20]  }
.Ltmp0:
0x49: {  	v5 =	vld [tilespmem:s31+$0x10];
	(pc) =	sbr.rel @p1 .LBB2_3-.Ltmp0, $4  }
0x4a: {  	_ = 	snop  }
0x4b: {  	v6 =	vmul.f32 v6, v2;
	v4 =	vmul.f32 v3, v2  }
0x4c: {  	v7 =	vmul.f32 v7, v2;
	v3 =	vmul.f32 v9, v1  }
0x4d: {  	[tilespmem:s31+$0xFFFFFFC0] =	vst v6;
	v6 =	vmul.f32 v8, v2;
	v2 =	vmul.f32 v10, v1  }
0x4e: {  	[tilespmem:s29+$0xFFFFFFF0] =	vst v7  }
0x4f: {  	[tilespmem:s29+$0xFFFFFFD0] =	vst v4  }
0x50: {  	[tilespmem:s29+$0x0] =	vst v3  }
0x51: {  	v0 =	vmul.f32 v0, v1;
	[tilespmem:s29+$0xFFFFFFE0] =	vst v6  }
0x52: {  	v63 =	vmul.f32 v5, v1;
	[tilespmem:s29+$0x20] =	vst v2  }
0x53: {  	[tilespmem:s29+$0x30] =	vst v0  }
0x54: {  	[tilespmem:s29+$0x10] =	vst v63  }
0x55: {  	[spmem:s2] =	stream.indirect.scatter.add.f32 [tilespmem:s19], [sflag:$0x2], $0x80, s17, s18, $0xb8;
	[tilespmem:$0x1BB68] =	vst v63  }
0x56: {  	s28 =	sadd.s32 $0x1, s28  }
0x57: {  	[spmem:s2] =	stream.indirect.scatter.add.f32 [tilespmem:s21], [sflag:$0x2], $0x80, s24, s18, $0xb8;
	[tilespmem:$0x1BB68] =	vst v63  }
0x58: {  	p1 =	sne.s32 s28, $0x28;
	_ =	swait.ge [sflag:s25], $0x3E80  }
.Ltmp1:
0x59: {  	[sflag:s25] =	ssyncset.done $0x0;
	(pc) =	sbr.rel @p1 .LBB2_2-.Ltmp1, $4  }
0x5a: {  	[sflag:s25] =	ssyncadd.s32 $0xFFFFC180  }
0x5b: {  	_ =	swait.ge [sflag:s25], $0x3E80  }
0x5c: {  	[sflag:s25] =	ssyncset.done $0x0  }
0x5d: {  	[sflag:s25] =	ssyncadd.s32 $0xFFFFC180  }
0x5e: {  	s3 =	sadd.s32 $0x1, s3  }
0x5f: {  	p1 =	sne.s32 s3, s14  }
.Ltmp2:
0x60: {  	[bflag:$0x0] =	sbarrier.arrive $0xFFFF;
	s0 =	simm.s32 @!p0 $0x3;
	(pc) =	sbr.rel @p1 .LBB2_1-.Ltmp2, $4  }
0x61: {  	[hbm:s13], [sflag:s11] =	dma.local @!p0 [spmem:s26], $0x27100  }
0x62: {  	_ =	swait.ge @!p0 [sflag:s0], $0x27100  }
0x63: {  	[sflag:s0] =	ssyncset.done @!p0 $0x0  }
0x64: {  	[sflag:s0] =	ssyncadd.s32 @!p0 $0xFFFD8F00  }
0x65: {  	_ =	sfence.sel $0x180000  }
0x66: {  	[bflag:$0x0] =	sbarrier.arrive $0xFFFF  }
0x67: {  	_ =	strace $0x9000004D  }
0x68: {  	[bflag:$0x2] =	sbarrier.arrive $0xFFFF  }
0x69: {  	s0 =	rddreg [dreg:$0x3]  }
0x6a: {  	s0 =	sadd.s32 @!p0 $0x100000, s0  }
0x6b: {  	[sflag:s0] =	ssyncadd.tile.s32 @!p0 $0x1;
	_ =	shalt  }
.Lfunc_end2:
_tile_overlayer_lowered:
.L_overlay_start_2:
0x6c: {  	(tag) =	ssettag $0x2  }
0x6d: {  	s0 =	rddreg [dreg:$0x0];
	s2 =	stileid.u32  }
0x6e: {  	s1 =	rddreg [dreg:$0x1];
	p0 =	sne.s32 s2, $0x0  }
0x6f: {  	s3 =	rddreg [dreg:$0x2];
	[bflag:$0x3] =	sbarrier.arrive $0xFFFF;
	s2 =	simm.s32 @!p0 $0x1C03  }
0x70: {  	[timem:s3], [sflag:s2] =	dma.local @!p0 [hbm:s0], s1  }
0x71: {  	s0 =	simm.s32 @!p0 $0x3  }
0x72: {  	_ =	swait.ge @!p0 [sflag:s0], s1  }
0x73: {  	s1 =	ssub.s32 @!p0 $0x0, s1;
	[sflag:s0] =	ssyncset.done @!p0 $0x0  }
0x74: {  	[sflag:s0] =	ssyncadd.s32 @!p0 s1  }
0x75: {  	[bflag:$0x3] =	sbarrier.arrive $0xFFFF  }
0x76: {  	_ =	shalt  }

// kernel: kernel.14.cloned.1.call-start
scs
__scs_entry_jumppad:
0x0: {  	(pc) =	sbr.rel $0x88, $3  }
0x1: {  	(tag) =	ssettag $0x0;
	lr =	simm.s32 $0x1  }
0x2: {  	[smem:$0x3F8B] =	sst lr;
	_ =	strace $0xD0000000  }
0x3: {  	_ = 	snop  }
0x4: {  	_ = 	snop  }
0x5: {  	_ = 	snop  }
0x6: {  	_ = 	snop  }
0x7: {  	_ = 	snop  }
__scs_overlays_trampoline_lowered:
0x8: {  	[smem:$0x3F9A] =	sst s0  }
0x9: {  	[smem:$0x3F9B] =	sst s1  }
0xa: {  	[smem:$0x3F9C] =	sst s2  }
0xb: {  	[smem:$0x3F9D] =	sst s3  }
0xc: {  	[smem:$0x3F9E] =	sst s4  }
0xd: {  	[smem:$0x3F9F] =	sst s5  }
0xe: {  	[smem:$0x3FA0] =	sst s6  }
0xf: {  	[smem:$0x3FA1] =	sst s7  }
0x10: {  	[smem:$0x3FA2] =	sst s8  }
0x11: {  	[smem:$0x3FA3] =	sst s9;
	s0 =	simm.s32 @!p0 $0x0  }
0x12: {  	s1 =	sld [smem:$0x3F89];
	s0 =	simm.s32 @p0 $0x1  }
0x13: {  	[smem:$0x3FA4] =	sst s0;
	s0 =	simm.s32 @!p1 $0x0  }
0x14: {  	s2 =	sld [smem:$0x3F88];
	s0 =	simm.s32 @p1 $0x1  }
0x15: {  	[smem:$0x3FA5] =	sst s0;
	s0 =	simm.s32 @!p2 $0x0  }
0x16: {  	s3 =	sld [smem:$0x3FDB];
	s0 =	simm.s32 @p2 $0x1  }
0x17: {  	s4 =	simm.s32 $0x1BF5;
	[smem:$0x3FA7] =	sst s0  }
0x18: {  	s0 =	sld [smem:$0x3F8A];
	_ =	swait.ge [sflag:s4], $0x0  }
0x19: {  	s7 =	sld [smem:$0x3F8B]  }
0x1a: {  	s8 =	sadd.s32 $0xFFFFE003, lr  }
0x1b: {  	s9 =	sadd.s32 $0xFFFFFEF7, lr;
	s5 =	simm.s32 $0xFFFFFFFF;
	p2 =	slt.u32 s8, $0xFFFFF086  }
0x1c: {  	p1 =	slt.u32 s9, $0xF7A;
	s5 =	simm.s32 @!p2 $0x0  }
0x1d: {  	s5 =	simm.s32 @p1 $0x1;
	p0 =	seq.s32 s7, s2  }
0x1e: {  	s7 =	smul.u32 @!p0 $0xF7A, s2;
	p2 =	seq.s32 @!p0 s5, $0x0  }
0x1f: {  	s9 =	smul.u32 $0xF7A, s1;
	s8 =	simm.s32 @!p0 $0x1BF5;
	p2 =	por !p2, p0  }
0x20: {  	[sflag:s8] =	ssyncset.s32 @!p0 $0xFFFFF086;
	s6 =	sadd.s32 @!p0 s3, s7;
	s7 =	simm.s32 @!p0 $0x108  }
0x21: {  	s3 =	sadd.s32 s3, s9;
	s6 =	sadd.s32 @!p0 $0x88, s6;
	s7 =	simm.s32 @p2 $0x1082  }
0x22: {  	[simem:s7], [sflag:s8] =	dma.local @!p0 [hbm:s6], $0xF7A  }
0x23: {  	s9 =	sor.u32 $0xD0000000, s2;
	s6 =	simm.s32 $0x108;
	_ =	swait.ge @!p0 [sflag:s8], $0x0  }
0x24: {  	s3 =	sadd.s32 $0x88, s3;
	s6 =	simm.s32 @!p1 $0x1082;
	[sflag:s4] =	ssyncset.s32 $0xFFFFF086  }
0x25: {  	[simem:s6], [sflag:s4] =	dma.local [hbm:s3], $0xF7A  }
0x26: {  	[smem:$0x3F8B] =	sst s1;
	(tag) =	ssettag s2;
	_ =	strace s9  }
0x27: {  	s1 =	sld [smem:$0x3F9B]  }
0x28: {  	s2 =	sld [smem:$0x3F9C]  }
0x29: {  	s4 =	sld [smem:$0x3F9E]  }
0x2a: {  	p0 =	seq.s32 s5, $0x0;
	s5 =	sld [smem:$0x3F9F]  }
0x2b: {  	s6 =	sld [smem:$0x3FA0]  }
0x2c: {  	s7 =	sld [smem:$0x3FA1]  }
0x2d: {  	s3 =	simm.s32 $0x108;
	s8 =	sld [smem:$0x3FA2]  }
0x2e: {  	s3 =	simm.s32 @!p0 $0x1082;
	s9 =	sld [smem:$0x3FA3]  }
0x2f: {  	lr =	sadd.s32 s0, s3;
	s0 =	sld [smem:$0x3F9A]  }
0x30: {  	s3 =	sld [smem:$0x3F9D]  }
0x31: {  	[smem:$0x3FA6] =	sst s10  }
0x32: {  	s10 =	sld [smem:$0x3FA4];
	_ =	sdelay $0x3  }
0x33: {  	p0 =	seq.s32 s10, $0x1;
	s10 =	sld [smem:$0x3FA6];
	_ =	sdelay $0x3  }
0x34: {  	[smem:$0x3FA6] =	sst s10  }
0x35: {  	s10 =	sld [smem:$0x3FA5];
	_ =	sdelay $0x3  }
0x36: {  	p1 =	seq.s32 s10, $0x1;
	s10 =	sld [smem:$0x3FA6];
	_ =	sdelay $0x3  }
0x37: {  	[smem:$0x3FA6] =	sst s10  }
0x38: {  	s10 =	sld [smem:$0x3FA7]  }
0x39: {  	_ = 	snop;
	(pc) =	sbr.ind lr, $3  }
0x3a: {  	_ = 	snop  }
0x3b: {  	_ = 	snop  }
0x3c: {  	p2 =	seq.s32 s10, $0x1;
	s10 =	sld [smem:$0x3FA6]  }
0x3d: {  	_ =	shalt  }
0x3e: {  	_ =	shalt  }
0x3f: {  	_ =	shalt  }
0x40: {  	_ =	shalt  }
0x41: {  	_ =	shalt  }
0x42: {  	_ =	shalt  }
0x43: {  	_ =	shalt  }
0x44: {  	_ =	shalt  }
0x45: {  	_ =	shalt  }
0x46: {  	_ =	shalt  }
0x47: {  	_ =	shalt  }
0x48: {  	_ =	shalt  }
0x49: {  	_ =	shalt  }
0x4a: {  	_ =	shalt  }
0x4b: {  	_ =	shalt  }
0x4c: {  	_ =	shalt  }
0x4d: {  	_ =	shalt  }
0x4e: {  	_ =	shalt  }
0x4f: {  	_ =	shalt  }
0x50: {  	_ =	shalt  }
0x51: {  	_ =	shalt  }
0x52: {  	_ =	shalt  }
0x53: {  	_ =	shalt  }
0x54: {  	_ =	shalt  }
0x55: {  	_ =	shalt  }
0x56: {  	_ =	shalt  }
0x57: {  	_ =	shalt  }
0x58: {  	_ =	shalt  }
0x59: {  	_ =	shalt  }
0x5a: {  	_ =	shalt  }
0x5b: {  	_ =	shalt  }
0x5c: {  	_ =	shalt  }
0x5d: {  	_ =	shalt  }
0x5e: {  	_ =	shalt  }
0x5f: {  	_ =	shalt  }
0x60: {  	_ =	shalt  }
0x61: {  	_ =	shalt  }
0x62: {  	_ =	shalt  }
0x63: {  	_ =	shalt  }
0x64: {  	_ =	shalt  }
0x65: {  	_ =	shalt  }
0x66: {  	_ =	shalt  }
0x67: {  	_ =	shalt  }
0x68: {  	_ =	shalt  }
0x69: {  	_ =	shalt  }
0x6a: {  	_ =	shalt  }
0x6b: {  	_ =	shalt  }
0x6c: {  	_ =	shalt  }
0x6d: {  	_ =	shalt  }
0x6e: {  	_ =	shalt  }
0x6f: {  	_ =	shalt  }
0x70: {  	_ =	shalt  }
0x71: {  	_ =	shalt  }
0x72: {  	_ =	shalt  }
0x73: {  	_ =	shalt  }
0x74: {  	_ =	shalt  }
0x75: {  	_ =	shalt  }
0x76: {  	_ =	shalt  }
0x77: {  	_ =	shalt  }
0x78: {  	_ =	shalt  }
0x79: {  	_ =	shalt  }
0x7a: {  	_ =	shalt  }
0x7b: {  	_ =	shalt  }
0x7c: {  	_ =	shalt  }
0x7d: {  	_ =	shalt  }
0x7e: {  	_ =	shalt  }
0x7f: {  	_ =	shalt  }
0x80: {  	_ =	shalt  }
0x81: {  	_ =	shalt  }
0x82: {  	_ =	shalt  }
0x83: {  	_ =	shalt  }
0x84: {  	_ =	shalt  }
0x85: {  	_ =	shalt  }
0x86: {  	_ =	shalt  }
0x87: {  	_ =	shalt  }
.Lfunc_end0:
.L_simem_size_0:
called_computation.2_lowered:
.L_overlay_start_0:
0x88: {  	s2 =	sld [smem:$0x3FD9]  }
0x89: {  	s3 =	sld [smem:$0x3FFE];
	_ =	sdelay $0x1  }
0x8a: {  	s1 =	srdreg.scid  }
0x8b: {  	s0 =	sand.u32 $0x1, s1  }
0x8c: {  	s17 =	sshll.u32 s0, $0xA;
	s2 =	sadd.s32 s3, s2  }
0x8d: {  	s2 =	sadd.s32 s2, s17  }
0x8e: {  	[smem:$0x3FB2] =	sst s2  }
0x8f: {  	_ = 	snop  }
0x90: {  	(tm) =	ssettm $0x1  }
0x91: {  	s18 =	sld [smem:$0x3FFB];
	_ =	sdelay $0x3  }
0x92: {  	_ =	strace s18  }
0x93: {  	s2 =	sld [smem:$0x3FFC];
	_ =	sdelay $0x3  }
0x94: {  	_ =	strace s2  }
0x95: {  	s2 =	sld [smem:$0x3FFD];
	_ =	sdelay $0x3  }
0x96: {  	_ =	strace s2  }
0x97: {  	_ =	strace $0x8FFFFFFF  }
0x98: {  	s19 =	sld [smem:$0x3FDB];
	_ =	sdelay $0x1  }
0x99: {  	s20 =	simm.s32 $_scs_section_size  }
0x9a: {  	s4 =	simm.s32 $_size__tile_overlayer_lowered;
	s5 =	simm.s32 $_tile_overlayer_lowered  }
0x9b: {  	s6 =	simm.s32 $0x1BFF;
	s21 =	sshll.u32 s5, $0x1;
	s3 =	sadd.s32 s20, s19  }
0x9c: {  	s22 =	simm.s32 $0x0;
	s4 =	sshll.u32 s4, $0x1;
	s5 =	sadd.s32 s21, s3  }
0x9d: {  	[timem:s22], [sflag:s6] =	dma.local [hbm:s5], s4  }
0x9e: {  	_ =	swait.ge [sflag:s6], s4  }
0x9f: {  	s4 =	ssub.s32 $0x0, s4;
	[sflag:s6] =	ssyncset.done $0x0  }
0xa0: {  	[sflag:s6] =	ssyncadd.s32 s4;
	_ =	sdelay $0x1  }
0xa1: {  	s23 =	simm.s32 $0x1B8B  }
0xa2: {  	_ =	swait.ge [sflag:s23], $0x1  }
0xa3: {  	[sflag:s23] =	ssyncset.done $0x0  }
0xa4: {  	[sflag:s23] =	ssyncadd.s32 $0xFFFFFFFF  }
0xa5: {  	s4 =	sld [smem:$0x0]  }
0xa6: {  	s5 =	sand.u32 $0xFFFFFFFE, s1  }
0xa7: {  	p0 =	sne.s32 s1, s5  }
0xa8: {  	s5 =	sshll.u32 @p0 s5, $0xE  }
0xa9: {  	s5 =	sadd.s32 @p0 $0x11B8D, s5;
	s6 =	sshll.u32 @p0 s4, $0x11  }
0xaa: {  	s5 =	sor.u32 @p0 s6, s5  }
0xab: {  	[sflag:s5] =	ssyncadd.remote.s32 @p0 $0x1;
	_ =	sdelay $0x1  }
0xac: {  	s5 =	simm.s32 @p0 $0x1B8D  }
0xad: {  	_ =	swait.eq @p0 [sflag:s5], $0x1  }
0xae: {  	[sflag:s5] =	ssyncadd.s32 @p0 $0xFFFFFFFF  }
0xaf: {  	s6 =	sshll.u32 @!p0 s1, $0xE  }
0xb0: {  	s6 =	sor.u32 @!p0 $0x4000, s6;
	s5 =	simm.s32 @!p0 $0x1B8D  }
0xb1: {  	s4 =	sshll.u32 @!p0 s4, $0x11;
	s6 =	sadd.s32 @!p0 $0x11B8D, s6;
	_ =	swait.eq @!p0 [sflag:s5], $0x1  }
0xb2: {  	s4 =	sor.u32 @!p0 s4, s6;
	[sflag:s5] =	ssyncadd.s32 @!p0 $0xFFFFFFFF  }
0xb3: {  	s25 =	simm.s32 $0x1B8E;
	s24 =	sld [smem:$0x3FFE];
	[sflag:s4] =	ssyncadd.remote.s32 @!p0 $0x1  }
0xb4: {  	s26 =	simm.s32 $execute0_lowered;
	[smem:$0x3FD2] =	sst s25  }
0xb5: {  	s5 =	sshll.u32 s26, $0x1;
	_ =	strace $0x80000049;
	[dreg:$0x1] =	wrdreg $0xFFFFFFFF  }
0xb6: {  	s28 =	simm.s32 $_size_execute0_lowered;
	s3 =	sadd.s32 s3, s5;
	[dreg:$0x0] =	wrdreg $0x0  }
0xb7: {  	s5 =	sshll.u32 s28, $0x1;
	[dreg:$0x2] =	wrdreg s3  }
0xb8: {  	[dreg:$0x3] =	wrdreg s5  }
0xb9: {  	[dreg:$0x4] =	wrdreg $0xC0  }
0xba: {  	_ =	task [dreg:s22], $0x5FFFF  }
0xbb: {  	[dreg:$0x1] =	wrdreg $0xFFFFFFFF  }
0xbc: {  	[dreg:$0x0] =	wrdreg $0x60  }
0xbd: {  	[dreg:$0x2] =	wrdreg s24  }
0xbe: {  	[dreg:$0x3] =	wrdreg $0xFE000  }
0xbf: {  	[dreg:$0x4] =	wrdreg $0x9  }
0xc0: {  	_ =	task.clear_ibuf [dreg:s22], $0x5FFFF;
	_ =	strace $0x90000049  }
0xc1: {  	s29 =	simm.s32 $0x9;
	_ =	strace $0x8000004B  }
0xc2: {  	_ =	swait.ge [sflag:s29], $0x1  }
0xc3: {  	[sflag:s29] =	ssyncadd.s32 $0xFFFFFFFF  }
0xc4: {  	_ =	strace $0x9000004B  }
0xc5: {  	_ =	sfence  }
0xc6: {  	s30 =	sld [smem:$0x0];
	_ =	sdelay $0x2  }
0xc7: {  	s31 =	sshll.u32 s1, $0xD;
	s1 =	sshrl.u32 s1, $0x2  }
0xc8: {  	s4 =	sand.u32 $0x4000, s31;
	s1 =	sadd.s32 s1, s30  }
0xc9: {  	s0 =	sor.u32 s4, s0;
	s1 =	sshll.u32 s1, $0x11  }
0xca: {  	s0 =	sor.u32 s1, s0  }
0xcb: {  	s0 =	sadd.s32 $0x8F2B, s0  }
0xcc: {  	[sflag:s0] =	ssyncadd.remote.s32 $0x1  }
0xcd: {  	_ =	sfence.sel $0xFFFF  }
0xce: {  	[dreg:$0x0] =	wrdreg $0xFFFFFFFF;
	(pc) =	sbr.abs _section_cstart, $3  }
0xcf: {  	[dreg:$0x1] =	wrdreg $0xFFFFFFFF  }
0xd0: {  	_ =	task.clear_ibuf [dreg:s22], $0x2FFFF;
	_ =	strace $0x9FFFFFFF  }
0xd1: {  	(tm) =	ssettm $0x7FFFFFFF  }
tec
execute0_lowered:
.L_overlay_start_1:
0x0: {  	(tag) =	ssettag $0x1  }
0x1: {  	s0 =	rddreg [dreg:$0x0]  }
0x2: {  	s1 =	rddreg [dreg:$0x1];
	s2 =	simm.s32 $0x0  }
0x3: {  	s7 =	srdreg.scid;
	s13 =	stileid.u32;
	s16 =	simm.s32 $0x3  }
0x4: {  	s17 =	simm.s32 $0x200;
	s18 =	simm.s32 $0x7D;
	s19 =	simm.s32 $0x400  }
0x5: {  	s20 =	simm.s32 $0x80;
	s21 =	simm.s32 $0x2340;
	s28 =	simm.s32 $0x1  }
0x6: {  	s29 =	simm.s32 $0x280;
	s30 =	simm.s32 $0x300;
	s31 =	simm.s32 $0x380  }
0x7: {  	[smem:$0x7FF] =	sst s2;
	s3 =	sadd.s32 $0xE9200, s0;
	s4 =	sadd.s32 $0x14400, s0  }
0x8: {  	s5 =	sadd.s32 $0x1E400, s0;
	s6 =	sadd.s32 $0xF3200, s0;
	s7 =	sand.u32 $0x1, s7  }
0x9: {  	s10 =	sadd.s32 $0x5200, s0;
	s11 =	smul.u32 $0x27100, s13;
	s24 =	sshll.u32 s13, $0x6  }
0xa: {  	p0 =	sne.s32 s13, $0x0;
	_ =	strace $0x8000004A;
	s8 =	smul.u32 $0x13880, s7  }
0xb: {  	s9 =	ssub.s32 $0x2, s7;
	[dreg:$0x3] =	wrdreg s10;
	s10 =	sor.u32 $0x1C03, s24  }
0xc: {  	s12 =	smul.u32 $0x9C4000, s7;
	s24 =	simm.s32 $0x180;
	s22 =	sshrl.u32 s9, $0x1  }
0xd: {  	s23 =	sshrl.u32 s11, $0x2;
	s11 =	smul.u32 $0x28000, s7;
	s0 =	sadd.s32 s8, s0  }
0xe: {  	s14 =	ssub.s32 s9, s22;
	s8 =	smul.u32 $0x2710, s13;
	s0 =	sadd.s32 $0x364200, s0  }
0xf: {  	s15 =	sadd.s32 s23, s1;
	s25 =	smax.u32 s14, $0x1;
	[dreg:$0x4] =	wrdreg s0  }
0x10: {  	s9 =	smul.u32 $0x2800, s13;
	s26 =	sshrl.u32 s15, $0x3;
	[dreg:$0x5] =	wrdreg s25  }
0x11: {  	s22 =	simm.s32 $0x100;
	s23 =	simm.s32 $0x4280;
	[dreg:$0x6] =	wrdreg s26  }
0x12: {  	s25 =	simm.s32 $0x61C0;
	s26 =	simm.s32 $0x8100;
	s0 =	simm.s32 $0x2  }
.LBB2_1:
0x13: {  	s7 =	rddreg [dreg:$0x3]  }
0x14: {  	s13 =	rddreg [dreg:$0x6]  }
0x15: {  	[spmem:s13], [sflag:s10] =	dma.local [hbm:s7], $0x1388  }
0x16: {  	_ =	swait.ge [sflag:s16], $0x1388  }
0x17: {  	[sflag:s16] =	ssyncset.done $0x0  }
0x18: {  	[sflag:s16] =	ssyncadd.s32 $0xFFFFEC78  }
0x19: {  	s7 =	simm.s32 $0x0;
	[bflag:$0x0] =	sbarrier.arrive $0xFFFF  }
.LBB2_2:
0x1a: {  	s13 =	sshll.u32 s7, $0x9  }
0x1b: {  	s13 =	sadd.s32 s9, s13  }
0x1c: {  	s14 =	sadd.s32 s11, s13  }
0x1d: {  	s14 =	sshrl.u32 s14, $0x3  }
0x1e: {  	s15 =	simm.s32 $0x0;
	s14 =	sadd.s32 s3, s14  }
0x1f: {  	[tilespmem:s15], [sflag:$0x3] =	stream.linear.gather [hbm4b:s14+s15], $0x200, $0x38;
	[tilespmem:$0x19A40] =	vst v63  }
0x20: {  	_ =	swait.ge [sflag:s16], $0x200  }
0x21: {  	s13 =	sshrl.u32 s13, $0x3;
	[sflag:s16] =	ssyncset.done $0x0  }
0x22: {  	s13 =	sadd.s32 s4, s13;
	[sflag:s16] =	ssyncadd.s32 $0xFFFFFE00  }
0x23: {  	[tilespmem:s17], [sflag:$0x3] =	stream.linear.gather [hbm4b:s13+s15], $0x200, $0x38;
	[tilespmem:$0x19A40] =	vst v63  }
0x24: {  	s14 =	smul.u32 $0x1F4, s7;
	_ =	swait.ge [sflag:s16], $0x200  }
0x25: {  	[sflag:s16] =	ssyncset.done $0x0  }
0x26: {  	s13 =	sadd.s32 s8, s14;
	[sflag:s16] =	ssyncadd.s32 $0xFFFFFE00  }
0x27: {  	[tilespmem:s19], [sflag:$0x1] =	stream.indirect.gather [hbm4b:s5+s18], $0x40, s15, s18, $0xb8;
	[tilespmem:$0x19A40] =	vst v63  }
0x28: {  	s13 =	sshll.u32 s13, $0x6  }
0x29: {  	[tilespmem:s21], [sflag:$0x1] =	stream.indirect.gather [hbm4b:s5+s18], $0x40, s20, s18, $0xb8;
	[tilespmem:$0x19A40] =	vst v63  }
0x2a: {  	s13 =	sadd.s32 s12, s13  }
0x2b: {  	[tilespmem:s23], [sflag:$0x1] =	stream.indirect.gather [hbm4b:s5+s18], $0x40, s22, s18, $0xb8;
	[tilespmem:$0x19A40] =	vst v63  }
0x2c: {  	s13 =	sshrl.u32 s13, $0x3  }
0x2d: {  	[tilespmem:s25], [sflag:$0x1] =	stream.indirect.gather [hbm4b:s5+s18], $0x40, s24, s18, $0xb8;
	[tilespmem:$0x19A40] =	vst v63  }
0x2e: {  	s13 =	sadd.s32 s6, s13  }
0x2f: {  	[tilespmem:s26], [sflag:$0x3] =	stream.linear.gather [hbm4b:s13+s15], $0x7D00, $0x38;
	[tilespmem:$0x19A40] =	vst v63  }
0x30: {  	_ =	swait.ge [sflag:s16], $0x7D00  }
0x31: {  	[sflag:s16] =	ssyncset.done $0x0  }
0x32: {  	[sflag:s16] =	ssyncadd.s32 $0xFFFF8300  }
0x33: {  	_ =	swait.ge [sflag:s28], $0x1F40  }
0x34: {  	[sflag:s28] =	ssyncset.done $0x0  }
0x35: {  	[sflag:s28] =	ssyncadd.s32 $0xFFFFE0C0  }
0x36: {  	_ =	swait.ge [sflag:s28], $0x1F40  }
0x37: {  	[sflag:s28] =	ssyncset.done $0x0  }
0x38: {  	[sflag:s28] =	ssyncadd.s32 $0xFFFFE0C0  }
0x39: {  	_ =	swait.ge [sflag:s28], $0x1F40  }
0x3a: {  	[sflag:s28] =	ssyncset.done $0x0  }
0x3b: {  	[sflag:s28] =	ssyncadd.s32 $0xFFFFE0C0  }
0x3c: {  	_ =	swait.ge [sflag:s28], $0x1F40  }
0x3d: {  	[sflag:s28] =	ssyncset.done $0x0  }
0x3e: {  	s13 =	simm.s32 $0x0;
	[sflag:s28] =	ssyncadd.s32 $0xFFFFE0C0  }
0x3f: {  	v2 =	vld [tilespmem:s13+$0x8100]  }
0x40: {  	v3 =	vld [tilespmem:s13+$0x8110]  }
0x41: {  	v1 =	vld [tilespmem:s13+$0x8120]  }
0x42: {  	v0 =	vld [tilespmem:s13+$0x8130]  }
0x43: {  	v4 =	vld [tilespmem:s13+$0x400]  }
0x44: {  	v6 =	vld [tilespmem:s13+$0x410]  }
0x45: {  	s14 =	simm.s32 $0x100;
	v5 =	vld [tilespmem:s13+$0x420]  }
.LBB2_3:
0x46: {  	p1 =	sne.s32 s14, $0x1F300;
	v7 =	vld [tilespmem:s13+$0x430]  }
0x47: {  	s15 =	sshra.s32 s14, $0x2  }
0x48: {  	v4 =	vadd.f32 v2, v4;
	v2 =	vld [tilespmem:s15+$0x8100]  }
0x49: {  	v6 =	vadd.f32 v3, v6;
	v3 =	vld [tilespmem:s15+$0x8110]  }
.Ltmp0:
0x4a: {  	v4 =	vmax.f32 v4, $0.0e+00;
	v5 =	vadd.f32 v1, v5;
	v1 =	vld [tilespmem:s15+$0x8120];
	(pc) =	sbr.rel @p1 .LBB2_3-.Ltmp0, $4  }
0x4b: {  	[tilespmem:s13+$0x400] =	vst v4;
	v6 =	vmax.f32 v6, $0.0e+00;
	v7 =	vadd.f32 v0, v7;
	v0 =	vld [tilespmem:s15+$0x8130]  }
0x4c: {  	v4 =	vld [tilespmem:s15+$0x400];
	[tilespmem:s13+$0x410] =	vst v6;
	v5 =	vmax.f32 v5, $0.0e+00  }
0x4d: {  	v6 =	vld [tilespmem:s15+$0x410];
	[tilespmem:s13+$0x420] =	vst v5;
	v7 =	vmax.f32 v7, $0.0e+00  }
0x4e: {  	s14 =	sadd.s32 $0x100, s14;
	v5 =	vld [tilespmem:s15+$0x420];
	[tilespmem:s13+$0x430] =	vst v7;
	s13 =	smov.u32 s15  }
0x4f: {  	v7 =	vld [tilespmem:s13+$0x430];
	_ =	sdelay $0x1  }
0x50: {  	v2 =	vadd.f32 v2, v4  }
0x51: {  	v3 =	vadd.f32 v3, v6  }
0x52: {  	v2 =	vmax.f32 v2, $0.0e+00;
	v1 =	vadd.f32 v1, v5  }
0x53: {  	[tilespmem:s13+$0x400] =	vst v2;
	v63 =	vmax.f32 v3, $0.0e+00;
	v0 =	vadd.f32 v0, v7  }
0x54: {  	[tilespmem:s13+$0x410] =	vst v63;
	v1 =	vmax.f32 v1, $0.0e+00  }
0x55: {  	[tilespmem:s13+$0x420] =	vst v1;
	v0 =	vmax.f32 v0, $0.0e+00  }
0x56: {  	[tilespmem:s13+$0x430] =	vst v0  }
0x57: {  	[spmem:s1] =	stream.indirect.scatter.add.f32 [tilespmem:s19], [sflag:$0x2], $0x40, s17, s18, $0xb8;
	[tilespmem:$0x19A40] =	vst v63  }
0x58: {  	_ = 	snop  }
0x59: {  	[spmem:s1] =	stream.indirect.scatter.add.f32 [tilespmem:s21], [sflag:$0x2], $0x40, s29, s18, $0xb8;
	[tilespmem:$0x19A40] =	vst v63  }
0x5a: {  	_ = 	snop  }
0x5b: {  	[spmem:s1] =	stream.indirect.scatter.add.f32 [tilespmem:s23], [sflag:$0x2], $0x40, s30, s18, $0xb8;
	[tilespmem:$0x19A40] =	vst v63  }
0x5c: {  	_ = 	snop  }
0x5d: {  	[spmem:s1] =	stream.indirect.scatter.add.f32 [tilespmem:s25], [sflag:$0x2], $0x40, s31, s18, $0xb8;
	[tilespmem:$0x19A40] =	vst v63  }
0x5e: {  	_ =	swait.ge [sflag:s0], $0x1F40  }
0x5f: {  	[sflag:s0] =	ssyncset.done $0x0  }
0x60: {  	[sflag:s0] =	ssyncadd.s32 $0xFFFFE0C0  }
0x61: {  	_ =	swait.ge [sflag:s0], $0x1F40  }
0x62: {  	[sflag:s0] =	ssyncset.done $0x0  }
0x63: {  	s7 =	sadd.s32 $0x1, s7;
	[sflag:s0] =	ssyncadd.s32 $0xFFFFE0C0  }
0x64: {  	p1 =	sne.s32 s7, $0x14;
	_ =	swait.ge [sflag:s0], $0x1F40  }
.Ltmp1:
0x65: {  	[sflag:s0] =	ssyncset.done $0x0;
	(pc) =	sbr.rel @p1 .LBB2_2-.Ltmp1, $4  }
0x66: {  	[sflag:s0] =	ssyncadd.s32 $0xFFFFE0C0  }
0x67: {  	_ =	swait.ge [sflag:s0], $0x1F40  }
0x68: {  	[sflag:s0] =	ssyncset.done $0x0  }
0x69: {  	[sflag:s0] =	ssyncadd.s32 $0xFFFFE0C0  }
0x6a: {  	[bflag:$0x0] =	sbarrier.arrive $0xFFFF  }
0x6b: {  	s7 =	sshrl.u32 @!p0 s1, $0x3;
	s13 =	rddreg [dreg:$0x4]  }
0x6c: {  	[hbm:s13], [sflag:s10] =	dma.local @!p0 [spmem:s7], $0x13880  }
0x6d: {  	s7 =	simm.s32 @!p0 $0x3  }
0x6e: {  	_ =	swait.ge @!p0 [sflag:s7], $0x13880  }
0x6f: {  	s2 =	sadd.s32 $0x1, s2;
	s15 =	rddreg [dreg:$0x5]  }
0x70: {  	p1 =	sne.s32 s2, s15  }
.Ltmp2:
0x71: {  	_ = 	snop;
	(pc) =	sbr.rel @p1 .LBB2_1-.Ltmp2, $3  }
0x72: {  	_ =	sdelay $0x1  }
0x73: {  	[sflag:s7] =	ssyncset.done @!p0 $0x0  }
0x74: {  	[sflag:s7] =	ssyncadd.s32 @!p0 $0xFFFEC780  }
0x75: {  	_ =	sfence.sel $0x180000  }
0x76: {  	[bflag:$0x0] =	sbarrier.arrive $0xFFFF  }
0x77: {  	_ =	strace $0x9000004A  }
0x78: {  	[bflag:$0x2] =	sbarrier.arrive $0xFFFF  }
0x79: {  	s0 =	rddreg [dreg:$0x2]  }
0x7a: {  	s0 =	sadd.s32 @!p0 $0x100000, s0  }
0x7b: {  	[sflag:s0] =	ssyncadd.tile.s32 @!p0 $0x1;
	_ =	shalt  }
.Lfunc_end2:
_tile_overlayer_lowered:
.L_overlay_start_2:
0x7c: {  	(tag) =	ssettag $0x2  }
0x7d: {  	s0 =	rddreg [dreg:$0x0];
	s2 =	stileid.u32  }
0x7e: {  	s1 =	rddreg [dreg:$0x1];
	p0 =	sne.s32 s2, $0x0  }
0x7f: {  	s3 =	rddreg [dreg:$0x2];
	[bflag:$0x3] =	sbarrier.arrive $0xFFFF;
	s2 =	simm.s32 @!p0 $0x1C03  }
0x80: {  	[timem:s3], [sflag:s2] =	dma.local @!p0 [hbm:s0], s1  }
0x81: {  	s0 =	simm.s32 @!p0 $0x3  }
0x82: {  	_ =	swait.ge @!p0 [sflag:s0], s1  }
0x83: {  	s1 =	ssub.s32 @!p0 $0x0, s1;
	[sflag:s0] =	ssyncset.done @!p0 $0x0  }
0x84: {  	[sflag:s0] =	ssyncadd.s32 @!p0 s1  }
0x85: {  	[bflag:$0x3] =	sbarrier.arrive $0xFFFF  }
0x86: {  	_ =	shalt  }

// kernel: kernel.8.cloned.1.call-start
scs
__scs_entry_jumppad:
0x0: {  	(pc) =	sbr.rel $0x88, $3  }
0x1: {  	(tag) =	ssettag $0x0;
	lr =	simm.s32 $0x1  }
0x2: {  	[smem:$0x3F8B] =	sst lr;
	_ =	strace $0xD0000000  }
0x3: {  	_ = 	snop  }
0x4: {  	_ = 	snop  }
0x5: {  	_ = 	snop  }
0x6: {  	_ = 	snop  }
0x7: {  	_ = 	snop  }
__scs_overlays_trampoline_lowered:
0x8: {  	[smem:$0x3F9A] =	sst s0  }
0x9: {  	[smem:$0x3F9B] =	sst s1  }
0xa: {  	[smem:$0x3F9C] =	sst s2  }
0xb: {  	[smem:$0x3F9D] =	sst s3  }
0xc: {  	[smem:$0x3F9E] =	sst s4  }
0xd: {  	[smem:$0x3F9F] =	sst s5  }
0xe: {  	[smem:$0x3FA0] =	sst s6  }
0xf: {  	[smem:$0x3FA1] =	sst s7  }
0x10: {  	[smem:$0x3FA2] =	sst s8  }
0x11: {  	[smem:$0x3FA3] =	sst s9;
	s0 =	simm.s32 @!p0 $0x0  }
0x12: {  	s1 =	sld [smem:$0x3F89];
	s0 =	simm.s32 @p0 $0x1  }
0x13: {  	[smem:$0x3FA4] =	sst s0;
	s0 =	simm.s32 @!p1 $0x0  }
0x14: {  	s2 =	sld [smem:$0x3F88];
	s0 =	simm.s32 @p1 $0x1  }
0x15: {  	[smem:$0x3FA5] =	sst s0;
	s0 =	simm.s32 @!p2 $0x0  }
0x16: {  	s3 =	sld [smem:$0x3FDB];
	s0 =	simm.s32 @p2 $0x1  }
0x17: {  	s4 =	simm.s32 $0x1BF5;
	[smem:$0x3FA7] =	sst s0  }
0x18: {  	s0 =	sld [smem:$0x3F8A];
	_ =	swait.ge [sflag:s4], $0x0  }
0x19: {  	s7 =	sld [smem:$0x3F8B]  }
0x1a: {  	s8 =	sadd.s32 $0xFFFFE003, lr  }
0x1b: {  	s9 =	sadd.s32 $0xFFFFFEF7, lr;
	s5 =	simm.s32 $0xFFFFFFFF;
	p2 =	slt.u32 s8, $0xFFFFF086  }
0x1c: {  	p1 =	slt.u32 s9, $0xF7A;
	s5 =	simm.s32 @!p2 $0x0  }
0x1d: {  	s5 =	simm.s32 @p1 $0x1;
	p0 =	seq.s32 s7, s2  }
0x1e: {  	s7 =	smul.u32 @!p0 $0xF7A, s2;
	p2 =	seq.s32 @!p0 s5, $0x0  }
0x1f: {  	s9 =	smul.u32 $0xF7A, s1;
	s8 =	simm.s32 @!p0 $0x1BF5;
	p2 =	por !p2, p0  }
0x20: {  	[sflag:s8] =	ssyncset.s32 @!p0 $0xFFFFF086;
	s6 =	sadd.s32 @!p0 s3, s7;
	s7 =	simm.s32 @!p0 $0x108  }
0x21: {  	s3 =	sadd.s32 s3, s9;
	s6 =	sadd.s32 @!p0 $0x88, s6;
	s7 =	simm.s32 @p2 $0x1082  }
0x22: {  	[simem:s7], [sflag:s8] =	dma.local @!p0 [hbm:s6], $0xF7A  }
0x23: {  	s9 =	sor.u32 $0xD0000000, s2;
	s6 =	simm.s32 $0x108;
	_ =	swait.ge @!p0 [sflag:s8], $0x0  }
0x24: {  	s3 =	sadd.s32 $0x88, s3;
	s6 =	simm.s32 @!p1 $0x1082;
	[sflag:s4] =	ssyncset.s32 $0xFFFFF086  }
0x25: {  	[simem:s6], [sflag:s4] =	dma.local [hbm:s3], $0xF7A  }
0x26: {  	[smem:$0x3F8B] =	sst s1;
	(tag) =	ssettag s2;
	_ =	strace s9  }
0x27: {  	s1 =	sld [smem:$0x3F9B]  }
0x28: {  	s2 =	sld [smem:$0x3F9C]  }
0x29: {  	s4 =	sld [smem:$0x3F9E]  }
0x2a: {  	p0 =	seq.s32 s5, $0x0;
	s5 =	sld [smem:$0x3F9F]  }
0x2b: {  	s6 =	sld [smem:$0x3FA0]  }
0x2c: {  	s7 =	sld [smem:$0x3FA1]  }
0x2d: {  	s3 =	simm.s32 $0x108;
	s8 =	sld [smem:$0x3FA2]  }
0x2e: {  	s3 =	simm.s32 @!p0 $0x1082;
	s9 =	sld [smem:$0x3FA3]  }
0x2f: {  	lr =	sadd.s32 s0, s3;
	s0 =	sld [smem:$0x3F9A]  }
0x30: {  	s3 =	sld [smem:$0x3F9D]  }
0x31: {  	[smem:$0x3FA6] =	sst s10  }
0x32: {  	s10 =	sld [smem:$0x3FA4];
	_ =	sdelay $0x3  }
0x33: {  	p0 =	seq.s32 s10, $0x1;
	s10 =	sld [smem:$0x3FA6];
	_ =	sdelay $0x3  }
0x34: {  	[smem:$0x3FA6] =	sst s10  }
0x35: {  	s10 =	sld [smem:$0x3FA5];
	_ =	sdelay $0x3  }
0x36: {  	p1 =	seq.s32 s10, $0x1;
	s10 =	sld [smem:$0x3FA6];
	_ =	sdelay $0x3  }
0x37: {  	[smem:$0x3FA6] =	sst s10  }
0x38: {  	s10 =	sld [smem:$0x3FA7]  }
0x39: {  	_ = 	snop;
	(pc) =	sbr.ind lr, $3  }
0x3a: {  	_ = 	snop  }
0x3b: {  	_ = 	snop  }
0x3c: {  	p2 =	seq.s32 s10, $0x1;
	s10 =	sld [smem:$0x3FA6]  }
0x3d: {  	_ =	shalt  }
0x3e: {  	_ =	shalt  }
0x3f: {  	_ =	shalt  }
0x40: {  	_ =	shalt  }
0x41: {  	_ =	shalt  }
0x42: {  	_ =	shalt  }
0x43: {  	_ =	shalt  }
0x44: {  	_ =	shalt  }
0x45: {  	_ =	shalt  }
0x46: {  	_ =	shalt  }
0x47: {  	_ =	shalt  }
0x48: {  	_ =	shalt  }
0x49: {  	_ =	shalt  }
0x4a: {  	_ =	shalt  }
0x4b: {  	_ =	shalt  }
0x4c: {  	_ =	shalt  }
0x4d: {  	_ =	shalt  }
0x4e: {  	_ =	shalt  }
0x4f: {  	_ =	shalt  }
0x50: {  	_ =	shalt  }
0x51: {  	_ =	shalt  }
0x52: {  	_ =	shalt  }
0x53: {  	_ =	shalt  }
0x54: {  	_ =	shalt  }
0x55: {  	_ =	shalt  }
0x56: {  	_ =	shalt  }
0x57: {  	_ =	shalt  }
0x58: {  	_ =	shalt  }
0x59: {  	_ =	shalt  }
0x5a: {  	_ =	shalt  }
0x5b: {  	_ =	shalt  }
0x5c: {  	_ =	shalt  }
0x5d: {  	_ =	shalt  }
0x5e: {  	_ =	shalt  }
0x5f: {  	_ =	shalt  }
0x60: {  	_ =	shalt  }
0x61: {  	_ =	shalt  }
0x62: {  	_ =	shalt  }
0x63: {  	_ =	shalt  }
0x64: {  	_ =	shalt  }
0x65: {  	_ =	shalt  }
0x66: {  	_ =	shalt  }
0x67: {  	_ =	shalt  }
0x68: {  	_ =	shalt  }
0x69: {  	_ =	shalt  }
0x6a: {  	_ =	shalt  }
0x6b: {  	_ =	shalt  }
0x6c: {  	_ =	shalt  }
0x6d: {  	_ =	shalt  }
0x6e: {  	_ =	shalt  }
0x6f: {  	_ =	shalt  }
0x70: {  	_ =	shalt  }
0x71: {  	_ =	shalt  }
0x72: {  	_ =	shalt  }
0x73: {  	_ =	shalt  }
0x74: {  	_ =	shalt  }
0x75: {  	_ =	shalt  }
0x76: {  	_ =	shalt  }
0x77: {  	_ =	shalt  }
0x78: {  	_ =	shalt  }
0x79: {  	_ =	shalt  }
0x7a: {  	_ =	shalt  }
0x7b: {  	_ =	shalt  }
0x7c: {  	_ =	shalt  }
0x7d: {  	_ =	shalt  }
0x7e: {  	_ =	shalt  }
0x7f: {  	_ =	shalt  }
0x80: {  	_ =	shalt  }
0x81: {  	_ =	shalt  }
0x82: {  	_ =	shalt  }
0x83: {  	_ =	shalt  }
0x84: {  	_ =	shalt  }
0x85: {  	_ =	shalt  }
0x86: {  	_ =	shalt  }
0x87: {  	_ =	shalt  }
.Lfunc_end0:
.L_simem_size_0:
called_computation_lowered:
.L_overlay_start_0:
0x88: {  	s2 =	sld [smem:$0x3FD9]  }
0x89: {  	s3 =	sld [smem:$0x3FFE];
	_ =	sdelay $0x1  }
0x8a: {  	s1 =	srdreg.scid  }
0x8b: {  	s0 =	sand.u32 $0x1, s1  }
0x8c: {  	s17 =	sshll.u32 s0, $0xA;
	s2 =	sadd.s32 s3, s2  }
0x8d: {  	s2 =	sadd.s32 s2, s17  }
0x8e: {  	[smem:$0x3FB2] =	sst s2  }
0x8f: {  	_ = 	snop  }
0x90: {  	s2 =	sld [smem:$0x3FD0];
	(tm) =	ssettm $0x1  }
0x91: {  	s18 =	sld [smem:$0x3FFB];
	_ =	sdelay $0x3  }
0x92: {  	_ =	strace s18  }
0x93: {  	s3 =	sld [smem:$0x3FFC];
	_ =	sdelay $0x3  }
0x94: {  	_ =	strace s3  }
0x95: {  	s3 =	sld [smem:$0x3FFD];
	_ =	sdelay $0x3  }
0x96: {  	_ =	strace s3  }
0x97: {  	_ =	strace $0x8FFFFFFF  }
0x98: {  	s19 =	sld [smem:$0x3FDB];
	_ =	sdelay $0x1  }
0x99: {  	s4 =	simm.s32 $_scs_section_size  }
0x9a: {  	s5 =	simm.s32 $_size__tile_overlayer_lowered;
	s6 =	simm.s32 $_tile_overlayer_lowered  }
0x9b: {  	s22 =	simm.s32 $0x1BFF;
	s21 =	sshll.u32 s6, $0x1;
	s3 =	sadd.s32 s4, s19  }
0x9c: {  	s7 =	simm.s32 $0x0;
	s20 =	sshll.u32 s5, $0x1;
	s5 =	sadd.s32 s21, s3  }
0x9d: {  	[timem:s7], [sflag:s22] =	dma.local [hbm:s5], s20  }
0x9e: {  	_ =	swait.ge [sflag:s22], s20  }
0x9f: {  	s4 =	ssub.s32 $0x0, s20;
	[sflag:s22] =	ssyncset.done $0x0  }
0xa0: {  	[sflag:s22] =	ssyncadd.s32 s4;
	_ =	sdelay $0x1  }
0xa1: {  	s23 =	simm.s32 $0x1B8B  }
0xa2: {  	_ =	swait.ge [sflag:s23], $0x1  }
0xa3: {  	[sflag:s23] =	ssyncset.done $0x0  }
0xa4: {  	s25 =	simm.s32 $0x1B8E;
	s24 =	sld [smem:$0x3FFE];
	[sflag:s23] =	ssyncadd.s32 $0xFFFFFFFF  }
0xa5: {  	s26 =	simm.s32 $execute0_lowered;
	[smem:$0x3FD2] =	sst s25  }
0xa6: {  	s5 =	sshll.u32 s26, $0x1;
	_ =	strace $0x80000046;
	[dreg:$0x1] =	wrdreg $0xFFFFFFFF  }
0xa7: {  	s28 =	simm.s32 $_size_execute0_lowered;
	s3 =	sadd.s32 s3, s5;
	[dreg:$0x0] =	wrdreg $0x0  }
0xa8: {  	s5 =	sshll.u32 s28, $0x1;
	[dreg:$0x2] =	wrdreg s3  }
0xa9: {  	[dreg:$0x3] =	wrdreg s5  }
0xaa: {  	[dreg:$0x4] =	wrdreg $0xC0  }
0xab: {  	_ =	task [dreg:s7], $0x5FFFF  }
0xac: {  	[dreg:$0x1] =	wrdreg $0xFFFFFFFF  }
0xad: {  	[dreg:$0x0] =	wrdreg $0x60  }
0xae: {  	[dreg:$0x2] =	wrdreg s24  }
0xaf: {  	[dreg:$0x3] =	wrdreg s2  }
0xb0: {  	[dreg:$0x4] =	wrdreg $0x16DA80  }
0xb1: {  	[dreg:$0x5] =	wrdreg $0xA  }
0xb2: {  	_ =	task.clear_ibuf [dreg:s7], $0x6FFFF;
	_ =	strace $0x90000046  }
0xb3: {  	s29 =	simm.s32 $0xA;
	_ =	strace $0x80000048  }
0xb4: {  	_ =	swait.ge [sflag:s29], $0x1  }
0xb5: {  	[sflag:s29] =	ssyncadd.s32 $0xFFFFFFFF  }
0xb6: {  	_ =	strace $0x90000048  }
0xb7: {  	_ =	sfence  }
0xb8: {  	s30 =	sld [smem:$0x0];
	_ =	sdelay $0x2  }
0xb9: {  	s31 =	sshll.u32 s1, $0xD;
	s1 =	sshrl.u32 s1, $0x2  }
0xba: {  	s3 =	sand.u32 $0x4000, s31;
	s1 =	sadd.s32 s1, s30  }
0xbb: {  	s0 =	sor.u32 s3, s0;
	s1 =	sshll.u32 s1, $0x11  }
0xbc: {  	s0 =	sor.u32 s1, s0  }
0xbd: {  	s0 =	sadd.s32 $0x8F2B, s0  }
0xbe: {  	[sflag:s0] =	ssyncadd.remote.s32 $0x1  }
0xbf: {  	_ =	sfence.sel $0xFFFF  }
0xc0: {  	[dreg:$0x0] =	wrdreg $0xFFFFFFFF;
	(pc) =	sbr.abs _section_cstart, $3  }
0xc1: {  	[dreg:$0x1] =	wrdreg $0xFFFFFFFF  }
0xc2: {  	_ =	task.clear_ibuf [dreg:s7], $0x2FFFF;
	_ =	strace $0x9FFFFFFF  }
0xc3: {  	(tm) =	ssettm $0x7FFFFFFF  }
tec
execute0_lowered:
.L_overlay_start_1:
0x0: {  	(tag) =	ssettag $0x1  }
0x1: {  	s0 =	rddreg [dreg:$0x0]  }
0x2: {  	s12 =	rddreg [dreg:$0x2]  }
0x3: {  	s1 =	simm.s32 $0x0;
	s24 =	srdreg.scid;
	s25 =	stileid.u32  }
0x4: {  	s13 =	simm.s32 $0x163A8;
	s15 =	simm.s32 $0x2;
	s16 =	simm.s32 $0x400  }
0x5: {  	s17 =	simm.s32 $0x7D;
	s18 =	simm.s32 $0xBE8;
	s14 =	simm.s32 $0x4A68  }
0x6: {  	s19 =	simm.s32 $0x61D8;
	s20 =	simm.s32 $0x600;
	s21 =	simm.s32 $0x69A8  }
0x7: {  	s22 =	simm.s32 $0x680;
	s23 =	simm.s32 $0x7178;
	s28 =	simm.s32 $0x8118  }
0x8: {  	s29 =	simm.s32 $0x800;
	s30 =	simm.s32 $0x88E8;
	s31 =	simm.s32 $0x1  }
0x9: {  	[smem:$0x7FF] =	sst s1;
	s4 =	sadd.s32 $0x19400, s0;
	s5 =	sadd.s32 $0x14400, s0  }
0xa: {  	s6 =	sadd.s32 $0xA200, s0;
	s7 =	sadd.s32 $0xBA800, s0;
	s1 =	sand.u32 $0x1, s24  }
0xb: {  	s2 =	sadd.s32 $0x14200, s0;
	s9 =	sadd.s32 $0xBF800, s0;
	p0 =	sne.s32 s25, $0x0  }
0xc: {  	s24 =	simm.s32 $0x700;
	_ =	strace $0x80000047;
	[dreg:$0x4] =	wrdreg s2  }
0xd: {  	s3 =	sshll.u32 s1, $0x4;
	s8 =	smul.u32 $0x1388, s1;
	s1 =	ssub.s32 $0x2, s1  }
0xe: {  	s3 =	sor.u32 s25, s3;
	s11 =	sshrl.u32 s1, $0x1;
	s25 =	simm.s32 $0x7948  }
0xf: {  	s10 =	smul.u32 $0x1388, s3;
	s0 =	sadd.s32 s8, s0;
	s1 =	ssub.s32 s1, s11  }
0x10: {  	v2 =	vlaneseq.u32;
	s11 =	smul.u32 $0x1400, s3;
	s8 =	simm.s32 $0xC768;
	s0 =	sadd.s32 $0xE6A00, s0  }
0x11: {  	v0 =	vimm.f32 $0.0e+00;
	v1 =	vand.u32 $0x7, v2;
	v2 =	vshrl.u32 v2, $0x3;
	s3 =	simm.s32 $0x0;
	s26 =	smax.u32 s1, $0x1;
	[dreg:$0x5] =	wrdreg s0  }
0x12: {  	v3 =	vor.u32 $0x4, v2;
	v4 =	vor.u32 $0x2, v2;
	v5 =	vor.u32 $0x6, v2;
	[dreg:$0x6] =	wrdreg s26;
	s26 =	simm.s32 $0x780;
	s0 =	simm.s32 $0xA828  }
.LBB2_1:
0x13: {  	s1 =	simm.s32 $0x40;
	s2 =	simm.s32 $0x0  }
.LBB2_2:
0x14: {  	p1 =	sne.s32 s1, $0x270C0;
	[tilespmem:s2+$0xC768] =	vst v0;
	s2 =	smov.u32 s1;
	s1 =	sadd.s32 $0x40, s1  }
.Ltmp0:
0x15: {  	(pc) =	sbr.rel @p1 .LBB2_2-.Ltmp0, $2  }
0x16: {  	_ =	sdelay $0x2  }
0x17: {  	s2 =	sshra.s32 s2, $0x2  }
0x18: {  	[dreg:$0x7] =	wrdreg s3  }
0x19: {  	[tilespmem:s2+$0xC768] =	vst v0;
	s1 =	simm.s32 $0x0;
	s3 =	rddreg [dreg:$0x4]  }
0x1a: {  	[tilespmem:s13], [sflag:$0x2] =	stream.linear.gather [hbm4b:s3+s1], $0xA00, $0x38;
	[tilespmem:$0x17770] =	vst v63  }
0x1b: {  	_ =	swait.ge [sflag:s15], $0xA00  }
0x1c: {  	[sflag:s15] =	ssyncset.done $0x0  }
0x1d: {  	s1 =	simm.s32 @!p0 $0xC768;
	[sflag:s15] =	ssyncadd.s32 $0xFFFFF600  }
0x1e: {  	[spmem:s12] =	stream.linear.scatter @!p0 [tilespmem:s1], [sflag:$0x2], $0x9C40, $0x38;
	[tilespmem:$0x17770] =	vst v63  }
0x1f: {  	s1 =	simm.s32 @!p0 $0x2  }
0x20: {  	_ =	swait.ge @!p0 [sflag:s1], $0x9C40  }
0x21: {  	[sflag:s1] =	ssyncset.done @!p0 $0x0  }
0x22: {  	[sflag:s1] =	ssyncadd.s32 @!p0 $0xFFFF63C0  }
0x23: {  	s13 =	simm.s32 $0x0;
	s12 =	simm.s32 $0x0;
	[bflag:$0x0] =	sbarrier.arrive $0xFFFF  }
.LBB2_4:
0x24: {  	s1 =	sshll.u32 s13, $0xA  }
0x25: {  	s1 =	sadd.s32 s11, s1  }
0x26: {  	s1 =	sshrl.u32 s1, $0x3  }
0x27: {  	s2 =	sadd.s32 s4, s1  }
0x28: {  	[tilespmem:s12], [sflag:$0x2] =	stream.linear.gather [hbm4b:s2+s12], $0x400, $0x38;
	[tilespmem:$0x17770] =	vst v63  }
0x29: {  	_ =	swait.ge [sflag:s15], $0x400  }
0x2a: {  	[sflag:s15] =	ssyncset.done $0x0  }
0x2b: {  	s1 =	sadd.s32 s5, s1;
	[sflag:s15] =	ssyncadd.s32 $0xFFFFFC00  }
0x2c: {  	[tilespmem:s16], [sflag:$0x2] =	stream.linear.gather [hbm4b:s1+s12], $0x400, $0x38;
	[tilespmem:$0x17770] =	vst v63  }
0x2d: {  	_ =	swait.ge [sflag:s15], $0x400  }
0x2e: {  	[sflag:s15] =	ssyncset.done $0x0  }
0x2f: {  	[sflag:s15] =	ssyncadd.s32 $0xFFFFFC00  }
0x30: {  	[tilespmem:s18], [sflag:$0x1] =	stream.indirect.gather [hbm4b:s7+s17], $0x10, s12, s17, $0xb8;
	[tilespmem:$0x17770] =	vst v63  }
0x31: {  	s3 =	simm.s32 $0x13B8;
	s2 =	simm.s32 $0x80  }
0x32: {  	[tilespmem:s3], [sflag:$0x1] =	stream.indirect.gather [hbm4b:s7+s17], $0x10, s2, s17, $0xb8;
	[tilespmem:$0x17770] =	vst v63  }
0x33: {  	s2 =	simm.s32 $0x100;
	s3 =	simm.s32 $0x1B88  }
0x34: {  	[tilespmem:s3], [sflag:$0x1] =	stream.indirect.gather [hbm4b:s7+s17], $0x10, s2, s17, $0xb8;
	[tilespmem:$0x17770] =	vst v63  }
0x35: {  	s2 =	simm.s32 $0x180;
	s3 =	simm.s32 $0x2358  }
0x36: {  	[tilespmem:s3], [sflag:$0x1] =	stream.indirect.gather [hbm4b:s7+s17], $0x10, s2, s17, $0xb8;
	[tilespmem:$0x17770] =	vst v63  }
0x37: {  	s2 =	simm.s32 $0x200;
	s3 =	simm.s32 $0x2B28  }
0x38: {  	[tilespmem:s3], [sflag:$0x1] =	stream.indirect.gather [hbm4b:s7+s17], $0x10, s2, s17, $0xb8;
	[tilespmem:$0x17770] =	vst v63  }
0x39: {  	s2 =	simm.s32 $0x280;
	s3 =	simm.s32 $0x32F8  }
0x3a: {  	[tilespmem:s3], [sflag:$0x1] =	stream.indirect.gather [hbm4b:s7+s17], $0x10, s2, s17, $0xb8;
	[tilespmem:$0x17770] =	vst v63  }
0x3b: {  	s2 =	simm.s32 $0x300;
	s3 =	simm.s32 $0x3AC8  }
0x3c: {  	[tilespmem:s3], [sflag:$0x1] =	stream.indirect.gather [hbm4b:s7+s17], $0x10, s2, s17, $0xb8;
	[tilespmem:$0x17770] =	vst v63  }
0x3d: {  	s2 =	simm.s32 $0x380;
	s3 =	simm.s32 $0x4298  }
0x3e: {  	[tilespmem:s3], [sflag:$0x1] =	stream.indirect.gather [hbm4b:s7+s17], $0x10, s2, s17, $0xb8;
	[tilespmem:$0x17770] =	vst v63  }
0x3f: {  	_ = 	snop  }
0x40: {  	[tilespmem:s14], [sflag:$0x1] =	stream.indirect.gather [hbm4b:s7+s17], $0x10, s16, s17, $0xb8;
	[tilespmem:$0x17770] =	vst v63  }
0x41: {  	s2 =	simm.s32 $0x480;
	s3 =	simm.s32 $0x5238  }
0x42: {  	[tilespmem:s3], [sflag:$0x1] =	stream.indirect.gather [hbm4b:s7+s17], $0x10, s2, s17, $0xb8;
	[tilespmem:$0x17770] =	vst v63  }
0x43: {  	s2 =	simm.s32 $0x500;
	s3 =	simm.s32 $0x5A08  }
0x44: {  	[tilespmem:s3], [sflag:$0x1] =	stream.indirect.gather [hbm4b:s7+s17], $0x10, s2, s17, $0xb8;
	[tilespmem:$0x17770] =	vst v63  }
0x45: {  	s3 =	simm.s32 $0x580  }
0x46: {  	[tilespmem:s19], [sflag:$0x1] =	stream.indirect.gather [hbm4b:s7+s17], $0x10, s3, s17, $0xb8;
	[tilespmem:$0x17770] =	vst v63  }
0x47: {  	_ = 	snop  }
0x48: {  	[tilespmem:s21], [sflag:$0x1] =	stream.indirect.gather [hbm4b:s7+s17], $0x10, s20, s17, $0xb8;
	[tilespmem:$0x17770] =	vst v63  }
0x49: {  	s2 =	smul.u32 $0x3E8, s13  }
0x4a: {  	[tilespmem:s23], [sflag:$0x1] =	stream.indirect.gather [hbm4b:s7+s17], $0x10, s22, s17, $0xb8;
	[tilespmem:$0x17770] =	vst v63  }
0x4b: {  	s2 =	sadd.s32 s10, s2  }
0x4c: {  	[tilespmem:s25], [sflag:$0x1] =	stream.indirect.gather [hbm4b:s7+s17], $0x10, s24, s17, $0xb8;
	[tilespmem:$0x17770] =	vst v63  }
0x4d: {  	s1 =	sshrl.u32 s2, $0x3  }
0x4e: {  	[tilespmem:s28], [sflag:$0x1] =	stream.indirect.gather [hbm4b:s7+s17], $0x10, s26, s17, $0xb8;
	[tilespmem:$0x17770] =	vst v63  }
0x4f: {  	s1 =	sadd.s32 s6, s1  }
0x50: {  	[tilespmem:s29], [sflag:$0x2] =	stream.linear.gather [hbm4b:s1+s12], $0x3E8, $0x38;
	[tilespmem:$0x17770] =	vst v63  }
0x51: {  	_ =	swait.ge [sflag:s15], $0x3E8  }
0x52: {  	[sflag:s15] =	ssyncset.done $0x0  }
0x53: {  	[sflag:s15] =	ssyncadd.s32 $0xFFFFFC18  }
0x54: {  	s3 =	rddreg [dreg:$0x1]  }
0x55: {  	s1 =	sadd.s32 s3, s2  }
0x56: {  	[tilespmem:s30], [sflag:$0x2] =	stream.linear.gather [hbm4b:s1+s12], $0x1F40, $0x38;
	[tilespmem:$0x17770] =	vst v63  }
0x57: {  	_ =	swait.ge [sflag:s15], $0x1F40  }
0x58: {  	[sflag:s15] =	ssyncset.done $0x0  }
0x59: {  	[sflag:s15] =	ssyncadd.s32 $0xFFFFE0C0  }
0x5a: {  	_ =	swait.ge [sflag:s31], $0x7D0  }
0x5b: {  	[sflag:s31] =	ssyncset.done $0x0  }
0x5c: {  	[sflag:s31] =	ssyncadd.s32 $0xFFFFF830  }
0x5d: {  	_ =	swait.ge [sflag:s31], $0x7D0  }
0x5e: {  	[sflag:s31] =	ssyncset.done $0x0  }
0x5f: {  	[sflag:s31] =	ssyncadd.s32 $0xFFFFF830  }
0x60: {  	_ =	swait.ge [sflag:s31], $0x7D0  }
0x61: {  	[sflag:s31] =	ssyncset.done $0x0  }
0x62: {  	[sflag:s31] =	ssyncadd.s32 $0xFFFFF830  }
0x63: {  	_ =	swait.ge [sflag:s31], $0x7D0  }
0x64: {  	[sflag:s31] =	ssyncset.done $0x0  }
0x65: {  	[sflag:s31] =	ssyncadd.s32 $0xFFFFF830  }
0x66: {  	_ =	swait.ge [sflag:s31], $0x7D0  }
0x67: {  	[sflag:s31] =	ssyncset.done $0x0  }
0x68: {  	[sflag:s31] =	ssyncadd.s32 $0xFFFFF830  }
0x69: {  	_ =	swait.ge [sflag:s31], $0x7D0  }
0x6a: {  	[sflag:s31] =	ssyncset.done $0x0  }
0x6b: {  	[sflag:s31] =	ssyncadd.s32 $0xFFFFF830  }
0x6c: {  	_ =	swait.ge [sflag:s31], $0x7D0  }
0x6d: {  	[sflag:s31] =	ssyncset.done $0x0  }
0x6e: {  	[sflag:s31] =	ssyncadd.s32 $0xFFFFF830  }
0x6f: {  	_ =	swait.ge [sflag:s31], $0x7D0  }
0x70: {  	[sflag:s31] =	ssyncset.done $0x0  }
0x71: {  	[sflag:s31] =	ssyncadd.s32 $0xFFFFF830  }
0x72: {  	_ =	swait.ge [sflag:s31], $0x7D0  }
0x73: {  	[sflag:s31] =	ssyncset.done $0x0  }
0x74: {  	[sflag:s31] =	ssyncadd.s32 $0xFFFFF830  }
0x75: {  	_ =	swait.ge [sflag:s31], $0x7D0  }
0x76: {  	[sflag:s31] =	ssyncset.done $0x0  }
0x77: {  	[sflag:s31] =	ssyncadd.s32 $0xFFFFF830  }
0x78: {  	_ =	swait.ge [sflag:s31], $0x7D0  }
0x79: {  	[sflag:s31] =	ssyncset.done $0x0  }
0x7a: {  	[sflag:s31] =	ssyncadd.s32 $0xFFFFF830  }
0x7b: {  	_ =	swait.ge [sflag:s31], $0x7D0  }
0x7c: {  	[sflag:s31] =	ssyncset.done $0x0  }
0x7d: {  	[sflag:s31] =	ssyncadd.s32 $0xFFFFF830  }
0x7e: {  	_ =	swait.ge [sflag:s31], $0x7D0  }
0x7f: {  	[sflag:s31] =	ssyncset.done $0x0  }
0x80: {  	[sflag:s31] =	ssyncadd.s32 $0xFFFFF830  }
0x81: {  	_ =	swait.ge [sflag:s31], $0x7D0  }
0x82: {  	[sflag:s31] =	ssyncset.done $0x0  }
0x83: {  	v6 =	vor.u32 s12, v1;
	[sflag:s31] =	ssyncadd.s32 $0xFFFFF830  }
0x84: {  	v7 =	vshll.u32 v6, $0x4;
	_ =	swait.ge [sflag:s31], $0x7D0  }
0x85: {  	v8 =	vor.u32 v2, v7;
	[sflag:s31] =	ssyncset.done $0x0  }
0x86: {  	v9 =	vor.u32 v3, v7;
	[sflag:s31] =	ssyncadd.s32 $0xFFFFF830  }
0x87: {  	v10 =	vshll.u32 v6, $0x3;
	_ =	swait.ge [sflag:s31], $0x7D0  }
0x88: {  	v11 =	vor.u32 v2, v10;
	[sflag:s31] =	ssyncset.done $0x0  }
0x89: {  	[sflag:s31] =	ssyncadd.s32 $0xFFFFF830  }
0x8a: {  	v8 =	vld.idx.msk [tilespmem:v8+s18+$0x0], $0xffff  }
0x8b: {  	v9 =	vld.idx.msk [tilespmem:v9+s14+$0x0], $0xffff;
	_ =	sdelay $0x1  }
0x8c: {  	v12 =	vld.idx.msk [tilespmem:v11+s30+$0x0], $0xffff;
	_ =	sdelay $0x2  }
0x8d: {  	v8 =	vadd.f32 v9, v8;
	_ =	sdelay $0x1  }
0x8e: {  	v8 =	vadd.f32 v12, v8;
	_ =	sdelay $0x1  }
0x8f: {  	v9 =	vmul.f32 $2.000000030e-01, v8;
	_ =	sdelay $0x1  }
0x90: {  	v8 =	vmax.f32 v8, v9  }
0x91: {  	v8 =	vmul.f32 $1.442695020e+00, v8;
	_ =	sdelay $0x1  }
0x92: {  	v6 =	vld.idx.msk [tilespmem:v6+s29+$0x0], $0xffff;
	(erf) = vpow2.f32 v8;
	_ =	sdelay $0x4  }
0x93: {  	v12 =	vshll.u32 v6, $0x2  }
0x94: {  	v6 =	vor.u32 v2, v12  }
0x95: {  	v9 =	vor.u32 v4, v7  }
0x96: {  	v7 =	vor.u32 v5, v7  }
0x97: {  	v13 =	vpop (erf)  }
0x98: {  	v8 =	vor.u32 v4, v10;
	[tilespmem:v11+s0+$0x0] =	vst.idx.msk $0xffff, v13  }
0x99: {  	[tilespmem:v6+s8+$0x0] =	vst.idx.add.f32.msk $0xffff, v13  }
0x9a: {  	v6 =	vld.idx.msk [tilespmem:v9+s18+$0x0], $0xffff  }
0x9b: {  	v7 =	vld.idx.msk [tilespmem:v7+s14+$0x0], $0xffff;
	_ =	sdelay $0x1  }
0x9c: {  	v9 =	vld.idx.msk [tilespmem:v8+s30+$0x0], $0xffff;
	_ =	sdelay $0x2  }
0x9d: {  	v6 =	vadd.f32 v7, v6;
	_ =	sdelay $0x1  }
0x9e: {  	v6 =	vadd.f32 v9, v6;
	_ =	sdelay $0x1  }
0x9f: {  	v7 =	vmul.f32 $2.000000030e-01, v6;
	_ =	sdelay $0x1  }
0xa0: {  	v6 =	vmax.f32 v6, v7  }
0xa1: {  	v6 =	vmul.f32 $1.442695020e+00, v6;
	_ =	sdelay $0x1  }
0xa2: {  	(erf) = vpow2.f32 v6;
	_ =	sdelay $0x2  }
0xa3: {  	s3 =	simm.s32 $0x8  }
0xa4: {  	v9 =	vor.u32 s3, v1  }
0xa5: {  	v11 =	vor.u32 v4, v12;
	v7 =	vshll.u32 v9, $0x4  }
0xa6: {  	s1 =	simm.s32 $0x10;
	v12 =	vor.u32 v2, v7;
	v10 =	vor.u32 v3, v7;
	v6 =	vshll.u32 v9, $0x3  }
.LBB2_5:
0xa7: {  	_ = 	snop  }
0xa8: {  	p1 =	sne.s32 s1, $0x3E0;
	s3 =	smov.u32 s1;
	s1 =	sadd.s32 $0x8, s1  }
0xa9: {  	v13 =	vpop (erf)  }
0xaa: {  	v14 =	vor.u32 v2, v6;
	[tilespmem:v8+s0+$0x0] =	vst.idx.msk $0xffff, v13  }
0xab: {  	[tilespmem:v11+s8+$0x0] =	vst.idx.add.f32.msk $0xffff, v13  }
0xac: {  	v8 =	vld.idx.msk [tilespmem:v12+s18+$0x0], $0xffff  }
0xad: {  	v10 =	vld.idx.msk [tilespmem:v10+s14+$0x0], $0xffff;
	_ =	sdelay $0x1  }
0xae: {  	v11 =	vld.idx.msk [tilespmem:v14+s30+$0x0], $0xffff;
	_ =	sdelay $0x3  }
0xaf: {  	v8 =	vadd.f32 v10, v8;
	_ =	sdelay $0x1  }
0xb0: {  	v8 =	vadd.f32 v11, v8;
	_ =	sdelay $0x1  }
0xb1: {  	v10 =	vmul.f32 $2.000000030e-01, v8;
	_ =	sdelay $0x1  }
0xb2: {  	v8 =	vmax.f32 v8, v10  }
0xb3: {  	v8 =	vmul.f32 $1.442695020e+00, v8  }
0xb4: {  	v9 =	vld.idx.msk [tilespmem:v9+s29+$0x0], $0xffff  }
0xb5: {  	(erf) = vpow2.f32 v8;
	_ =	sdelay $0x4  }
0xb6: {  	v10 =	vshll.u32 v9, $0x2  }
0xb7: {  	v9 =	vor.u32 v2, v10  }
0xb8: {  	v11 =	vor.u32 v4, v7  }
0xb9: {  	v7 =	vor.u32 v5, v7  }
0xba: {  	v12 =	vpop (erf)  }
0xbb: {  	v8 =	vor.u32 v4, v6;
	[tilespmem:v14+s0+$0x0] =	vst.idx.msk $0xffff, v12  }
0xbc: {  	[tilespmem:v9+s8+$0x0] =	vst.idx.add.f32.msk $0xffff, v12  }
0xbd: {  	v6 =	vld.idx.msk [tilespmem:v11+s18+$0x0], $0xffff  }
0xbe: {  	v7 =	vld.idx.msk [tilespmem:v7+s14+$0x0], $0xffff;
	_ =	sdelay $0x1  }
0xbf: {  	v9 =	vld.idx.msk [tilespmem:v8+s30+$0x0], $0xffff;
	_ =	sdelay $0x3  }
0xc0: {  	v6 =	vadd.f32 v7, v6;
	_ =	sdelay $0x1  }
0xc1: {  	v6 =	vadd.f32 v9, v6;
	_ =	sdelay $0x1  }
0xc2: {  	v7 =	vmul.f32 $2.000000030e-01, v6;
	_ =	sdelay $0x1  }
0xc3: {  	v6 =	vmax.f32 v6, v7  }
0xc4: {  	v6 =	vmul.f32 $1.442695020e+00, v6;
	_ =	sdelay $0x1  }
0xc5: {  	(erf) = vpow2.f32 v6;
	_ =	sdelay $0x1  }
.Ltmp1:
0xc6: {  	(pc) =	sbr.rel @p1 .LBB2_5-.Ltmp1, $4  }
0xc7: {  	_ = 	snop  }
0xc8: {  	v9 =	vor.u32 s3, v1  }
0xc9: {  	v11 =	vor.u32 v4, v10;
	v7 =	vshll.u32 v9, $0x4;
	v6 =	vshll.u32 v9, $0x3  }
0xca: {  	v12 =	vor.u32 v2, v7;
	v10 =	vor.u32 v3, v7  }
0xcb: {  	_ =	sdelay $0x2  }
0xcc: {  	v13 =	vpop (erf)  }
0xcd: {  	v14 =	vor.u32 v2, v6;
	[tilespmem:v8+s0+$0x0] =	vst.idx.msk $0xffff, v13  }
0xce: {  	[tilespmem:v11+s8+$0x0] =	vst.idx.add.f32.msk $0xffff, v13  }
0xcf: {  	v8 =	vld.idx.msk [tilespmem:v12+s18+$0x0], $0xffff  }
0xd0: {  	v10 =	vld.idx.msk [tilespmem:v10+s14+$0x0], $0xffff;
	_ =	sdelay $0x1  }
0xd1: {  	v11 =	vld.idx.msk [tilespmem:v14+s30+$0x0], $0xffff;
	_ =	sdelay $0x2  }
0xd2: {  	v8 =	vadd.f32 v10, v8;
	_ =	sdelay $0x1  }
0xd3: {  	v8 =	vadd.f32 v11, v8;
	_ =	sdelay $0x1  }
0xd4: {  	v57 =	vmul.f32 $2.000000030e-01, v8;
	_ =	sdelay $0x1  }
0xd5: {  	v8 =	vmax.f32 v8, v57  }
0xd6: {  	v8 =	vmul.f32 $1.442695020e+00, v8;
	_ =	sdelay $0x1  }
0xd7: {  	v9 =	vld.idx.msk [tilespmem:v9+s29+$0x0], $0xffff;
	(erf) = vpow2.f32 v8;
	_ =	sdelay $0x4  }
0xd8: {  	v58 =	vshll.u32 v9, $0x2  }
0xd9: {  	v9 =	vor.u32 v2, v58  }
0xda: {  	v59 =	vor.u32 v4, v7  }
0xdb: {  	v7 =	vor.u32 v5, v7  }
0xdc: {  	v60 =	vpop (erf)  }
0xdd: {  	v6 =	vor.u32 v4, v6;
	[tilespmem:v14+s0+$0x0] =	vst.idx.msk $0xffff, v60  }
0xde: {  	[tilespmem:v9+s8+$0x0] =	vst.idx.add.f32.msk $0xffff, v60  }
0xdf: {  	v9 =	vld.idx.msk [tilespmem:v59+s18+$0x0], $0xffff  }
0xe0: {  	v7 =	vld.idx.msk [tilespmem:v7+s14+$0x0], $0xffff;
	_ =	sdelay $0x1  }
0xe1: {  	v61 =	vld.idx.msk [tilespmem:v6+s30+$0x0], $0xffff;
	_ =	sdelay $0x2  }
0xe2: {  	v7 =	vadd.f32 v7, v9;
	_ =	sdelay $0x1  }
0xe3: {  	v7 =	vadd.f32 v61, v7;
	_ =	sdelay $0x1  }
0xe4: {  	v62 =	vmul.f32 $2.000000030e-01, v7;
	_ =	sdelay $0x1  }
0xe5: {  	v7 =	vmax.f32 v7, v62  }
0xe6: {  	v7 =	vmul.f32 $1.442695020e+00, v7;
	_ =	sdelay $0x1  }
0xe7: {  	(erf) = vpow2.f32 v7;
	_ =	sdelay $0x5  }
0xe8: {  	v7 =	vor.u32 v4, v58;
	_ =	sdelay $0x2  }
0xe9: {  	s13 =	sadd.s32 $0x1, s13;
	v63 =	vpop (erf)  }
0xea: {  	p1 =	sne.s32 s13, $0x5;
	[tilespmem:v6+s0+$0x0] =	vst.idx.msk $0xffff, v63  }
.Ltmp2:
0xeb: {  	s1 =	sadd.s32 s9, s2;
	s3 =	simm.s32 $0x0;
	[tilespmem:v7+s8+$0x0] =	vst.idx.add.f32.msk $0xffff, v63;
	(pc) =	sbr.rel @p1 .LBB2_4-.Ltmp2, $4  }
0xec: {  	[hbm4b:s1+s3] =	stream.linear.scatter [tilespmem:s0], [sflag:$0x2], $0x1F40, $0x38;
	[tilespmem:$0x17770] =	vst v63  }
0xed: {  	_ =	swait.ge [sflag:s15], $0x1F40  }
0xee: {  	[sflag:s15] =	ssyncset.done $0x0  }
0xef: {  	[sflag:s15] =	ssyncadd.s32 $0xFFFFE0C0  }
0xf0: {  	s12 =	rddreg [dreg:$0x2];
	s13 =	simm.s32 $0x163A8  }
0xf1: {  	[spmem:s12] =	stream.indirect.scatter.add.f32 [tilespmem:s8], [sflag:$0x1], $0x10, s13, s17, $0xb8;
	[tilespmem:$0x17770] =	vst v63  }
0xf2: {  	s1 =	simm.s32 $0x16428;
	s2 =	simm.s32 $0xCF38  }
0xf3: {  	[spmem:s12] =	stream.indirect.scatter.add.f32 [tilespmem:s2], [sflag:$0x1], $0x10, s1, s17, $0xb8;
	[tilespmem:$0x17770] =	vst v63  }
0xf4: {  	s3 =	simm.s32 $0xD708;
	s2 =	simm.s32 $0x164A8  }
0xf5: {  	[spmem:s12] =	stream.indirect.scatter.add.f32 [tilespmem:s3], [sflag:$0x1], $0x10, s2, s17, $0xb8;
	[tilespmem:$0x17770] =	vst v63  }
0xf6: {  	s2 =	simm.s32 $0x16528;
	s3 =	simm.s32 $0xDED8  }
0xf7: {  	[spmem:s12] =	stream.indirect.scatter.add.f32 [tilespmem:s3], [sflag:$0x1], $0x10, s2, s17, $0xb8;
	[tilespmem:$0x17770] =	vst v63  }
0xf8: {  	s2 =	simm.s32 $0x165A8;
	s3 =	simm.s32 $0xE6A8  }
0xf9: {  	[spmem:s12] =	stream.indirect.scatter.add.f32 [tilespmem:s3], [sflag:$0x1], $0x10, s2, s17, $0xb8;
	[tilespmem:$0x17770] =	vst v63  }
0xfa: {  	s2 =	simm.s32 $0x16628;
	s3 =	simm.s32 $0xEE78  }
0xfb: {  	[spmem:s12] =	stream.indirect.scatter.add.f32 [tilespmem:s3], [sflag:$0x1], $0x10, s2, s17, $0xb8;
	[tilespmem:$0x17770] =	vst v63  }
0xfc: {  	s2 =	simm.s32 $0x166A8;
	s3 =	simm.s32 $0xF648  }
0xfd: {  	[spmem:s12] =	stream.indirect.scatter.add.f32 [tilespmem:s3], [sflag:$0x1], $0x10, s2, s17, $0xb8;
	[tilespmem:$0x17770] =	vst v63  }
0xfe: {  	s2 =	simm.s32 $0x16728;
	s3 =	simm.s32 $0xFE18  }
0xff: {  	[spmem:s12] =	stream.indirect.scatter.add.f32 [tilespmem:s3], [sflag:$0x1], $0x10, s2, s17, $0xb8;
	[tilespmem:$0x17770] =	vst v63  }
0x100: {  	s2 =	simm.s32 $0x167A8;
	s3 =	simm.s32 $0x105E8  }
0x101: {  	[spmem:s12] =	stream.indirect.scatter.add.f32 [tilespmem:s3], [sflag:$0x1], $0x10, s2, s17, $0xb8;
	[tilespmem:$0x17770] =	vst v63  }
0x102: {  	s2 =	simm.s32 $0x16828;
	s3 =	simm.s32 $0x10DB8  }
0x103: {  	[spmem:s12] =	stream.indirect.scatter.add.f32 [tilespmem:s3], [sflag:$0x1], $0x10, s2, s17, $0xb8;
	[tilespmem:$0x17770] =	vst v63  }
0x104: {  	s2 =	simm.s32 $0x168A8;
	s3 =	simm.s32 $0x11588  }
0x105: {  	[spmem:s12] =	stream.indirect.scatter.add.f32 [tilespmem:s3], [sflag:$0x1], $0x10, s2, s17, $0xb8;
	[tilespmem:$0x17770] =	vst v63  }
0x106: {  	s2 =	simm.s32 $0x16928;
	s3 =	simm.s32 $0x11D58  }
0x107: {  	[spmem:s12] =	stream.indirect.scatter.add.f32 [tilespmem:s3], [sflag:$0x1], $0x10, s2, s17, $0xb8;
	[tilespmem:$0x17770] =	vst v63  }
0x108: {  	s2 =	simm.s32 $0x169A8;
	s3 =	simm.s32 $0x12528  }
0x109: {  	[spmem:s12] =	stream.indirect.scatter.add.f32 [tilespmem:s3], [sflag:$0x1], $0x10, s2, s17, $0xb8;
	[tilespmem:$0x17770] =	vst v63  }
0x10a: {  	s2 =	simm.s32 $0x16A28;
	s3 =	simm.s32 $0x12CF8  }
0x10b: {  	[spmem:s12] =	stream.indirect.scatter.add.f32 [tilespmem:s3], [sflag:$0x1], $0x10, s2, s17, $0xb8;
	[tilespmem:$0x17770] =	vst v63  }
0x10c: {  	s2 =	simm.s32 $0x16AA8;
	s3 =	simm.s32 $0x134C8  }
0x10d: {  	[spmem:s12] =	stream.indirect.scatter.add.f32 [tilespmem:s3], [sflag:$0x1], $0x10, s2, s17, $0xb8;
	[tilespmem:$0x17770] =	vst v63  }
0x10e: {  	s2 =	simm.s32 $0x16B28;
	s3 =	simm.s32 $0x13C98  }
0x10f: {  	[spmem:s12] =	stream.indirect.scatter.add.f32 [tilespmem:s3], [sflag:$0x1], $0x10, s2, s17, $0xb8;
	[tilespmem:$0x17770] =	vst v63  }
0x110: {  	s2 =	simm.s32 $0x16BA8;
	s3 =	simm.s32 $0x14468  }
0x111: {  	[spmem:s12] =	stream.indirect.scatter.add.f32 [tilespmem:s3], [sflag:$0x1], $0x10, s2, s17, $0xb8;
	[tilespmem:$0x17770] =	vst v63  }
0x112: {  	s2 =	simm.s32 $0x16C28;
	s3 =	simm.s32 $0x14C38  }
0x113: {  	[spmem:s12] =	stream.indirect.scatter.add.f32 [tilespmem:s3], [sflag:$0x1], $0x10, s2, s17, $0xb8;
	[tilespmem:$0x17770] =	vst v63  }
0x114: {  	s2 =	simm.s32 $0x16CA8;
	s3 =	simm.s32 $0x15408  }
0x115: {  	[spmem:s12] =	stream.indirect.scatter.add.f32 [tilespmem:s3], [sflag:$0x1], $0x10, s2, s17, $0xb8;
	[tilespmem:$0x17770] =	vst v63  }
0x116: {  	s2 =	simm.s32 $0x16D28;
	s3 =	simm.s32 $0x15BD8  }
0x117: {  	[spmem:s12] =	stream.indirect.scatter.add.f32 [tilespmem:s3], [sflag:$0x1], $0x10, s2, s17, $0xb8;
	[tilespmem:$0x17770] =	vst v63  }
0x118: {  	_ =	swait.ge [sflag:s31], $0x7D0  }
0x119: {  	[sflag:s31] =	ssyncset.done $0x0  }
0x11a: {  	[sflag:s31] =	ssyncadd.s32 $0xFFFFF830  }
0x11b: {  	_ =	swait.ge [sflag:s31], $0x7D0  }
0x11c: {  	[sflag:s31] =	ssyncset.done $0x0  }
0x11d: {  	[sflag:s31] =	ssyncadd.s32 $0xFFFFF830  }
0x11e: {  	_ =	swait.ge [sflag:s31], $0x7D0  }
0x11f: {  	[sflag:s31] =	ssyncset.done $0x0  }
0x120: {  	[sflag:s31] =	ssyncadd.s32 $0xFFFFF830  }
0x121: {  	_ =	swait.ge [sflag:s31], $0x7D0  }
0x122: {  	[sflag:s31] =	ssyncset.done $0x0  }
0x123: {  	[sflag:s31] =	ssyncadd.s32 $0xFFFFF830  }
0x124: {  	_ =	swait.ge [sflag:s31], $0x7D0  }
0x125: {  	[sflag:s31] =	ssyncset.done $0x0  }
0x126: {  	[sflag:s31] =	ssyncadd.s32 $0xFFFFF830  }
0x127: {  	_ =	swait.ge [sflag:s31], $0x7D0  }
0x128: {  	[sflag:s31] =	ssyncset.done $0x0  }
0x129: {  	[sflag:s31] =	ssyncadd.s32 $0xFFFFF830  }
0x12a: {  	_ =	swait.ge [sflag:s31], $0x7D0  }
0x12b: {  	[sflag:s31] =	ssyncset.done $0x0  }
0x12c: {  	[sflag:s31] =	ssyncadd.s32 $0xFFFFF830  }
0x12d: {  	_ =	swait.ge [sflag:s31], $0x7D0  }
0x12e: {  	[sflag:s31] =	ssyncset.done $0x0  }
0x12f: {  	[sflag:s31] =	ssyncadd.s32 $0xFFFFF830  }
0x130: {  	_ =	swait.ge [sflag:s31], $0x7D0  }
0x131: {  	[sflag:s31] =	ssyncset.done $0x0  }
0x132: {  	[sflag:s31] =	ssyncadd.s32 $0xFFFFF830  }
0x133: {  	_ =	swait.ge [sflag:s31], $0x7D0  }
0x134: {  	[sflag:s31] =	ssyncset.done $0x0  }
0x135: {  	[sflag:s31] =	ssyncadd.s32 $0xFFFFF830  }
0x136: {  	_ =	swait.ge [sflag:s31], $0x7D0  }
0x137: {  	[sflag:s31] =	ssyncset.done $0x0  }
0x138: {  	[sflag:s31] =	ssyncadd.s32 $0xFFFFF830  }
0x139: {  	_ =	swait.ge [sflag:s31], $0x7D0  }
0x13a: {  	[sflag:s31] =	ssyncset.done $0x0  }
0x13b: {  	[sflag:s31] =	ssyncadd.s32 $0xFFFFF830  }
0x13c: {  	_ =	swait.ge [sflag:s31], $0x7D0  }
0x13d: {  	[sflag:s31] =	ssyncset.done $0x0  }
0x13e: {  	[sflag:s31] =	ssyncadd.s32 $0xFFFFF830  }
0x13f: {  	_ =	swait.ge [sflag:s31], $0x7D0  }
0x140: {  	[sflag:s31] =	ssyncset.done $0x0  }
0x141: {  	[sflag:s31] =	ssyncadd.s32 $0xFFFFF830  }
0x142: {  	_ =	swait.ge [sflag:s31], $0x7D0  }
0x143: {  	[sflag:s31] =	ssyncset.done $0x0  }
0x144: {  	[sflag:s31] =	ssyncadd.s32 $0xFFFFF830  }
0x145: {  	_ =	swait.ge [sflag:s31], $0x7D0  }
0x146: {  	[sflag:s31] =	ssyncset.done $0x0  }
0x147: {  	[sflag:s31] =	ssyncadd.s32 $0xFFFFF830  }
0x148: {  	_ =	swait.ge [sflag:s31], $0x7D0  }
0x149: {  	[sflag:s31] =	ssyncset.done $0x0  }
0x14a: {  	[sflag:s31] =	ssyncadd.s32 $0xFFFFF830  }
0x14b: {  	_ =	swait.ge [sflag:s31], $0x7D0  }
0x14c: {  	[sflag:s31] =	ssyncset.done $0x0  }
0x14d: {  	[sflag:s31] =	ssyncadd.s32 $0xFFFFF830  }
0x14e: {  	_ =	swait.ge [sflag:s31], $0x7D0  }
0x14f: {  	[sflag:s31] =	ssyncset.done $0x0  }
0x150: {  	[sflag:s31] =	ssyncadd.s32 $0xFFFFF830  }
0x151: {  	_ =	swait.ge [sflag:s31], $0x7D0  }
0x152: {  	[sflag:s31] =	ssyncset.done $0x0  }
0x153: {  	[sflag:s31] =	ssyncadd.s32 $0xFFFFF830  }
0x154: {  	[bflag:$0x0] =	sbarrier.arrive $0xFFFF  }
0x155: {  	s1 =	sshrl.u32 @!p0 s12, $0x3;
	s2 =	simm.s32 @!p0 $0x1C02;
	s3 =	rddreg [dreg:$0x5]  }
0x156: {  	[hbm:s3], [sflag:s2] =	dma.local @!p0 [spmem:s1], $0x1388  }
0x157: {  	s1 =	simm.s32 @!p0 $0x2  }
0x158: {  	_ =	swait.ge @!p0 [sflag:s1], $0x1388  }
0x159: {  	s2 =	rddreg [dreg:$0x7]  }
0x15a: {  	s3 =	sadd.s32 $0x1, s2;
	s2 =	rddreg [dreg:$0x6]  }
0x15b: {  	p1 =	sne.s32 s3, s2  }
.Ltmp3:
0x15c: {  	_ = 	snop;
	(pc) =	sbr.rel @p1 .LBB2_1-.Ltmp3, $3  }
0x15d: {  	_ =	sdelay $0x1  }
0x15e: {  	[sflag:s1] =	ssyncset.done @!p0 $0x0  }
0x15f: {  	[sflag:s1] =	ssyncadd.s32 @!p0 $0xFFFFEC78  }
0x160: {  	_ =	sfence.sel $0x180000  }
0x161: {  	[bflag:$0x0] =	sbarrier.arrive $0xFFFF  }
0x162: {  	_ =	strace $0x90000047  }
0x163: {  	[bflag:$0x2] =	sbarrier.arrive $0xFFFF  }
0x164: {  	s0 =	rddreg [dreg:$0x3]  }
0x165: {  	s0 =	sadd.s32 @!p0 $0x100000, s0  }
0x166: {  	[sflag:s0] =	ssyncadd.tile.s32 @!p0 $0x1;
	_ =	shalt  }
.Lfunc_end2:
_tile_overlayer_lowered:
.L_overlay_start_2:
0x167: {  	(tag) =	ssettag $0x2  }
0x168: {  	s0 =	rddreg [dreg:$0x0];
	s2 =	stileid.u32  }
0x169: {  	s1 =	rddreg [dreg:$0x1];
	p0 =	sne.s32 s2, $0x0  }
0x16a: {  	s3 =	rddreg [dreg:$0x2];
	[bflag:$0x3] =	sbarrier.arrive $0xFFFF;
	s2 =	simm.s32 @!p0 $0x1C02  }
0x16b: {  	[timem:s3], [sflag:s2] =	dma.local @!p0 [hbm:s0], s1  }
0x16c: {  	s0 =	simm.s32 @!p0 $0x2  }
0x16d: {  	_ =	swait.ge @!p0 [sflag:s0], s1  }
0x16e: {  	s1 =	ssub.s32 @!p0 $0x0, s1;
	[sflag:s0] =	ssyncset.done @!p0 $0x0  }
0x16f: {  	[sflag:s0] =	ssyncadd.s32 @!p0 s1  }
0x170: {  	[bflag:$0x3] =	sbarrier.arrive $0xFFFF  }
0x171: {  	_ =	shalt  }

</sc_bundles>
